<compile_context>
chip_gen: v7x
topology: tpu7x:2x2x1
jax: 0.10.2.dev20260603
libtpu: 0.0.44.dev20260713+nightly
codegen_flags: <defaults>
</compile_context>

<pallas_src>
import functools

import jax
import jax.numpy as jnp
from jax import lax
from jax.experimental import pallas as pl
from jax.experimental.pallas import tpu as pltpu
from jax.experimental.pallas import tpu_sc as plsc

NC = 2
NS = 16
NW = NC * NS
EMB_D = 128

N_NODES = 10000
NPAD = 10240
NPT = NPAD // NS
NCHUNK = 64
NFULL = NPT // NCHUNK

N_EDGES = 320000
ECHUNK = 112
GPW = 15
CPW = GPW * 6
EPAD = NW * CPW * ECHUNK
NBODY = 7


def _sc_body(xp, es, emb, zer, comb_out, h_out,
             nidx, erows_a, erows_b, erows_c,
             sidx_0, didx_0, sidx_1, didx_1,
             comb_sh,
             asem, bsem, isem_0, isem_1,
             gsem_a, gsem_b, gsem_c, ssem_a, ssem_b, ssem_c):
    c = lax.axis_index("c")
    s = lax.axis_index("s")
    w = c * NS + s

    @pl.when(c == 1)
    def _():
        pltpu.sync_copy(zer, erows_a.at[pl.ds(0, NCHUNK)])

        def zloop(j, carry):
            nb = s * NPT + j * NCHUNK
            pltpu.sync_copy(erows_a.at[pl.ds(0, NCHUNK)],
                            comb_sh.at[pl.ds(nb, NCHUNK)])
            return carry
        lax.fori_loop(0, NFULL, zloop, 0)

    abufs = (erows_b, asem), (erows_c, bsem)

    def arows(buf):
        return buf.at[pl.ds(0, NCHUNK)]

    pltpu.sync_copy(xp.at[pl.ds(s * NPT, NCHUNK)], nidx)
    pltpu.async_copy(emb.at[nidx], arows(erows_b), asem)
    for j in range(NFULL):
        rows, sem = abufs[j % 2]
        pltpu.make_async_copy(emb.at[nidx], arows(rows), sem).wait()
        if j + 1 < NFULL:
            nrows, nsem = abufs[(j + 1) % 2]
            pltpu.sync_copy(xp.at[pl.ds(s * NPT + (j + 1) * NCHUNK, NCHUNK)],
                            nidx)
            pltpu.async_copy(emb.at[nidx], arows(nrows), nsem)
        nb = s * NPT + j * NCHUNK
        pltpu.sync_copy(arows(rows), h_out.at[pl.ds(nb, NCHUNK)])

        @pl.when(c == 0)
        def _():
            pltpu.sync_copy(arows(rows), comb_sh.at[pl.ds(nb, NCHUNK)])

    plsc.subcore_barrier()

    gb = w * GPW
    ebufs = ((erows_a, gsem_a, ssem_a),
             (erows_b, gsem_b, ssem_b),
             (erows_c, gsem_c, ssem_c))
    ibufs = ((sidx_0, didx_0, isem_0), (sidx_1, didx_1, isem_1))

    def load_grp(iset, g):
        sidx, didx, isem = ibufs[iset]
        pltpu.async_copy(es.at[0, pl.ds(g * 8, 8)], sidx, isem)
        pltpu.async_copy(es.at[1, pl.ds(g * 8, 8)], didx, isem)

    def wait_grp(iset, g):
        sidx, didx, isem = ibufs[iset]
        pltpu.make_async_copy(es.at[0, pl.ds(g * 8, 8)], sidx, isem).wait()
        pltpu.make_async_copy(es.at[1, pl.ds(g * 8, 8)], didx, isem).wait()

    def start_gather(iset, r, eb):
        erows, gsem, _ = ebufs[eb]
        pltpu.async_copy(h_out.at[ibufs[iset][0].at[r]], erows, gsem)

    def wait_gather(eb):
        erows, gsem, _ = ebufs[eb]
        pltpu.make_async_copy(h_out.at[sidx_0.at[0]], erows, gsem).wait()

    def start_scatter(iset, r, eb):
        erows, _, ssem = ebufs[eb]
        pltpu.async_copy(erows, comb_sh.at[ibufs[iset][1].at[r]], ssem,
                         add=True)

    def wait_scatter(eb):
        erows, _, ssem = ebufs[eb]
        pltpu.make_async_copy(erows, comb_sh.at[didx_0.at[0]], ssem).wait()

    load_grp(0, gb)

    def grp_body(k, carry):
        for j in range(12):
            eb = j % 3
            iset, row = (0, j) if j < 6 else (1, j - 6)
            if j >= 3:
                wait_scatter(eb)
            else:
                @pl.when(k > 0)
                def _():
                    wait_scatter(eb)
            if j == 0:
                wait_grp(0, gb + 2 * k)
            elif j == 2:
                load_grp(1, gb + 2 * k + 1)
            elif j == 6:
                wait_grp(1, gb + 2 * k + 1)
            elif j == 8:
                load_grp(0, gb + 2 * k + 2)
            start_gather(iset, row, eb)
            pb = (j - 1) % 3
            if j >= 1:
                wait_gather(pb)
                piset, prow = (0, j - 1) if j - 1 < 6 else (1, j - 7)
                start_scatter(piset, prow, pb)
            else:
                @pl.when(k > 0)
                def _():
                    wait_gather(pb)
                    start_scatter(1, 5, pb)
        return carry

    lax.fori_loop(0, NBODY, grp_body, 0)
    for j in range(6):
        eb = j % 3
        wait_scatter(eb)
        if j == 0:
            wait_grp(0, gb + 2 * NBODY)
        start_gather(0, j, eb)
        pb = (j - 1) % 3
        wait_gather(pb)
        if j == 0:
            start_scatter(1, 5, pb)
        else:
            start_scatter(0, j - 1, pb)
    wait_gather(2)
    start_scatter(0, 5, 2)
    wait_scatter(0)
    wait_scatter(1)
    wait_scatter(2)
    plsc.subcore_barrier()

    pltpu.sync_copy(comb_sh.at[pl.ds(s * NPT, NPT)],
                    comb_out.at[c, pl.ds(s * NPT, NPT)])


_sc_gnn = functools.partial(
    pl.kernel,
    out_type=(
        jax.ShapeDtypeStruct((NC, NPAD, EMB_D), jnp.float32),
        jax.ShapeDtypeStruct((NPAD, EMB_D), jnp.float32),
    ),
    mesh=plsc.VectorSubcoreMesh(
        core_axis_name="c", subcore_axis_name="s",
        num_cores=NC, num_subcores=NS),
    scratch_types=[
        pltpu.VMEM((NCHUNK,), jnp.int32),
        pltpu.VMEM((ECHUNK, EMB_D), jnp.float32),
        pltpu.VMEM((ECHUNK, EMB_D), jnp.float32),
        pltpu.VMEM((ECHUNK, EMB_D), jnp.float32),
        pltpu.VMEM((8, ECHUNK), jnp.int32),
        pltpu.VMEM((8, ECHUNK), jnp.int32),
        pltpu.VMEM((8, ECHUNK), jnp.int32),
        pltpu.VMEM((8, ECHUNK), jnp.int32),
        pltpu.VMEM_SHARED((NPAD, EMB_D), jnp.float32),
        pltpu.SemaphoreType.DMA,
        pltpu.SemaphoreType.DMA,
        pltpu.SemaphoreType.DMA,
        pltpu.SemaphoreType.DMA,
        pltpu.SemaphoreType.DMA,
        pltpu.SemaphoreType.DMA,
        pltpu.SemaphoreType.DMA,
        pltpu.SemaphoreType.DMA,
        pltpu.SemaphoreType.DMA,
        pltpu.SemaphoreType.DMA,
    ],
)(_sc_body)


BN = 2048
NBLK = NPAD // BN


def _tc_body(comb_ref, wmp_ref, bmp_ref, wcls_ref, bcls_ref, out_ref, acc_ref):
    i = pl.program_id(0)

    @pl.when(i == 0)
    def _():
        acc_ref[...] = jnp.zeros_like(acc_ref)

    cb = comb_ref[...]
    zin = cb[0] + cb[1]
    z = jax.lax.dot(zin, wmp_ref[...],
                    precision=jax.lax.Precision.HIGHEST,
                    preferred_element_type=jnp.float32)
    z = jnp.maximum(z + bmp_ref[...], 0.0)
    rid = i * BN + lax.broadcasted_iota(jnp.int32, (BN, 1), 0)
    z = jnp.where(rid < N_NODES, z, 0.0)
    acc_ref[...] += jnp.sum(z, axis=0, keepdims=True)

    @pl.when(i == NBLK - 1)
    def _():
        hg = acc_ref[...] * (1.0 / N_NODES)
        out_ref[...] = jax.lax.dot(
            hg, wcls_ref[...],
            precision=jax.lax.Precision.HIGHEST,
            preferred_element_type=jnp.float32) + bcls_ref[...]


def _tc_tail(comb, W_mp, b_mp, W_cls, b_cls):
    return pl.pallas_call(
        _tc_body,
        grid=(NBLK,),
        in_specs=[
            pl.BlockSpec((NC, BN, EMB_D), lambda i: (0, i, 0)),
            pl.BlockSpec((128, 128), lambda i: (0, 0)),
            pl.BlockSpec((1, 128), lambda i: (0, 0)),
            pl.BlockSpec((128, 16), lambda i: (0, 0)),
            pl.BlockSpec((1, 16), lambda i: (0, 0)),
        ],
        out_specs=pl.BlockSpec((1, 16), lambda i: (0, 0)),
        out_shape=jax.ShapeDtypeStruct((1, 16), jnp.float32),
        scratch_shapes=[pltpu.VMEM((1, 128), jnp.float32)],
    )(comb, W_mp, b_mp, W_cls, b_cls)


def kernel(x, edge_index, emb, W_mp, b_mp, W_cls, b_cls):
    x = x.astype(jnp.int32)
    pad = jnp.arange(NPAD - N_NODES, dtype=jnp.int32)
    xp = jnp.concatenate([x, pad])
    npe = EPAD - N_EDGES
    pe = jnp.arange(npe, dtype=jnp.int32)
    pads = jnp.stack([pe % N_NODES, N_NODES + pe % (NPAD - N_NODES)])
    es = jnp.concatenate([edge_index, pads], axis=1)
    es = es.reshape(2, NW * GPW, 6, ECHUNK)
    es = jnp.pad(es, ((0, 0), (0, 0), (0, 2), (0, 0)))
    es = es.reshape(2, NW * GPW * 8, ECHUNK)
    zer = jnp.zeros((NCHUNK, EMB_D), dtype=jnp.float32)
    comb, _h = _sc_gnn(xp, es, emb, zer)
    return _tc_tail(comb, W_mp, b_mp.reshape(1, 128), W_cls,
                    b_cls.reshape(1, 16))

# --- scband reference (transcript-rebuilt; emitter-appended) ---
"""Pipeline reference for scband-gnnclassifier-83751862272052 (READ-ONLY COPY).

The authoritative reference and input builder live on the scoring server;
editing this copy changes nothing except your own understanding.
"""

import jax, jax.numpy as jnp
import numpy as np

VOCAB = 100000
EMBED_DIM = 128
HIDDEN_DIM = 128
NUM_CLASSES = 16
N_NODES = 10000
N_EDGES = 320000


def setup_inputs(seed: int = 0) -> dict:
    key = jax.random.key(seed)
    k1, k2, k3, k4, k5, k6, k7 = jax.random.split(key, 7)
    x = jax.random.randint(k1, (N_NODES,), 0, VOCAB, dtype=jnp.int64) if jax.config.jax_enable_x64 else jax.random.randint(k1, (N_NODES,), 0, VOCAB).astype(jnp.int32)
    edge_index = jax.random.randint(k2, (2, N_EDGES), 0, N_NODES).astype(jnp.int32)
    emb = jax.random.normal(k3, (VOCAB, EMBED_DIM), dtype=jnp.float32) * 0.02
    W_mp = jax.random.normal(k4, (EMBED_DIM, HIDDEN_DIM), dtype=jnp.float32) * (1.0 / np.sqrt(EMBED_DIM))
    b_mp = jnp.zeros((HIDDEN_DIM,), dtype=jnp.float32)
    W_cls = jax.random.normal(k5, (HIDDEN_DIM, NUM_CLASSES), dtype=jnp.float32) * (1.0 / np.sqrt(HIDDEN_DIM))
    b_cls = jnp.zeros((NUM_CLASSES,), dtype=jnp.float32)
    return {"x": x, "edge_index": edge_index, "emb": emb, "W_mp": W_mp, "b_mp": b_mp, "W_cls": W_cls, "b_cls": b_cls}


def reference(x, edge_index, emb, W_mp, b_mp, W_cls, b_cls):
    # Embedding lookup: [N] -> [N, embed_dim]
    h = jnp.take(emb, x, axis=0)
    src = edge_index[0]
    dst = edge_index[1]
    # Message passing: gather source features, scatter-add to destination nodes
    msgs = jnp.take(h, src, axis=0)
    agg = jax.ops.segment_sum(msgs, dst, num_segments=h.shape[0])
    # Combine self + aggregated neighbors, linear transform, ReLU
    h2 = jax.nn.relu((h + agg) @ W_mp + b_mp)
    # Global mean pool over nodes -> [1, hidden_dim]
    h_graph = jnp.mean(h2, axis=0, keepdims=True)
    # Classifier head -> [1, num_classes]
    logits = h_graph @ W_cls + b_cls
    return logits

if __name__ == "__main__":
    import jax
    _d = setup_inputs()
    print(jax.jit(kernel)(*tuple(_d.values())))

</pallas_src>

<mosaic_0001>
#map = affine_map<(d0, d1) -> (0)>
#map1 = affine_map<(d0, d1) -> (0, 0, 0)>
#map2 = affine_map<(d0, d1) -> (0, 0)>
module attributes {stable_mosaic.version = 14 : i64} {
  func.func @_sc_body(%arg0: i32, %arg1: i32, %arg2: memref<10240xi32, #tpu.memory_space<hbm>>, %arg3: memref<2x3840x112xi32, #tpu.memory_space<hbm>>, %arg4: memref<100000x128xf32, #tpu.memory_space<hbm>>, %arg5: memref<64x128xf32, #tpu.memory_space<hbm>>, %arg6: memref<2x10240x128xf32, #tpu.memory_space<hbm>>, %arg7: memref<10240x128xf32, #tpu.memory_space<hbm>>, %arg8: memref<64xi32, #tpu.memory_space<vmem>>, %arg9: memref<112x128xf32, #tpu.memory_space<vmem>>, %arg10: memref<112x128xf32, #tpu.memory_space<vmem>>, %arg11: memref<112x128xf32, #tpu.memory_space<vmem>>, %arg12: memref<8x112xi32, #tpu.memory_space<vmem>>, %arg13: memref<8x112xi32, #tpu.memory_space<vmem>>, %arg14: memref<8x112xi32, #tpu.memory_space<vmem>>, %arg15: memref<8x112xi32, #tpu.memory_space<vmem>>, %arg16: memref<10240x128xf32, #tpu.memory_space<vmem_shared>>, %arg17: memref<!tpu.dma_semaphore, #tpu.memory_space<semaphore_mem>>, %arg18: memref<!tpu.dma_semaphore, #tpu.memory_space<semaphore_mem>>, %arg19: memref<!tpu.dma_semaphore, #tpu.memory_space<semaphore_mem>>, %arg20: memref<!tpu.dma_semaphore, #tpu.memory_space<semaphore_mem>>, %arg21: memref<!tpu.dma_semaphore, #tpu.memory_space<semaphore_mem>>, %arg22: memref<!tpu.dma_semaphore, #tpu.memory_space<semaphore_mem>>, %arg23: memref<!tpu.dma_semaphore, #tpu.memory_space<semaphore_mem>>, %arg24: memref<!tpu.dma_semaphore, #tpu.memory_space<semaphore_mem>>, %arg25: memref<!tpu.dma_semaphore, #tpu.memory_space<semaphore_mem>>, %arg26: memref<!tpu.dma_semaphore, #tpu.memory_space<semaphore_mem>>) attributes {dimension_semantics = [#tpu.dimension_semantics<core_parallel>, #tpu.dimension_semantics<subcore_parallel>], iteration_bounds = array<i64: 2, 16>, scalar_prefetch = 0 : i64, scratch_operands = 19 : i64, tpu.core_type = #tpu.core_type<sc_vector_subcore>, window_params = [{transform_indices = #map}, {transform_indices = #map1}, {transform_indices = #map2}, {transform_indices = #map2}, {transform_indices = #map1}, {transform_indices = #map2}]} {
    %mul3A = arith.constant 16 : i32
    %mul3A_0 = arith.muli %arg0, %mul3A : i32
    %add3A = arith.addi %mul3A_0, %arg1 : i32
    %eq3A = arith.constant 1 : i32
    %eq3A_1 = arith.cmpi eq, %arg0, %eq3A : i32
    %convert_element_type3A = arith.extui %eq3A_1 : i1 to i32
    %cond3A = arith.constant 0 : i32
    %cond3A_2 = arith.cmpi ne, %convert_element_type3A, %cond3A : i32
    scf.if %cond3A_2 {
      "tpu.region"() ({
        %run_scoped3A = tpu.sem_alloc : memref<!tpu.dma_semaphore, #tpu.memory_space<semaphore_mem>>
        %dma_start3A_508 = arith.constant 0 : i32
        %dma_start3A_509 = arith.constant 0 : i32
        %dma_start3A_510 = tpu.memref_slice %arg9[%dma_start3A_508, %dma_start3A_509] : memref<112x128xf32, #tpu.memory_space<vmem>> -> memref<64x128xf32, #tpu.memory_space<vmem>>
        %dma_start3A_511 = arith.constant 0 : i32
        %dma_start3A_512 = arith.constant 0 : i32
        %dma_start3A_513 = tpu.memref_slice %arg9[%dma_start3A_511, %dma_start3A_512] : memref<112x128xf32, #tpu.memory_space<vmem>> -> memref<64x128xf32, #tpu.memory_space<vmem>>
        tpu.enqueue_dma source(%arg5 : memref<64x128xf32, #tpu.memory_space<hbm>>) target(%dma_start3A_513 : memref<64x128xf32, #tpu.memory_space<vmem>>) target_semaphore(%run_scoped3A : memref<!tpu.dma_semaphore, #tpu.memory_space<semaphore_mem>>)
        %dma_wait3A_514 = arith.constant 0 : i32
        %dma_wait3A_515 = arith.constant 0 : i32
        %dma_wait3A_516 = tpu.memref_slice %arg9[%dma_wait3A_514, %dma_wait3A_515] : memref<112x128xf32, #tpu.memory_space<vmem>> -> memref<64x128xf32, #tpu.memory_space<vmem>>
        %dma_wait3A_517 = arith.constant 0 : i32
        %dma_wait3A_518 = arith.constant 0 : i32
        %dma_wait3A_519 = tpu.memref_slice %arg9[%dma_wait3A_517, %dma_wait3A_518] : memref<112x128xf32, #tpu.memory_space<vmem>> -> memref<64x128xf32, #tpu.memory_space<vmem>>
        tpu.wait_dma2 semaphore(%run_scoped3A : memref<!tpu.dma_semaphore, #tpu.memory_space<semaphore_mem>>) src(%arg5 : memref<64x128xf32, #tpu.memory_space<hbm>>) dst(%dma_wait3A_519 : memref<64x128xf32, #tpu.memory_space<vmem>>)
        tpu.yield
      }) : () -> ()
      %scan3A_502 = arith.constant 0 : i32
      %scan3A_503 = arith.constant 0 : i32
      %scan3A_504 = arith.constant 10 : i32
      %scan3A_505 = arith.addi %scan3A_503, %scan3A_504 : i32
      %scan3A_506 = arith.constant 1 : i32
      scf.for %scan3A_508 = %scan3A_503 to %scan3A_505 step %scan3A_506  : i32 {
        %mul3A_509 = arith.constant 640 : i32
        %mul3A_510 = arith.muli %arg1, %mul3A_509 : i32
        %mul3A_511 = arith.constant 64 : i32
        %mul3A_512 = arith.muli %scan3A_508, %mul3A_511 : i32
        %add3A_513 = arith.addi %mul3A_510, %mul3A_512 : i32
        "tpu.region"() ({
          %run_scoped3A = tpu.sem_alloc : memref<!tpu.dma_semaphore, #tpu.memory_space<semaphore_mem>>
          %dma_start3A_514 = arith.constant 0 : i32
          %dma_start3A_515 = arith.constant 0 : i32
          %dma_start3A_516 = tpu.memref_slice %arg9[%dma_start3A_514, %dma_start3A_515] : memref<112x128xf32, #tpu.memory_space<vmem>> -> memref<64x128xf32, #tpu.memory_space<vmem>>
          %dma_start3A_517 = arith.constant 0 : i32
          %dma_start3A_518 = tpu.memref_slice %arg16[%add3A_513, %dma_start3A_517] : memref<10240x128xf32, #tpu.memory_space<vmem_shared>> -> memref<64x128xf32, #tpu.memory_space<vmem_shared>>
          %dma_start3A_519 = arith.constant 0 : i32
          %dma_start3A_520 = tpu.memref_slice %arg16[%add3A_513, %dma_start3A_519] : memref<10240x128xf32, #tpu.memory_space<vmem_shared>> -> memref<64x128xf32, #tpu.memory_space<vmem_shared>>
          %dma_start3A_521 = arith.constant 0 : i32
          %dma_start3A_522 = arith.constant 0 : i32
          %dma_start3A_523 = tpu.memref_slice %arg9[%dma_start3A_521, %dma_start3A_522] : memref<112x128xf32, #tpu.memory_space<vmem>> -> memref<64x128xf32, #tpu.memory_space<vmem>>
          tpu.enqueue_dma source(%dma_start3A_523 : memref<64x128xf32, #tpu.memory_space<vmem>>) target(%dma_start3A_520 : memref<64x128xf32, #tpu.memory_space<vmem_shared>>) target_semaphore(%run_scoped3A : memref<!tpu.dma_semaphore, #tpu.memory_space<semaphore_mem>>)
          %dma_wait3A_524 = arith.constant 0 : i32
          %dma_wait3A_525 = arith.constant 0 : i32
          %dma_wait3A_526 = tpu.memref_slice %arg9[%dma_wait3A_524, %dma_wait3A_525] : memref<112x128xf32, #tpu.memory_space<vmem>> -> memref<64x128xf32, #tpu.memory_space<vmem>>
          %dma_wait3A_527 = arith.constant 0 : i32
          %dma_wait3A_528 = tpu.memref_slice %arg16[%add3A_513, %dma_wait3A_527] : memref<10240x128xf32, #tpu.memory_space<vmem_shared>> -> memref<64x128xf32, #tpu.memory_space<vmem_shared>>
          %dma_wait3A_529 = arith.constant 0 : i32
          %dma_wait3A_530 = tpu.memref_slice %arg16[%add3A_513, %dma_wait3A_529] : memref<10240x128xf32, #tpu.memory_space<vmem_shared>> -> memref<64x128xf32, #tpu.memory_space<vmem_shared>>
          %dma_wait3A_531 = arith.constant 0 : i32
          %dma_wait3A_532 = arith.constant 0 : i32
          %dma_wait3A_533 = tpu.memref_slice %arg9[%dma_wait3A_531, %dma_wait3A_532] : memref<112x128xf32, #tpu.memory_space<vmem>> -> memref<64x128xf32, #tpu.memory_space<vmem>>
          tpu.wait_dma2 semaphore(%run_scoped3A : memref<!tpu.dma_semaphore, #tpu.memory_space<semaphore_mem>>) src(%dma_wait3A_533 : memref<64x128xf32, #tpu.memory_space<vmem>>) dst(%dma_wait3A_530 : memref<64x128xf32, #tpu.memory_space<vmem_shared>>)
          tpu.yield
        }) : () -> ()
      }
      %scan3A_507 = arith.constant 10 : i32
    } else {
    }
    %mul3A_3 = arith.constant 640 : i32
    %mul3A_4 = arith.muli %arg1, %mul3A_3 : i32
    "tpu.region"() ({
      %run_scoped3A = tpu.sem_alloc : memref<!tpu.dma_semaphore, #tpu.memory_space<semaphore_mem>>
      %dma_start3A_502 = tpu.memref_slice %arg2[%mul3A_4] : memref<10240xi32, #tpu.memory_space<hbm>> -> memref<64xi32, #tpu.memory_space<hbm>>
      %dma_start3A_503 = tpu.memref_slice %arg2[%mul3A_4] : memref<10240xi32, #tpu.memory_space<hbm>> -> memref<64xi32, #tpu.memory_space<hbm>>
      tpu.enqueue_dma source(%dma_start3A_503 : memref<64xi32, #tpu.memory_space<hbm>>) target(%arg8 : memref<64xi32, #tpu.memory_space<vmem>>) target_semaphore(%run_scoped3A : memref<!tpu.dma_semaphore, #tpu.memory_space<semaphore_mem>>)
      %dma_wait3A_504 = tpu.memref_slice %arg2[%mul3A_4] : memref<10240xi32, #tpu.memory_space<hbm>> -> memref<64xi32, #tpu.memory_space<hbm>>
      %dma_wait3A_505 = tpu.memref_slice %arg2[%mul3A_4] : memref<10240xi32, #tpu.memory_space<hbm>> -> memref<64xi32, #tpu.memory_space<hbm>>
      tpu.wait_dma2 semaphore(%run_scoped3A : memref<!tpu.dma_semaphore, #tpu.memory_space<semaphore_mem>>) src(%dma_wait3A_505 : memref<64xi32, #tpu.memory_space<hbm>>) dst(%arg8 : memref<64xi32, #tpu.memory_space<vmem>>)
      tpu.yield
    }) : () -> ()
    %dma_start3A = arith.constant 0 : i32
    %dma_start3A_5 = arith.constant 0 : i32
    %dma_start3A_6 = tpu.memref_slice %arg10[%dma_start3A, %dma_start3A_5] : memref<112x128xf32, #tpu.memory_space<vmem>> -> memref<64x128xf32, #tpu.memory_space<vmem>>
    %dma_start3A_7 = arith.constant 0 : i32
    %dma_start3A_8 = arith.constant 0 : i32
    %dma_start3A_9 = tpu.memref_slice %arg4[%dma_start3A_7, %dma_start3A_8] : memref<100000x128xf32, #tpu.memory_space<hbm>> -> memref<100000x128xf32, #tpu.memory_space<hbm>>
    tpu.enqueue_indirect_dma source(%dma_start3A_9 : memref<100000x128xf32, #tpu.memory_space<hbm>>) target(%dma_start3A_6 : memref<64x128xf32, #tpu.memory_space<vmem>>) offsets(%arg8 : memref<64xi32, #tpu.memory_space<vmem>>) semaphore(%arg17 : memref<!tpu.dma_semaphore, #tpu.memory_space<semaphore_mem>>)
    %dma_wait3A = arith.constant 0 : i32
    %dma_wait3A_10 = arith.constant 0 : i32
    %dma_wait3A_11 = tpu.memref_slice %arg10[%dma_wait3A, %dma_wait3A_10] : memref<112x128xf32, #tpu.memory_space<vmem>> -> memref<64x128xf32, #tpu.memory_space<vmem>>
    %dma_wait3A_12 = arith.constant 0 : i32
    %dma_wait3A_13 = arith.constant 0 : i32
    %dma_wait3A_14 = tpu.memref_slice %arg4[%dma_wait3A_12, %dma_wait3A_13] : memref<100000x128xf32, #tpu.memory_space<hbm>> -> memref<100000x128xf32, #tpu.memory_space<hbm>>
    tpu.wait_indirect_dma semaphore(%arg17 : memref<!tpu.dma_semaphore, #tpu.memory_space<semaphore_mem>>) src(%dma_wait3A_14 : memref<100000x128xf32, #tpu.memory_space<hbm>>) dst(%dma_wait3A_11 : memref<64x128xf32, #tpu.memory_space<vmem>>)
    %mul3A_15 = arith.constant 640 : i32
    %mul3A_16 = arith.muli %arg1, %mul3A_15 : i32
    %add3A_17 = arith.constant 64 : i32
    %add3A_18 = arith.addi %mul3A_16, %add3A_17 : i32
    "tpu.region"() ({
      %run_scoped3A = tpu.sem_alloc : memref<!tpu.dma_semaphore, #tpu.memory_space<semaphore_mem>>
      %dma_start3A_502 = tpu.memref_slice %arg2[%add3A_18] : memref<10240xi32, #tpu.memory_space<hbm>> -> memref<64xi32, #tpu.memory_space<hbm>>
      %dma_start3A_503 = tpu.memref_slice %arg2[%add3A_18] : memref<10240xi32, #tpu.memory_space<hbm>> -> memref<64xi32, #tpu.memory_space<hbm>>
      tpu.enqueue_dma source(%dma_start3A_503 : memref<64xi32, #tpu.memory_space<hbm>>) target(%arg8 : memref<64xi32, #tpu.memory_space<vmem>>) target_semaphore(%run_scoped3A : memref<!tpu.dma_semaphore, #tpu.memory_space<semaphore_mem>>)
      %dma_wait3A_504 = tpu.memref_slice %arg2[%add3A_18] : memref<10240xi32, #tpu.memory_space<hbm>> -> memref<64xi32, #tpu.memory_space<hbm>>
      %dma_wait3A_505 = tpu.memref_slice %arg2[%add3A_18] : memref<10240xi32, #tpu.memory_space<hbm>> -> memref<64xi32, #tpu.memory_space<hbm>>
      tpu.wait_dma2 semaphore(%run_scoped3A : memref<!tpu.dma_semaphore, #tpu.memory_space<semaphore_mem>>) src(%dma_wait3A_505 : memref<64xi32, #tpu.memory_space<hbm>>) dst(%arg8 : memref<64xi32, #tpu.memory_space<vmem>>)
      tpu.yield
    }) : () -> ()
    %dma_start3A_19 = arith.constant 0 : i32
    %dma_start3A_20 = arith.constant 0 : i32
    %dma_start3A_21 = tpu.memref_slice %arg11[%dma_start3A_19, %dma_start3A_20] : memref<112x128xf32, #tpu.memory_space<vmem>> -> memref<64x128xf32, #tpu.memory_space<vmem>>
    %dma_start3A_22 = arith.constant 0 : i32
    %dma_start3A_23 = arith.constant 0 : i32
    %dma_start3A_24 = tpu.memref_slice %arg4[%dma_start3A_22, %dma_start3A_23] : memref<100000x128xf32, #tpu.memory_space<hbm>> -> memref<100000x128xf32, #tpu.memory_space<hbm>>
    tpu.enqueue_indirect_dma source(%dma_start3A_24 : memref<100000x128xf32, #tpu.memory_space<hbm>>) target(%dma_start3A_21 : memref<64x128xf32, #tpu.memory_space<vmem>>) offsets(%arg8 : memref<64xi32, #tpu.memory_space<vmem>>) semaphore(%arg18 : memref<!tpu.dma_semaphore, #tpu.memory_space<semaphore_mem>>)
    %mul3A_25 = arith.constant 640 : i32
    %mul3A_26 = arith.muli %arg1, %mul3A_25 : i32
    %add3A_27 = arith.constant 0 : i32
    %add3A_28 = arith.addi %mul3A_26, %add3A_27 : i32
    "tpu.region"() ({
      %run_scoped3A = tpu.sem_alloc : memref<!tpu.dma_semaphore, #tpu.memory_space<semaphore_mem>>
      %dma_start3A_502 = arith.constant 0 : i32
      %dma_start3A_503 = arith.constant 0 : i32
      %dma_start3A_504 = tpu.memref_slice %arg10[%dma_start3A_502, %dma_start3A_503] : memref<112x128xf32, #tpu.memory_space<vmem>> -> memref<64x128xf32, #tpu.memory_space<vmem>>
      %dma_start3A_505 = arith.constant 0 : i32
      %dma_start3A_506 = tpu.memref_slice %arg7[%add3A_28, %dma_start3A_505] : memref<10240x128xf32, #tpu.memory_space<hbm>> -> memref<64x128xf32, #tpu.memory_space<hbm>>
      %dma_start3A_507 = arith.constant 0 : i32
      %dma_start3A_508 = tpu.memref_slice %arg7[%add3A_28, %dma_start3A_507] : memref<10240x128xf32, #tpu.memory_space<hbm>> -> memref<64x128xf32, #tpu.memory_space<hbm>>
      %dma_start3A_509 = arith.constant 0 : i32
      %dma_start3A_510 = arith.constant 0 : i32
      %dma_start3A_511 = tpu.memref_slice %arg10[%dma_start3A_509, %dma_start3A_510] : memref<112x128xf32, #tpu.memory_space<vmem>> -> memref<64x128xf32, #tpu.memory_space<vmem>>
      tpu.enqueue_dma source(%dma_start3A_511 : memref<64x128xf32, #tpu.memory_space<vmem>>) target(%dma_start3A_508 : memref<64x128xf32, #tpu.memory_space<hbm>>) target_semaphore(%run_scoped3A : memref<!tpu.dma_semaphore, #tpu.memory_space<semaphore_mem>>)
      %dma_wait3A_512 = arith.constant 0 : i32
      %dma_wait3A_513 = arith.constant 0 : i32
      %dma_wait3A_514 = tpu.memref_slice %arg10[%dma_wait3A_512, %dma_wait3A_513] : memref<112x128xf32, #tpu.memory_space<vmem>> -> memref<64x128xf32, #tpu.memory_space<vmem>>
      %dma_wait3A_515 = arith.constant 0 : i32
      %dma_wait3A_516 = tpu.memref_slice %arg7[%add3A_28, %dma_wait3A_515] : memref<10240x128xf32, #tpu.memory_space<hbm>> -> memref<64x128xf32, #tpu.memory_space<hbm>>
      %dma_wait3A_517 = arith.constant 0 : i32
      %dma_wait3A_518 = tpu.memref_slice %arg7[%add3A_28, %dma_wait3A_517] : memref<10240x128xf32, #tpu.memory_space<hbm>> -> memref<64x128xf32, #tpu.memory_space<hbm>>
      %dma_wait3A_519 = arith.constant 0 : i32
      %dma_wait3A_520 = arith.constant 0 : i32
      %dma_wait3A_521 = tpu.memref_slice %arg10[%dma_wait3A_519, %dma_wait3A_520] : memref<112x128xf32, #tpu.memory_space<vmem>> -> memref<64x128xf32, #tpu.memory_space<vmem>>
      tpu.wait_dma2 semaphore(%run_scoped3A : memref<!tpu.dma_semaphore, #tpu.memory_space<semaphore_mem>>) src(%dma_wait3A_521 : memref<64x128xf32, #tpu.memory_space<vmem>>) dst(%dma_wait3A_518 : memref<64x128xf32, #tpu.memory_space<hbm>>)
      tpu.yield
    }) : () -> ()
    %eq3A_29 = arith.constant 0 : i32
    %eq3A_30 = arith.cmpi eq, %arg0, %eq3A_29 : i32
    %convert_element_type3A_31 = arith.extui %eq3A_30 : i1 to i32
    %cond3A_32 = arith.constant 0 : i32
    %cond3A_33 = arith.cmpi ne, %convert_element_type3A_31, %cond3A_32 : i32
    scf.if %cond3A_33 {
      "tpu.region"() ({
        %run_scoped3A = tpu.sem_alloc : memref<!tpu.dma_semaphore, #tpu.memory_space<semaphore_mem>>
        %dma_start3A_502 = arith.constant 0 : i32
        %dma_start3A_503 = arith.constant 0 : i32
        %dma_start3A_504 = tpu.memref_slice %arg10[%dma_start3A_502, %dma_start3A_503] : memref<112x128xf32, #tpu.memory_space<vmem>> -> memref<64x128xf32, #tpu.memory_space<vmem>>
        %dma_start3A_505 = arith.constant 0 : i32
        %dma_start3A_506 = tpu.memref_slice %arg16[%add3A_28, %dma_start3A_505] : memref<10240x128xf32, #tpu.memory_space<vmem_shared>> -> memref<64x128xf32, #tpu.memory_space<vmem_shared>>
        %dma_start3A_507 = arith.constant 0 : i32
        %dma_start3A_508 = tpu.memref_slice %arg16[%add3A_28, %dma_start3A_507] : memref<10240x128xf32, #tpu.memory_space<vmem_shared>> -> memref<64x128xf32, #tpu.memory_space<vmem_shared>>
        %dma_start3A_509 = arith.constant 0 : i32
        %dma_start3A_510 = arith.constant 0 : i32
        %dma_start3A_511 = tpu.memref_slice %arg10[%dma_start3A_509, %dma_start3A_510] : memref<112x128xf32, #tpu.memory_space<vmem>> -> memref<64x128xf32, #tpu.memory_space<vmem>>
        tpu.enqueue_dma source(%dma_start3A_511 : memref<64x128xf32, #tpu.memory_space<vmem>>) target(%dma_start3A_508 : memref<64x128xf32, #tpu.memory_space<vmem_shared>>) target_semaphore(%run_scoped3A : memref<!tpu.dma_semaphore, #tpu.memory_space<semaphore_mem>>)
        %dma_wait3A_512 = arith.constant 0 : i32
        %dma_wait3A_513 = arith.constant 0 : i32
        %dma_wait3A_514 = tpu.memref_slice %arg10[%dma_wait3A_512, %dma_wait3A_513] : memref<112x128xf32, #tpu.memory_space<vmem>> -> memref<64x128xf32, #tpu.memory_space<vmem>>
        %dma_wait3A_515 = arith.constant 0 : i32
        %dma_wait3A_516 = tpu.memref_slice %arg16[%add3A_28, %dma_wait3A_515] : memref<10240x128xf32, #tpu.memory_space<vmem_shared>> -> memref<64x128xf32, #tpu.memory_space<vmem_shared>>
        %dma_wait3A_517 = arith.constant 0 : i32
        %dma_wait3A_518 = tpu.memref_slice %arg16[%add3A_28, %dma_wait3A_517] : memref<10240x128xf32, #tpu.memory_space<vmem_shared>> -> memref<64x128xf32, #tpu.memory_space<vmem_shared>>
        %dma_wait3A_519 = arith.constant 0 : i32
        %dma_wait3A_520 = arith.constant 0 : i32
        %dma_wait3A_521 = tpu.memref_slice %arg10[%dma_wait3A_519, %dma_wait3A_520] : memref<112x128xf32, #tpu.memory_space<vmem>> -> memref<64x128xf32, #tpu.memory_space<vmem>>
        tpu.wait_dma2 semaphore(%run_scoped3A : memref<!tpu.dma_semaphore, #tpu.memory_space<semaphore_mem>>) src(%dma_wait3A_521 : memref<64x128xf32, #tpu.memory_space<vmem>>) dst(%dma_wait3A_518 : memref<64x128xf32, #tpu.memory_space<vmem_shared>>)
        tpu.yield
      }) : () -> ()
    } else {
    }
    %dma_wait3A_34 = arith.constant 0 : i32
    %dma_wait3A_35 = arith.constant 0 : i32
    %dma_wait3A_36 = tpu.memref_slice %arg11[%dma_wait3A_34, %dma_wait3A_35] : memref<112x128xf32, #tpu.memory_space<vmem>> -> memref<64x128xf32, #tpu.memory_space<vmem>>
    %dma_wait3A_37 = arith.constant 0 : i32
    %dma_wait3A_38 = arith.constant 0 : i32
    %dma_wait3A_39 = tpu.memref_slice %arg4[%dma_wait3A_37, %dma_wait3A_38] : memref<100000x128xf32, #tpu.memory_space<hbm>> -> memref<100000x128xf32, #tpu.memory_space<hbm>>
    tpu.wait_indirect_dma semaphore(%arg18 : memref<!tpu.dma_semaphore, #tpu.memory_space<semaphore_mem>>) src(%dma_wait3A_39 : memref<100000x128xf32, #tpu.memory_space<hbm>>) dst(%dma_wait3A_36 : memref<64x128xf32, #tpu.memory_space<vmem>>)
    %mul3A_40 = arith.constant 640 : i32
    %mul3A_41 = arith.muli %arg1, %mul3A_40 : i32
    %add3A_42 = arith.constant 128 : i32
    %add3A_43 = arith.addi %mul3A_41, %add3A_42 : i32
    "tpu.region"() ({
      %run_scoped3A = tpu.sem_alloc : memref<!tpu.dma_semaphore, #tpu.memory_space<semaphore_mem>>
      %dma_start3A_502 = tpu.memref_slice %arg2[%add3A_43] : memref<10240xi32, #tpu.memory_space<hbm>> -> memref<64xi32, #tpu.memory_space<hbm>>
      %dma_start3A_503 = tpu.memref_slice %arg2[%add3A_43] : memref<10240xi32, #tpu.memory_space<hbm>> -> memref<64xi32, #tpu.memory_space<hbm>>
      tpu.enqueue_dma source(%dma_start3A_503 : memref<64xi32, #tpu.memory_space<hbm>>) target(%arg8 : memref<64xi32, #tpu.memory_space<vmem>>) target_semaphore(%run_scoped3A : memref<!tpu.dma_semaphore, #tpu.memory_space<semaphore_mem>>)
      %dma_wait3A_504 = tpu.memref_slice %arg2[%add3A_43] : memref<10240xi32, #tpu.memory_space<hbm>> -> memref<64xi32, #tpu.memory_space<hbm>>
      %dma_wait3A_505 = tpu.memref_slice %arg2[%add3A_43] : memref<10240xi32, #tpu.memory_space<hbm>> -> memref<64xi32, #tpu.memory_space<hbm>>
      tpu.wait_dma2 semaphore(%run_scoped3A : memref<!tpu.dma_semaphore, #tpu.memory_space<semaphore_mem>>) src(%dma_wait3A_505 : memref<64xi32, #tpu.memory_space<hbm>>) dst(%arg8 : memref<64xi32, #tpu.memory_space<vmem>>)
      tpu.yield
    }) : () -> ()
    %dma_start3A_44 = arith.constant 0 : i32
    %dma_start3A_45 = arith.constant 0 : i32
    %dma_start3A_46 = tpu.memref_slice %arg10[%dma_start3A_44, %dma_start3A_45] : memref<112x128xf32, #tpu.memory_space<vmem>> -> memref<64x128xf32, #tpu.memory_space<vmem>>
    %dma_start3A_47 = arith.constant 0 : i32
    %dma_start3A_48 = arith.constant 0 : i32
    %dma_start3A_49 = tpu.memref_slice %arg4[%dma_start3A_47, %dma_start3A_48] : memref<100000x128xf32, #tpu.memory_space<hbm>> -> memref<100000x128xf32, #tpu.memory_space<hbm>>
    tpu.enqueue_indirect_dma source(%dma_start3A_49 : memref<100000x128xf32, #tpu.memory_space<hbm>>) target(%dma_start3A_46 : memref<64x128xf32, #tpu.memory_space<vmem>>) offsets(%arg8 : memref<64xi32, #tpu.memory_space<vmem>>) semaphore(%arg17 : memref<!tpu.dma_semaphore, #tpu.memory_space<semaphore_mem>>)
    %mul3A_50 = arith.constant 640 : i32
    %mul3A_51 = arith.muli %arg1, %mul3A_50 : i32
    %add3A_52 = arith.constant 64 : i32
    %add3A_53 = arith.addi %mul3A_51, %add3A_52 : i32
    "tpu.region"() ({
      %run_scoped3A = tpu.sem_alloc : memref<!tpu.dma_semaphore, #tpu.memory_space<semaphore_mem>>
      %dma_start3A_502 = arith.constant 0 : i32
      %dma_start3A_503 = arith.constant 0 : i32
      %dma_start3A_504 = tpu.memref_slice %arg11[%dma_start3A_502, %dma_start3A_503] : memref<112x128xf32, #tpu.memory_space<vmem>> -> memref<64x128xf32, #tpu.memory_space<vmem>>
      %dma_start3A_505 = arith.constant 0 : i32
      %dma_start3A_506 = tpu.memref_slice %arg7[%add3A_53, %dma_start3A_505] : memref<10240x128xf32, #tpu.memory_space<hbm>> -> memref<64x128xf32, #tpu.memory_space<hbm>>
      %dma_start3A_507 = arith.constant 0 : i32
      %dma_start3A_508 = tpu.memref_slice %arg7[%add3A_53, %dma_start3A_507] : memref<10240x128xf32, #tpu.memory_space<hbm>> -> memref<64x128xf32, #tpu.memory_space<hbm>>
      %dma_start3A_509 = arith.constant 0 : i32
      %dma_start3A_510 = arith.constant 0 : i32
      %dma_start3A_511 = tpu.memref_slice %arg11[%dma_start3A_509, %dma_start3A_510] : memref<112x128xf32, #tpu.memory_space<vmem>> -> memref<64x128xf32, #tpu.memory_space<vmem>>
      tpu.enqueue_dma source(%dma_start3A_511 : memref<64x128xf32, #tpu.memory_space<vmem>>) target(%dma_start3A_508 : memref<64x128xf32, #tpu.memory_space<hbm>>) target_semaphore(%run_scoped3A : memref<!tpu.dma_semaphore, #tpu.memory_space<semaphore_mem>>)
      %dma_wait3A_512 = arith.constant 0 : i32
      %dma_wait3A_513 = arith.constant 0 : i32
      %dma_wait3A_514 = tpu.memref_slice %arg11[%dma_wait3A_512, %dma_wait3A_513] : memref<112x128xf32, #tpu.memory_space<vmem>> -> memref<64x128xf32, #tpu.memory_space<vmem>>
      %dma_wait3A_515 = arith.constant 0 : i32
      %dma_wait3A_516 = tpu.memref_slice %arg7[%add3A_53, %dma_wait3A_515] : memref<10240x128xf32, #tpu.memory_space<hbm>> -> memref<64x128xf32, #tpu.memory_space<hbm>>
      %dma_wait3A_517 = arith.constant 0 : i32
      %dma_wait3A_518 = tpu.memref_slice %arg7[%add3A_53, %dma_wait3A_517] : memref<10240x128xf32, #tpu.memory_space<hbm>> -> memref<64x128xf32, #tpu.memory_space<hbm>>
      %dma_wait3A_519 = arith.constant 0 : i32
      %dma_wait3A_520 = arith.constant 0 : i32
      %dma_wait3A_521 = tpu.memref_slice %arg11[%dma_wait3A_519, %dma_wait3A_520] : memref<112x128xf32, #tpu.memory_space<vmem>> -> memref<64x128xf32, #tpu.memory_space<vmem>>
      tpu.wait_dma2 semaphore(%run_scoped3A : memref<!tpu.dma_semaphore, #tpu.memory_space<semaphore_mem>>) src(%dma_wait3A_521 : memref<64x128xf32, #tpu.memory_space<vmem>>) dst(%dma_wait3A_518 : memref<64x128xf32, #tpu.memory_space<hbm>>)
      tpu.yield
    }) : () -> ()
    %eq3A_54 = arith.constant 0 : i32
    %eq3A_55 = arith.cmpi eq, %arg0, %eq3A_54 : i32
    %convert_element_type3A_56 = arith.extui %eq3A_55 : i1 to i32
    %cond3A_57 = arith.constant 0 : i32
    %cond3A_58 = arith.cmpi ne, %convert_element_type3A_56, %cond3A_57 : i32
    scf.if %cond3A_58 {
      "tpu.region"() ({
        %run_scoped3A = tpu.sem_alloc : memref<!tpu.dma_semaphore, #tpu.memory_space<semaphore_mem>>
        %dma_start3A_502 = arith.constant 0 : i32
        %dma_start3A_503 = arith.constant 0 : i32
        %dma_start3A_504 = tpu.memref_slice %arg11[%dma_start3A_502, %dma_start3A_503] : memref<112x128xf32, #tpu.memory_space<vmem>> -> memref<64x128xf32, #tpu.memory_space<vmem>>
        %dma_start3A_505 = arith.constant 0 : i32
        %dma_start3A_506 = tpu.memref_slice %arg16[%add3A_53, %dma_start3A_505] : memref<10240x128xf32, #tpu.memory_space<vmem_shared>> -> memref<64x128xf32, #tpu.memory_space<vmem_shared>>
        %dma_start3A_507 = arith.constant 0 : i32
        %dma_start3A_508 = tpu.memref_slice %arg16[%add3A_53, %dma_start3A_507] : memref<10240x128xf32, #tpu.memory_space<vmem_shared>> -> memref<64x128xf32, #tpu.memory_space<vmem_shared>>
        %dma_start3A_509 = arith.constant 0 : i32
        %dma_start3A_510 = arith.constant 0 : i32
        %dma_start3A_511 = tpu.memref_slice %arg11[%dma_start3A_509, %dma_start3A_510] : memref<112x128xf32, #tpu.memory_space<vmem>> -> memref<64x128xf32, #tpu.memory_space<vmem>>
        tpu.enqueue_dma source(%dma_start3A_511 : memref<64x128xf32, #tpu.memory_space<vmem>>) target(%dma_start3A_508 : memref<64x128xf32, #tpu.memory_space<vmem_shared>>) target_semaphore(%run_scoped3A : memref<!tpu.dma_semaphore, #tpu.memory_space<semaphore_mem>>)
        %dma_wait3A_512 = arith.constant 0 : i32
        %dma_wait3A_513 = arith.constant 0 : i32
        %dma_wait3A_514 = tpu.memref_slice %arg11[%dma_wait3A_512, %dma_wait3A_513] : memref<112x128xf32, #tpu.memory_space<vmem>> -> memref<64x128xf32, #tpu.memory_space<vmem>>
        %dma_wait3A_515 = arith.constant 0 : i32
        %dma_wait3A_516 = tpu.memref_slice %arg16[%add3A_53, %dma_wait3A_515] : memref<10240x128xf32, #tpu.memory_space<vmem_shared>> -> memref<64x128xf32, #tpu.memory_space<vmem_shared>>
        %dma_wait3A_517 = arith.constant 0 : i32
        %dma_wait3A_518 = tpu.memref_slice %arg16[%add3A_53, %dma_wait3A_517] : memref<10240x128xf32, #tpu.memory_space<vmem_shared>> -> memref<64x128xf32, #tpu.memory_space<vmem_shared>>
        %dma_wait3A_519 = arith.constant 0 : i32
        %dma_wait3A_520 = arith.constant 0 : i32
        %dma_wait3A_521 = tpu.memref_slice %arg11[%dma_wait3A_519, %dma_wait3A_520] : memref<112x128xf32, #tpu.memory_space<vmem>> -> memref<64x128xf32, #tpu.memory_space<vmem>>
        tpu.wait_dma2 semaphore(%run_scoped3A : memref<!tpu.dma_semaphore, #tpu.memory_space<semaphore_mem>>) src(%dma_wait3A_521 : memref<64x128xf32, #tpu.memory_space<vmem>>) dst(%dma_wait3A_518 : memref<64x128xf32, #tpu.memory_space<vmem_shared>>)
        tpu.yield
      }) : () -> ()
    } else {
    }
    %dma_wait3A_59 = arith.constant 0 : i32
    %dma_wait3A_60 = arith.constant 0 : i32
    %dma_wait3A_61 = tpu.memref_slice %arg10[%dma_wait3A_59, %dma_wait3A_60] : memref<112x128xf32, #tpu.memory_space<vmem>> -> memref<64x128xf32, #tpu.memory_space<vmem>>
    %dma_wait3A_62 = arith.constant 0 : i32
    %dma_wait3A_63 = arith.constant 0 : i32
    %dma_wait3A_64 = tpu.memref_slice %arg4[%dma_wait3A_62, %dma_wait3A_63] : memref<100000x128xf32, #tpu.memory_space<hbm>> -> memref<100000x128xf32, #tpu.memory_space<hbm>>
    tpu.wait_indirect_dma semaphore(%arg17 : memref<!tpu.dma_semaphore, #tpu.memory_space<semaphore_mem>>) src(%dma_wait3A_64 : memref<100000x128xf32, #tpu.memory_space<hbm>>) dst(%dma_wait3A_61 : memref<64x128xf32, #tpu.memory_space<vmem>>)
    %mul3A_65 = arith.constant 640 : i32
    %mul3A_66 = arith.muli %arg1, %mul3A_65 : i32
    %add3A_67 = arith.constant 192 : i32
    %add3A_68 = arith.addi %mul3A_66, %add3A_67 : i32
    "tpu.region"() ({
      %run_scoped3A = tpu.sem_alloc : memref<!tpu.dma_semaphore, #tpu.memory_space<semaphore_mem>>
      %dma_start3A_502 = tpu.memref_slice %arg2[%add3A_68] : memref<10240xi32, #tpu.memory_space<hbm>> -> memref<64xi32, #tpu.memory_space<hbm>>
      %dma_start3A_503 = tpu.memref_slice %arg2[%add3A_68] : memref<10240xi32, #tpu.memory_space<hbm>> -> memref<64xi32, #tpu.memory_space<hbm>>
      tpu.enqueue_dma source(%dma_start3A_503 : memref<64xi32, #tpu.memory_space<hbm>>) target(%arg8 : memref<64xi32, #tpu.memory_space<vmem>>) target_semaphore(%run_scoped3A : memref<!tpu.dma_semaphore, #tpu.memory_space<semaphore_mem>>)
      %dma_wait3A_504 = tpu.memref_slice %arg2[%add3A_68] : memref<10240xi32, #tpu.memory_space<hbm>> -> memref<64xi32, #tpu.memory_space<hbm>>
      %dma_wait3A_505 = tpu.memref_slice %arg2[%add3A_68] : memref<10240xi32, #tpu.memory_space<hbm>> -> memref<64xi32, #tpu.memory_space<hbm>>
      tpu.wait_dma2 semaphore(%run_scoped3A : memref<!tpu.dma_semaphore, #tpu.memory_space<semaphore_mem>>) src(%dma_wait3A_505 : memref<64xi32, #tpu.memory_space<hbm>>) dst(%arg8 : memref<64xi32, #tpu.memory_space<vmem>>)
      tpu.yield
    }) : () -> ()
    %dma_start3A_69 = arith.constant 0 : i32
    %dma_start3A_70 = arith.constant 0 : i32
    %dma_start3A_71 = tpu.memref_slice %arg11[%dma_start3A_69, %dma_start3A_70] : memref<112x128xf32, #tpu.memory_space<vmem>> -> memref<64x128xf32, #tpu.memory_space<vmem>>
    %dma_start3A_72 = arith.constant 0 : i32
    %dma_start3A_73 = arith.constant 0 : i32
    %dma_start3A_74 = tpu.memref_slice %arg4[%dma_start3A_72, %dma_start3A_73] : memref<100000x128xf32, #tpu.memory_space<hbm>> -> memref<100000x128xf32, #tpu.memory_space<hbm>>
    tpu.enqueue_indirect_dma source(%dma_start3A_74 : memref<100000x128xf32, #tpu.memory_space<hbm>>) target(%dma_start3A_71 : memref<64x128xf32, #tpu.memory_space<vmem>>) offsets(%arg8 : memref<64xi32, #tpu.memory_space<vmem>>) semaphore(%arg18 : memref<!tpu.dma_semaphore, #tpu.memory_space<semaphore_mem>>)
    %mul3A_75 = arith.constant 640 : i32
    %mul3A_76 = arith.muli %arg1, %mul3A_75 : i32
    %add3A_77 = arith.constant 128 : i32
    %add3A_78 = arith.addi %mul3A_76, %add3A_77 : i32
    "tpu.region"() ({
      %run_scoped3A = tpu.sem_alloc : memref<!tpu.dma_semaphore, #tpu.memory_space<semaphore_mem>>
      %dma_start3A_502 = arith.constant 0 : i32
      %dma_start3A_503 = arith.constant 0 : i32
      %dma_start3A_504 = tpu.memref_slice %arg10[%dma_start3A_502, %dma_start3A_503] : memref<112x128xf32, #tpu.memory_space<vmem>> -> memref<64x128xf32, #tpu.memory_space<vmem>>
      %dma_start3A_505 = arith.constant 0 : i32
      %dma_start3A_506 = tpu.memref_slice %arg7[%add3A_78, %dma_start3A_505] : memref<10240x128xf32, #tpu.memory_space<hbm>> -> memref<64x128xf32, #tpu.memory_space<hbm>>
      %dma_start3A_507 = arith.constant 0 : i32
      %dma_start3A_508 = tpu.memref_slice %arg7[%add3A_78, %dma_start3A_507] : memref<10240x128xf32, #tpu.memory_space<hbm>> -> memref<64x128xf32, #tpu.memory_space<hbm>>
      %dma_start3A_509 = arith.constant 0 : i32
      %dma_start3A_510 = arith.constant 0 : i32
      %dma_start3A_511 = tpu.memref_slice %arg10[%dma_start3A_509, %dma_start3A_510] : memref<112x128xf32, #tpu.memory_space<vmem>> -> memref<64x128xf32, #tpu.memory_space<vmem>>
      tpu.enqueue_dma source(%dma_start3A_511 : memref<64x128xf32, #tpu.memory_space<vmem>>) target(%dma_start3A_508 : memref<64x128xf32, #tpu.memory_space<hbm>>) target_semaphore(%run_scoped3A : memref<!tpu.dma_semaphore, #tpu.memory_space<semaphore_mem>>)
      %dma_wait3A_512 = arith.constant 0 : i32
      %dma_wait3A_513 = arith.constant 0 : i32
      %dma_wait3A_514 = tpu.memref_slice %arg10[%dma_wait3A_512, %dma_wait3A_513] : memref<112x128xf32, #tpu.memory_space<vmem>> -> memref<64x128xf32, #tpu.memory_space<vmem>>
      %dma_wait3A_515 = arith.constant 0 : i32
      %dma_wait3A_516 = tpu.memref_slice %arg7[%add3A_78, %dma_wait3A_515] : memref<10240x128xf32, #tpu.memory_space<hbm>> -> memref<64x128xf32, #tpu.memory_space<hbm>>
      %dma_wait3A_517 = arith.constant 0 : i32
      %dma_wait3A_518 = tpu.memref_slice %arg7[%add3A_78, %dma_wait3A_517] : memref<10240x128xf32, #tpu.memory_space<hbm>> -> memref<64x128xf32, #tpu.memory_space<hbm>>
      %dma_wait3A_519 = arith.constant 0 : i32
      %dma_wait3A_520 = arith.constant 0 : i32
      %dma_wait3A_521 = tpu.memref_slice %arg10[%dma_wait3A_519, %dma_wait3A_520] : memref<112x128xf32, #tpu.memory_space<vmem>> -> memref<64x128xf32, #tpu.memory_space<vmem>>
      tpu.wait_dma2 semaphore(%run_scoped3A : memref<!tpu.dma_semaphore, #tpu.memory_space<semaphore_mem>>) src(%dma_wait3A_521 : memref<64x128xf32, #tpu.memory_space<vmem>>) dst(%dma_wait3A_518 : memref<64x128xf32, #tpu.memory_space<hbm>>)
      tpu.yield
    }) : () -> ()
    %eq3A_79 = arith.constant 0 : i32
    %eq3A_80 = arith.cmpi eq, %arg0, %eq3A_79 : i32
    %convert_element_type3A_81 = arith.extui %eq3A_80 : i1 to i32
    %cond3A_82 = arith.constant 0 : i32
    %cond3A_83 = arith.cmpi ne, %convert_element_type3A_81, %cond3A_82 : i32
    scf.if %cond3A_83 {
      "tpu.region"() ({
        %run_scoped3A = tpu.sem_alloc : memref<!tpu.dma_semaphore, #tpu.memory_space<semaphore_mem>>
        %dma_start3A_502 = arith.constant 0 : i32
        %dma_start3A_503 = arith.constant 0 : i32
        %dma_start3A_504 = tpu.memref_slice %arg10[%dma_start3A_502, %dma_start3A_503] : memref<112x128xf32, #tpu.memory_space<vmem>> -> memref<64x128xf32, #tpu.memory_space<vmem>>
        %dma_start3A_505 = arith.constant 0 : i32
        %dma_start3A_506 = tpu.memref_slice %arg16[%add3A_78, %dma_start3A_505] : memref<10240x128xf32, #tpu.memory_space<vmem_shared>> -> memref<64x128xf32, #tpu.memory_space<vmem_shared>>
        %dma_start3A_507 = arith.constant 0 : i32
        %dma_start3A_508 = tpu.memref_slice %arg16[%add3A_78, %dma_start3A_507] : memref<10240x128xf32, #tpu.memory_space<vmem_shared>> -> memref<64x128xf32, #tpu.memory_space<vmem_shared>>
        %dma_start3A_509 = arith.constant 0 : i32
        %dma_start3A_510 = arith.constant 0 : i32
        %dma_start3A_511 = tpu.memref_slice %arg10[%dma_start3A_509, %dma_start3A_510] : memref<112x128xf32, #tpu.memory_space<vmem>> -> memref<64x128xf32, #tpu.memory_space<vmem>>
        tpu.enqueue_dma source(%dma_start3A_511 : memref<64x128xf32, #tpu.memory_space<vmem>>) target(%dma_start3A_508 : memref<64x128xf32, #tpu.memory_space<vmem_shared>>) target_semaphore(%run_scoped3A : memref<!tpu.dma_semaphore, #tpu.memory_space<semaphore_mem>>)
        %dma_wait3A_512 = arith.constant 0 : i32
        %dma_wait3A_513 = arith.constant 0 : i32
        %dma_wait3A_514 = tpu.memref_slice %arg10[%dma_wait3A_512, %dma_wait3A_513] : memref<112x128xf32, #tpu.memory_space<vmem>> -> memref<64x128xf32, #tpu.memory_space<vmem>>
        %dma_wait3A_515 = arith.constant 0 : i32
        %dma_wait3A_516 = tpu.memref_slice %arg16[%add3A_78, %dma_wait3A_515] : memref<10240x128xf32, #tpu.memory_space<vmem_shared>> -> memref<64x128xf32, #tpu.memory_space<vmem_shared>>
        %dma_wait3A_517 = arith.constant 0 : i32
        %dma_wait3A_518 = tpu.memref_slice %arg16[%add3A_78, %dma_wait3A_517] : memref<10240x128xf32, #tpu.memory_space<vmem_shared>> -> memref<64x128xf32, #tpu.memory_space<vmem_shared>>
        %dma_wait3A_519 = arith.constant 0 : i32
        %dma_wait3A_520 = arith.constant 0 : i32
        %dma_wait3A_521 = tpu.memref_slice %arg10[%dma_wait3A_519, %dma_wait3A_520] : memref<112x128xf32, #tpu.memory_space<vmem>> -> memref<64x128xf32, #tpu.memory_space<vmem>>
        tpu.wait_dma2 semaphore(%run_scoped3A : memref<!tpu.dma_semaphore, #tpu.memory_space<semaphore_mem>>) src(%dma_wait3A_521 : memref<64x128xf32, #tpu.memory_space<vmem>>) dst(%dma_wait3A_518 : memref<64x128xf32, #tpu.memory_space<vmem_shared>>)
        tpu.yield
      }) : () -> ()
    } else {
    }
    %dma_wait3A_84 = arith.constant 0 : i32
    %dma_wait3A_85 = arith.constant 0 : i32
    %dma_wait3A_86 = tpu.memref_slice %arg11[%dma_wait3A_84, %dma_wait3A_85] : memref<112x128xf32, #tpu.memory_space<vmem>> -> memref<64x128xf32, #tpu.memory_space<vmem>>
    %dma_wait3A_87 = arith.constant 0 : i32
    %dma_wait3A_88 = arith.constant 0 : i32
    %dma_wait3A_89 = tpu.memref_slice %arg4[%dma_wait3A_87, %dma_wait3A_88] : memref<100000x128xf32, #tpu.memory_space<hbm>> -> memref<100000x128xf32, #tpu.memory_space<hbm>>
    tpu.wait_indirect_dma semaphore(%arg18 : memref<!tpu.dma_semaphore, #tpu.memory_space<semaphore_mem>>) src(%dma_wait3A_89 : memref<100000x128xf32, #tpu.memory_space<hbm>>) dst(%dma_wait3A_86 : memref<64x128xf32, #tpu.memory_space<vmem>>)
    %mul3A_90 = arith.constant 640 : i32
    %mul3A_91 = arith.muli %arg1, %mul3A_90 : i32
    %add3A_92 = arith.constant 256 : i32
    %add3A_93 = arith.addi %mul3A_91, %add3A_92 : i32
    "tpu.region"() ({
      %run_scoped3A = tpu.sem_alloc : memref<!tpu.dma_semaphore, #tpu.memory_space<semaphore_mem>>
      %dma_start3A_502 = tpu.memref_slice %arg2[%add3A_93] : memref<10240xi32, #tpu.memory_space<hbm>> -> memref<64xi32, #tpu.memory_space<hbm>>
      %dma_start3A_503 = tpu.memref_slice %arg2[%add3A_93] : memref<10240xi32, #tpu.memory_space<hbm>> -> memref<64xi32, #tpu.memory_space<hbm>>
      tpu.enqueue_dma source(%dma_start3A_503 : memref<64xi32, #tpu.memory_space<hbm>>) target(%arg8 : memref<64xi32, #tpu.memory_space<vmem>>) target_semaphore(%run_scoped3A : memref<!tpu.dma_semaphore, #tpu.memory_space<semaphore_mem>>)
      %dma_wait3A_504 = tpu.memref_slice %arg2[%add3A_93] : memref<10240xi32, #tpu.memory_space<hbm>> -> memref<64xi32, #tpu.memory_space<hbm>>
      %dma_wait3A_505 = tpu.memref_slice %arg2[%add3A_93] : memref<10240xi32, #tpu.memory_space<hbm>> -> memref<64xi32, #tpu.memory_space<hbm>>
      tpu.wait_dma2 semaphore(%run_scoped3A : memref<!tpu.dma_semaphore, #tpu.memory_space<semaphore_mem>>) src(%dma_wait3A_505 : memref<64xi32, #tpu.memory_space<hbm>>) dst(%arg8 : memref<64xi32, #tpu.memory_space<vmem>>)
      tpu.yield
    }) : () -> ()
    %dma_start3A_94 = arith.constant 0 : i32
    %dma_start3A_95 = arith.constant 0 : i32
    %dma_start3A_96 = tpu.memref_slice %arg10[%dma_start3A_94, %dma_start3A_95] : memref<112x128xf32, #tpu.memory_space<vmem>> -> memref<64x128xf32, #tpu.memory_space<vmem>>
    %dma_start3A_97 = arith.constant 0 : i32
    %dma_start3A_98 = arith.constant 0 : i32
    %dma_start3A_99 = tpu.memref_slice %arg4[%dma_start3A_97, %dma_start3A_98] : memref<100000x128xf32, #tpu.memory_space<hbm>> -> memref<100000x128xf32, #tpu.memory_space<hbm>>
    tpu.enqueue_indirect_dma source(%dma_start3A_99 : memref<100000x128xf32, #tpu.memory_space<hbm>>) target(%dma_start3A_96 : memref<64x128xf32, #tpu.memory_space<vmem>>) offsets(%arg8 : memref<64xi32, #tpu.memory_space<vmem>>) semaphore(%arg17 : memref<!tpu.dma_semaphore, #tpu.memory_space<semaphore_mem>>)
    %mul3A_100 = arith.constant 640 : i32
    %mul3A_101 = arith.muli %arg1, %mul3A_100 : i32
    %add3A_102 = arith.constant 192 : i32
    %add3A_103 = arith.addi %mul3A_101, %add3A_102 : i32
    "tpu.region"() ({
      %run_scoped3A = tpu.sem_alloc : memref<!tpu.dma_semaphore, #tpu.memory_space<semaphore_mem>>
      %dma_start3A_502 = arith.constant 0 : i32
      %dma_start3A_503 = arith.constant 0 : i32
      %dma_start3A_504 = tpu.memref_slice %arg11[%dma_start3A_502, %dma_start3A_503] : memref<112x128xf32, #tpu.memory_space<vmem>> -> memref<64x128xf32, #tpu.memory_space<vmem>>
      %dma_start3A_505 = arith.constant 0 : i32
      %dma_start3A_506 = tpu.memref_slice %arg7[%add3A_103, %dma_start3A_505] : memref<10240x128xf32, #tpu.memory_space<hbm>> -> memref<64x128xf32, #tpu.memory_space<hbm>>
      %dma_start3A_507 = arith.constant 0 : i32
      %dma_start3A_508 = tpu.memref_slice %arg7[%add3A_103, %dma_start3A_507] : memref<10240x128xf32, #tpu.memory_space<hbm>> -> memref<64x128xf32, #tpu.memory_space<hbm>>
      %dma_start3A_509 = arith.constant 0 : i32
      %dma_start3A_510 = arith.constant 0 : i32
      %dma_start3A_511 = tpu.memref_slice %arg11[%dma_start3A_509, %dma_start3A_510] : memref<112x128xf32, #tpu.memory_space<vmem>> -> memref<64x128xf32, #tpu.memory_space<vmem>>
      tpu.enqueue_dma source(%dma_start3A_511 : memref<64x128xf32, #tpu.memory_space<vmem>>) target(%dma_start3A_508 : memref<64x128xf32, #tpu.memory_space<hbm>>) target_semaphore(%run_scoped3A : memref<!tpu.dma_semaphore, #tpu.memory_space<semaphore_mem>>)
      %dma_wait3A_512 = arith.constant 0 : i32
      %dma_wait3A_513 = arith.constant 0 : i32
      %dma_wait3A_514 = tpu.memref_slice %arg11[%dma_wait3A_512, %dma_wait3A_513] : memref<112x128xf32, #tpu.memory_space<vmem>> -> memref<64x128xf32, #tpu.memory_space<vmem>>
      %dma_wait3A_515 = arith.constant 0 : i32
      %dma_wait3A_516 = tpu.memref_slice %arg7[%add3A_103, %dma_wait3A_515] : memref<10240x128xf32, #tpu.memory_space<hbm>> -> memref<64x128xf32, #tpu.memory_space<hbm>>
      %dma_wait3A_517 = arith.constant 0 : i32
      %dma_wait3A_518 = tpu.memref_slice %arg7[%add3A_103, %dma_wait3A_517] : memref<10240x128xf32, #tpu.memory_space<hbm>> -> memref<64x128xf32, #tpu.memory_space<hbm>>
      %dma_wait3A_519 = arith.constant 0 : i32
      %dma_wait3A_520 = arith.constant 0 : i32
      %dma_wait3A_521 = tpu.memref_slice %arg11[%dma_wait3A_519, %dma_wait3A_520] : memref<112x128xf32, #tpu.memory_space<vmem>> -> memref<64x128xf32, #tpu.memory_space<vmem>>
      tpu.wait_dma2 semaphore(%run_scoped3A : memref<!tpu.dma_semaphore, #tpu.memory_space<semaphore_mem>>) src(%dma_wait3A_521 : memref<64x128xf32, #tpu.memory_space<vmem>>) dst(%dma_wait3A_518 : memref<64x128xf32, #tpu.memory_space<hbm>>)
      tpu.yield
    }) : () -> ()
    %eq3A_104 = arith.constant 0 : i32
    %eq3A_105 = arith.cmpi eq, %arg0, %eq3A_104 : i32
    %convert_element_type3A_106 = arith.extui %eq3A_105 : i1 to i32
    %cond3A_107 = arith.constant 0 : i32
    %cond3A_108 = arith.cmpi ne, %convert_element_type3A_106, %cond3A_107 : i32
    scf.if %cond3A_108 {
      "tpu.region"() ({
        %run_scoped3A = tpu.sem_alloc : memref<!tpu.dma_semaphore, #tpu.memory_space<semaphore_mem>>
        %dma_start3A_502 = arith.constant 0 : i32
        %dma_start3A_503 = arith.constant 0 : i32
        %dma_start3A_504 = tpu.memref_slice %arg11[%dma_start3A_502, %dma_start3A_503] : memref<112x128xf32, #tpu.memory_space<vmem>> -> memref<64x128xf32, #tpu.memory_space<vmem>>
        %dma_start3A_505 = arith.constant 0 : i32
        %dma_start3A_506 = tpu.memref_slice %arg16[%add3A_103, %dma_start3A_505] : memref<10240x128xf32, #tpu.memory_space<vmem_shared>> -> memref<64x128xf32, #tpu.memory_space<vmem_shared>>
        %dma_start3A_507 = arith.constant 0 : i32
        %dma_start3A_508 = tpu.memref_slice %arg16[%add3A_103, %dma_start3A_507] : memref<10240x128xf32, #tpu.memory_space<vmem_shared>> -> memref<64x128xf32, #tpu.memory_space<vmem_shared>>
        %dma_start3A_509 = arith.constant 0 : i32
        %dma_start3A_510 = arith.constant 0 : i32
        %dma_start3A_511 = tpu.memref_slice %arg11[%dma_start3A_509, %dma_start3A_510] : memref<112x128xf32, #tpu.memory_space<vmem>> -> memref<64x128xf32, #tpu.memory_space<vmem>>
        tpu.enqueue_dma source(%dma_start3A_511 : memref<64x128xf32, #tpu.memory_space<vmem>>) target(%dma_start3A_508 : memref<64x128xf32, #tpu.memory_space<vmem_shared>>) target_semaphore(%run_scoped3A : memref<!tpu.dma_semaphore, #tpu.memory_space<semaphore_mem>>)
        %dma_wait3A_512 = arith.constant 0 : i32
        %dma_wait3A_513 = arith.constant 0 : i32
        %dma_wait3A_514 = tpu.memref_slice %arg11[%dma_wait3A_512, %dma_wait3A_513] : memref<112x128xf32, #tpu.memory_space<vmem>> -> memref<64x128xf32, #tpu.memory_space<vmem>>
        %dma_wait3A_515 = arith.constant 0 : i32
        %dma_wait3A_516 = tpu.memref_slice %arg16[%add3A_103, %dma_wait3A_515] : memref<10240x128xf32, #tpu.memory_space<vmem_shared>> -> memref<64x128xf32, #tpu.memory_space<vmem_shared>>
        %dma_wait3A_517 = arith.constant 0 : i32
        %dma_wait3A_518 = tpu.memref_slice %arg16[%add3A_103, %dma_wait3A_517] : memref<10240x128xf32, #tpu.memory_space<vmem_shared>> -> memref<64x128xf32, #tpu.memory_space<vmem_shared>>
        %dma_wait3A_519 = arith.constant 0 : i32
        %dma_wait3A_520 = arith.constant 0 : i32
        %dma_wait3A_521 = tpu.memref_slice %arg11[%dma_wait3A_519, %dma_wait3A_520] : memref<112x128xf32, #tpu.memory_space<vmem>> -> memref<64x128xf32, #tpu.memory_space<vmem>>
        tpu.wait_dma2 semaphore(%run_scoped3A : memref<!tpu.dma_semaphore, #tpu.memory_space<semaphore_mem>>) src(%dma_wait3A_521 : memref<64x128xf32, #tpu.memory_space<vmem>>) dst(%dma_wait3A_518 : memref<64x128xf32, #tpu.memory_space<vmem_shared>>)
        tpu.yield
      }) : () -> ()
    } else {
    }
    %dma_wait3A_109 = arith.constant 0 : i32
    %dma_wait3A_110 = arith.constant 0 : i32
    %dma_wait3A_111 = tpu.memref_slice %arg10[%dma_wait3A_109, %dma_wait3A_110] : memref<112x128xf32, #tpu.memory_space<vmem>> -> memref<64x128xf32, #tpu.memory_space<vmem>>
    %dma_wait3A_112 = arith.constant 0 : i32
    %dma_wait3A_113 = arith.constant 0 : i32
    %dma_wait3A_114 = tpu.memref_slice %arg4[%dma_wait3A_112, %dma_wait3A_113] : memref<100000x128xf32, #tpu.memory_space<hbm>> -> memref<100000x128xf32, #tpu.memory_space<hbm>>
    tpu.wait_indirect_dma semaphore(%arg17 : memref<!tpu.dma_semaphore, #tpu.memory_space<semaphore_mem>>) src(%dma_wait3A_114 : memref<100000x128xf32, #tpu.memory_space<hbm>>) dst(%dma_wait3A_111 : memref<64x128xf32, #tpu.memory_space<vmem>>)
    %mul3A_115 = arith.constant 640 : i32
    %mul3A_116 = arith.muli %arg1, %mul3A_115 : i32
    %add3A_117 = arith.constant 320 : i32
    %add3A_118 = arith.addi %mul3A_116, %add3A_117 : i32
    "tpu.region"() ({
      %run_scoped3A = tpu.sem_alloc : memref<!tpu.dma_semaphore, #tpu.memory_space<semaphore_mem>>
      %dma_start3A_502 = tpu.memref_slice %arg2[%add3A_118] : memref<10240xi32, #tpu.memory_space<hbm>> -> memref<64xi32, #tpu.memory_space<hbm>>
      %dma_start3A_503 = tpu.memref_slice %arg2[%add3A_118] : memref<10240xi32, #tpu.memory_space<hbm>> -> memref<64xi32, #tpu.memory_space<hbm>>
      tpu.enqueue_dma source(%dma_start3A_503 : memref<64xi32, #tpu.memory_space<hbm>>) target(%arg8 : memref<64xi32, #tpu.memory_space<vmem>>) target_semaphore(%run_scoped3A : memref<!tpu.dma_semaphore, #tpu.memory_space<semaphore_mem>>)
      %dma_wait3A_504 = tpu.memref_slice %arg2[%add3A_118] : memref<10240xi32, #tpu.memory_space<hbm>> -> memref<64xi32, #tpu.memory_space<hbm>>
      %dma_wait3A_505 = tpu.memref_slice %arg2[%add3A_118] : memref<10240xi32, #tpu.memory_space<hbm>> -> memref<64xi32, #tpu.memory_space<hbm>>
      tpu.wait_dma2 semaphore(%run_scoped3A : memref<!tpu.dma_semaphore, #tpu.memory_space<semaphore_mem>>) src(%dma_wait3A_505 : memref<64xi32, #tpu.memory_space<hbm>>) dst(%arg8 : memref<64xi32, #tpu.memory_space<vmem>>)
      tpu.yield
    }) : () -> ()
    %dma_start3A_119 = arith.constant 0 : i32
    %dma_start3A_120 = arith.constant 0 : i32
    %dma_start3A_121 = tpu.memref_slice %arg11[%dma_start3A_119, %dma_start3A_120] : memref<112x128xf32, #tpu.memory_space<vmem>> -> memref<64x128xf32, #tpu.memory_space<vmem>>
    %dma_start3A_122 = arith.constant 0 : i32
    %dma_start3A_123 = arith.constant 0 : i32
    %dma_start3A_124 = tpu.memref_slice %arg4[%dma_start3A_122, %dma_start3A_123] : memref<100000x128xf32, #tpu.memory_space<hbm>> -> memref<100000x128xf32, #tpu.memory_space<hbm>>
    tpu.enqueue_indirect_dma source(%dma_start3A_124 : memref<100000x128xf32, #tpu.memory_space<hbm>>) target(%dma_start3A_121 : memref<64x128xf32, #tpu.memory_space<vmem>>) offsets(%arg8 : memref<64xi32, #tpu.memory_space<vmem>>) semaphore(%arg18 : memref<!tpu.dma_semaphore, #tpu.memory_space<semaphore_mem>>)
    %mul3A_125 = arith.constant 640 : i32
    %mul3A_126 = arith.muli %arg1, %mul3A_125 : i32
    %add3A_127 = arith.constant 256 : i32
    %add3A_128 = arith.addi %mul3A_126, %add3A_127 : i32
    "tpu.region"() ({
      %run_scoped3A = tpu.sem_alloc : memref<!tpu.dma_semaphore, #tpu.memory_space<semaphore_mem>>
      %dma_start3A_502 = arith.constant 0 : i32
      %dma_start3A_503 = arith.constant 0 : i32
      %dma_start3A_504 = tpu.memref_slice %arg10[%dma_start3A_502, %dma_start3A_503] : memref<112x128xf32, #tpu.memory_space<vmem>> -> memref<64x128xf32, #tpu.memory_space<vmem>>
      %dma_start3A_505 = arith.constant 0 : i32
      %dma_start3A_506 = tpu.memref_slice %arg7[%add3A_128, %dma_start3A_505] : memref<10240x128xf32, #tpu.memory_space<hbm>> -> memref<64x128xf32, #tpu.memory_space<hbm>>
      %dma_start3A_507 = arith.constant 0 : i32
      %dma_start3A_508 = tpu.memref_slice %arg7[%add3A_128, %dma_start3A_507] : memref<10240x128xf32, #tpu.memory_space<hbm>> -> memref<64x128xf32, #tpu.memory_space<hbm>>
      %dma_start3A_509 = arith.constant 0 : i32
      %dma_start3A_510 = arith.constant 0 : i32
      %dma_start3A_511 = tpu.memref_slice %arg10[%dma_start3A_509, %dma_start3A_510] : memref<112x128xf32, #tpu.memory_space<vmem>> -> memref<64x128xf32, #tpu.memory_space<vmem>>
      tpu.enqueue_dma source(%dma_start3A_511 : memref<64x128xf32, #tpu.memory_space<vmem>>) target(%dma_start3A_508 : memref<64x128xf32, #tpu.memory_space<hbm>>) target_semaphore(%run_scoped3A : memref<!tpu.dma_semaphore, #tpu.memory_space<semaphore_mem>>)
      %dma_wait3A_512 = arith.constant 0 : i32
      %dma_wait3A_513 = arith.constant 0 : i32
      %dma_wait3A_514 = tpu.memref_slice %arg10[%dma_wait3A_512, %dma_wait3A_513] : memref<112x128xf32, #tpu.memory_space<vmem>> -> memref<64x128xf32, #tpu.memory_space<vmem>>
      %dma_wait3A_515 = arith.constant 0 : i32
      %dma_wait3A_516 = tpu.memref_slice %arg7[%add3A_128, %dma_wait3A_515] : memref<10240x128xf32, #tpu.memory_space<hbm>> -> memref<64x128xf32, #tpu.memory_space<hbm>>
      %dma_wait3A_517 = arith.constant 0 : i32
      %dma_wait3A_518 = tpu.memref_slice %arg7[%add3A_128, %dma_wait3A_517] : memref<10240x128xf32, #tpu.memory_space<hbm>> -> memref<64x128xf32, #tpu.memory_space<hbm>>
      %dma_wait3A_519 = arith.constant 0 : i32
      %dma_wait3A_520 = arith.constant 0 : i32
      %dma_wait3A_521 = tpu.memref_slice %arg10[%dma_wait3A_519, %dma_wait3A_520] : memref<112x128xf32, #tpu.memory_space<vmem>> -> memref<64x128xf32, #tpu.memory_space<vmem>>
      tpu.wait_dma2 semaphore(%run_scoped3A : memref<!tpu.dma_semaphore, #tpu.memory_space<semaphore_mem>>) src(%dma_wait3A_521 : memref<64x128xf32, #tpu.memory_space<vmem>>) dst(%dma_wait3A_518 : memref<64x128xf32, #tpu.memory_space<hbm>>)
      tpu.yield
    }) : () -> ()
    %eq3A_129 = arith.constant 0 : i32
    %eq3A_130 = arith.cmpi eq, %arg0, %eq3A_129 : i32
    %convert_element_type3A_131 = arith.extui %eq3A_130 : i1 to i32
    %cond3A_132 = arith.constant 0 : i32
    %cond3A_133 = arith.cmpi ne, %convert_element_type3A_131, %cond3A_132 : i32
    scf.if %cond3A_133 {
      "tpu.region"() ({
        %run_scoped3A = tpu.sem_alloc : memref<!tpu.dma_semaphore, #tpu.memory_space<semaphore_mem>>
        %dma_start3A_502 = arith.constant 0 : i32
        %dma_start3A_503 = arith.constant 0 : i32
        %dma_start3A_504 = tpu.memref_slice %arg10[%dma_start3A_502, %dma_start3A_503] : memref<112x128xf32, #tpu.memory_space<vmem>> -> memref<64x128xf32, #tpu.memory_space<vmem>>
        %dma_start3A_505 = arith.constant 0 : i32
        %dma_start3A_506 = tpu.memref_slice %arg16[%add3A_128, %dma_start3A_505] : memref<10240x128xf32, #tpu.memory_space<vmem_shared>> -> memref<64x128xf32, #tpu.memory_space<vmem_shared>>
        %dma_start3A_507 = arith.constant 0 : i32
        %dma_start3A_508 = tpu.memref_slice %arg16[%add3A_128, %dma_start3A_507] : memref<10240x128xf32, #tpu.memory_space<vmem_shared>> -> memref<64x128xf32, #tpu.memory_space<vmem_shared>>
        %dma_start3A_509 = arith.constant 0 : i32
        %dma_start3A_510 = arith.constant 0 : i32
        %dma_start3A_511 = tpu.memref_slice %arg10[%dma_start3A_509, %dma_start3A_510] : memref<112x128xf32, #tpu.memory_space<vmem>> -> memref<64x128xf32, #tpu.memory_space<vmem>>
        tpu.enqueue_dma source(%dma_start3A_511 : memref<64x128xf32, #tpu.memory_space<vmem>>) target(%dma_start3A_508 : memref<64x128xf32, #tpu.memory_space<vmem_shared>>) target_semaphore(%run_scoped3A : memref<!tpu.dma_semaphore, #tpu.memory_space<semaphore_mem>>)
        %dma_wait3A_512 = arith.constant 0 : i32
        %dma_wait3A_513 = arith.constant 0 : i32
        %dma_wait3A_514 = tpu.memref_slice %arg10[%dma_wait3A_512, %dma_wait3A_513] : memref<112x128xf32, #tpu.memory_space<vmem>> -> memref<64x128xf32, #tpu.memory_space<vmem>>
        %dma_wait3A_515 = arith.constant 0 : i32
        %dma_wait3A_516 = tpu.memref_slice %arg16[%add3A_128, %dma_wait3A_515] : memref<10240x128xf32, #tpu.memory_space<vmem_shared>> -> memref<64x128xf32, #tpu.memory_space<vmem_shared>>
        %dma_wait3A_517 = arith.constant 0 : i32
        %dma_wait3A_518 = tpu.memref_slice %arg16[%add3A_128, %dma_wait3A_517] : memref<10240x128xf32, #tpu.memory_space<vmem_shared>> -> memref<64x128xf32, #tpu.memory_space<vmem_shared>>
        %dma_wait3A_519 = arith.constant 0 : i32
        %dma_wait3A_520 = arith.constant 0 : i32
        %dma_wait3A_521 = tpu.memref_slice %arg10[%dma_wait3A_519, %dma_wait3A_520] : memref<112x128xf32, #tpu.memory_space<vmem>> -> memref<64x128xf32, #tpu.memory_space<vmem>>
        tpu.wait_dma2 semaphore(%run_scoped3A : memref<!tpu.dma_semaphore, #tpu.memory_space<semaphore_mem>>) src(%dma_wait3A_521 : memref<64x128xf32, #tpu.memory_space<vmem>>) dst(%dma_wait3A_518 : memref<64x128xf32, #tpu.memory_space<vmem_shared>>)
        tpu.yield
      }) : () -> ()
    } else {
    }
    %dma_wait3A_134 = arith.constant 0 : i32
    %dma_wait3A_135 = arith.constant 0 : i32
    %dma_wait3A_136 = tpu.memref_slice %arg11[%dma_wait3A_134, %dma_wait3A_135] : memref<112x128xf32, #tpu.memory_space<vmem>> -> memref<64x128xf32, #tpu.memory_space<vmem>>
    %dma_wait3A_137 = arith.constant 0 : i32
    %dma_wait3A_138 = arith.constant 0 : i32
    %dma_wait3A_139 = tpu.memref_slice %arg4[%dma_wait3A_137, %dma_wait3A_138] : memref<100000x128xf32, #tpu.memory_space<hbm>> -> memref<100000x128xf32, #tpu.memory_space<hbm>>
    tpu.wait_indirect_dma semaphore(%arg18 : memref<!tpu.dma_semaphore, #tpu.memory_space<semaphore_mem>>) src(%dma_wait3A_139 : memref<100000x128xf32, #tpu.memory_space<hbm>>) dst(%dma_wait3A_136 : memref<64x128xf32, #tpu.memory_space<vmem>>)
    %mul3A_140 = arith.constant 640 : i32
    %mul3A_141 = arith.muli %arg1, %mul3A_140 : i32
    %add3A_142 = arith.constant 384 : i32
    %add3A_143 = arith.addi %mul3A_141, %add3A_142 : i32
    "tpu.region"() ({
      %run_scoped3A = tpu.sem_alloc : memref<!tpu.dma_semaphore, #tpu.memory_space<semaphore_mem>>
      %dma_start3A_502 = tpu.memref_slice %arg2[%add3A_143] : memref<10240xi32, #tpu.memory_space<hbm>> -> memref<64xi32, #tpu.memory_space<hbm>>
      %dma_start3A_503 = tpu.memref_slice %arg2[%add3A_143] : memref<10240xi32, #tpu.memory_space<hbm>> -> memref<64xi32, #tpu.memory_space<hbm>>
      tpu.enqueue_dma source(%dma_start3A_503 : memref<64xi32, #tpu.memory_space<hbm>>) target(%arg8 : memref<64xi32, #tpu.memory_space<vmem>>) target_semaphore(%run_scoped3A : memref<!tpu.dma_semaphore, #tpu.memory_space<semaphore_mem>>)
      %dma_wait3A_504 = tpu.memref_slice %arg2[%add3A_143] : memref<10240xi32, #tpu.memory_space<hbm>> -> memref<64xi32, #tpu.memory_space<hbm>>
      %dma_wait3A_505 = tpu.memref_slice %arg2[%add3A_143] : memref<10240xi32, #tpu.memory_space<hbm>> -> memref<64xi32, #tpu.memory_space<hbm>>
      tpu.wait_dma2 semaphore(%run_scoped3A : memref<!tpu.dma_semaphore, #tpu.memory_space<semaphore_mem>>) src(%dma_wait3A_505 : memref<64xi32, #tpu.memory_space<hbm>>) dst(%arg8 : memref<64xi32, #tpu.memory_space<vmem>>)
      tpu.yield
    }) : () -> ()
    %dma_start3A_144 = arith.constant 0 : i32
    %dma_start3A_145 = arith.constant 0 : i32
    %dma_start3A_146 = tpu.memref_slice %arg10[%dma_start3A_144, %dma_start3A_145] : memref<112x128xf32, #tpu.memory_space<vmem>> -> memref<64x128xf32, #tpu.memory_space<vmem>>
    %dma_start3A_147 = arith.constant 0 : i32
    %dma_start3A_148 = arith.constant 0 : i32
    %dma_start3A_149 = tpu.memref_slice %arg4[%dma_start3A_147, %dma_start3A_148] : memref<100000x128xf32, #tpu.memory_space<hbm>> -> memref<100000x128xf32, #tpu.memory_space<hbm>>
    tpu.enqueue_indirect_dma source(%dma_start3A_149 : memref<100000x128xf32, #tpu.memory_space<hbm>>) target(%dma_start3A_146 : memref<64x128xf32, #tpu.memory_space<vmem>>) offsets(%arg8 : memref<64xi32, #tpu.memory_space<vmem>>) semaphore(%arg17 : memref<!tpu.dma_semaphore, #tpu.memory_space<semaphore_mem>>)
    %mul3A_150 = arith.constant 640 : i32
    %mul3A_151 = arith.muli %arg1, %mul3A_150 : i32
    %add3A_152 = arith.constant 320 : i32
    %add3A_153 = arith.addi %mul3A_151, %add3A_152 : i32
    "tpu.region"() ({
      %run_scoped3A = tpu.sem_alloc : memref<!tpu.dma_semaphore, #tpu.memory_space<semaphore_mem>>
      %dma_start3A_502 = arith.constant 0 : i32
      %dma_start3A_503 = arith.constant 0 : i32
      %dma_start3A_504 = tpu.memref_slice %arg11[%dma_start3A_502, %dma_start3A_503] : memref<112x128xf32, #tpu.memory_space<vmem>> -> memref<64x128xf32, #tpu.memory_space<vmem>>
      %dma_start3A_505 = arith.constant 0 : i32
      %dma_start3A_506 = tpu.memref_slice %arg7[%add3A_153, %dma_start3A_505] : memref<10240x128xf32, #tpu.memory_space<hbm>> -> memref<64x128xf32, #tpu.memory_space<hbm>>
      %dma_start3A_507 = arith.constant 0 : i32
      %dma_start3A_508 = tpu.memref_slice %arg7[%add3A_153, %dma_start3A_507] : memref<10240x128xf32, #tpu.memory_space<hbm>> -> memref<64x128xf32, #tpu.memory_space<hbm>>
      %dma_start3A_509 = arith.constant 0 : i32
      %dma_start3A_510 = arith.constant 0 : i32
      %dma_start3A_511 = tpu.memref_slice %arg11[%dma_start3A_509, %dma_start3A_510] : memref<112x128xf32, #tpu.memory_space<vmem>> -> memref<64x128xf32, #tpu.memory_space<vmem>>
      tpu.enqueue_dma source(%dma_start3A_511 : memref<64x128xf32, #tpu.memory_space<vmem>>) target(%dma_start3A_508 : memref<64x128xf32, #tpu.memory_space<hbm>>) target_semaphore(%run_scoped3A : memref<!tpu.dma_semaphore, #tpu.memory_space<semaphore_mem>>)
      %dma_wait3A_512 = arith.constant 0 : i32
      %dma_wait3A_513 = arith.constant 0 : i32
      %dma_wait3A_514 = tpu.memref_slice %arg11[%dma_wait3A_512, %dma_wait3A_513] : memref<112x128xf32, #tpu.memory_space<vmem>> -> memref<64x128xf32, #tpu.memory_space<vmem>>
      %dma_wait3A_515 = arith.constant 0 : i32
      %dma_wait3A_516 = tpu.memref_slice %arg7[%add3A_153, %dma_wait3A_515] : memref<10240x128xf32, #tpu.memory_space<hbm>> -> memref<64x128xf32, #tpu.memory_space<hbm>>
      %dma_wait3A_517 = arith.constant 0 : i32
      %dma_wait3A_518 = tpu.memref_slice %arg7[%add3A_153, %dma_wait3A_517] : memref<10240x128xf32, #tpu.memory_space<hbm>> -> memref<64x128xf32, #tpu.memory_space<hbm>>
      %dma_wait3A_519 = arith.constant 0 : i32
      %dma_wait3A_520 = arith.constant 0 : i32
      %dma_wait3A_521 = tpu.memref_slice %arg11[%dma_wait3A_519, %dma_wait3A_520] : memref<112x128xf32, #tpu.memory_space<vmem>> -> memref<64x128xf32, #tpu.memory_space<vmem>>
      tpu.wait_dma2 semaphore(%run_scoped3A : memref<!tpu.dma_semaphore, #tpu.memory_space<semaphore_mem>>) src(%dma_wait3A_521 : memref<64x128xf32, #tpu.memory_space<vmem>>) dst(%dma_wait3A_518 : memref<64x128xf32, #tpu.memory_space<hbm>>)
      tpu.yield
    }) : () -> ()
    %eq3A_154 = arith.constant 0 : i32
    %eq3A_155 = arith.cmpi eq, %arg0, %eq3A_154 : i32
    %convert_element_type3A_156 = arith.extui %eq3A_155 : i1 to i32
    %cond3A_157 = arith.constant 0 : i32
    %cond3A_158 = arith.cmpi ne, %convert_element_type3A_156, %cond3A_157 : i32
    scf.if %cond3A_158 {
      "tpu.region"() ({
        %run_scoped3A = tpu.sem_alloc : memref<!tpu.dma_semaphore, #tpu.memory_space<semaphore_mem>>
        %dma_start3A_502 = arith.constant 0 : i32
        %dma_start3A_503 = arith.constant 0 : i32
        %dma_start3A_504 = tpu.memref_slice %arg11[%dma_start3A_502, %dma_start3A_503] : memref<112x128xf32, #tpu.memory_space<vmem>> -> memref<64x128xf32, #tpu.memory_space<vmem>>
        %dma_start3A_505 = arith.constant 0 : i32
        %dma_start3A_506 = tpu.memref_slice %arg16[%add3A_153, %dma_start3A_505] : memref<10240x128xf32, #tpu.memory_space<vmem_shared>> -> memref<64x128xf32, #tpu.memory_space<vmem_shared>>
        %dma_start3A_507 = arith.constant 0 : i32
        %dma_start3A_508 = tpu.memref_slice %arg16[%add3A_153, %dma_start3A_507] : memref<10240x128xf32, #tpu.memory_space<vmem_shared>> -> memref<64x128xf32, #tpu.memory_space<vmem_shared>>
        %dma_start3A_509 = arith.constant 0 : i32
        %dma_start3A_510 = arith.constant 0 : i32
        %dma_start3A_511 = tpu.memref_slice %arg11[%dma_start3A_509, %dma_start3A_510] : memref<112x128xf32, #tpu.memory_space<vmem>> -> memref<64x128xf32, #tpu.memory_space<vmem>>
        tpu.enqueue_dma source(%dma_start3A_511 : memref<64x128xf32, #tpu.memory_space<vmem>>) target(%dma_start3A_508 : memref<64x128xf32, #tpu.memory_space<vmem_shared>>) target_semaphore(%run_scoped3A : memref<!tpu.dma_semaphore, #tpu.memory_space<semaphore_mem>>)
        %dma_wait3A_512 = arith.constant 0 : i32
        %dma_wait3A_513 = arith.constant 0 : i32
        %dma_wait3A_514 = tpu.memref_slice %arg11[%dma_wait3A_512, %dma_wait3A_513] : memref<112x128xf32, #tpu.memory_space<vmem>> -> memref<64x128xf32, #tpu.memory_space<vmem>>
        %dma_wait3A_515 = arith.constant 0 : i32
        %dma_wait3A_516 = tpu.memref_slice %arg16[%add3A_153, %dma_wait3A_515] : memref<10240x128xf32, #tpu.memory_space<vmem_shared>> -> memref<64x128xf32, #tpu.memory_space<vmem_shared>>
        %dma_wait3A_517 = arith.constant 0 : i32
        %dma_wait3A_518 = tpu.memref_slice %arg16[%add3A_153, %dma_wait3A_517] : memref<10240x128xf32, #tpu.memory_space<vmem_shared>> -> memref<64x128xf32, #tpu.memory_space<vmem_shared>>
        %dma_wait3A_519 = arith.constant 0 : i32
        %dma_wait3A_520 = arith.constant 0 : i32
        %dma_wait3A_521 = tpu.memref_slice %arg11[%dma_wait3A_519, %dma_wait3A_520] : memref<112x128xf32, #tpu.memory_space<vmem>> -> memref<64x128xf32, #tpu.memory_space<vmem>>
        tpu.wait_dma2 semaphore(%run_scoped3A : memref<!tpu.dma_semaphore, #tpu.memory_space<semaphore_mem>>) src(%dma_wait3A_521 : memref<64x128xf32, #tpu.memory_space<vmem>>) dst(%dma_wait3A_518 : memref<64x128xf32, #tpu.memory_space<vmem_shared>>)
        tpu.yield
      }) : () -> ()
    } else {
    }
    %dma_wait3A_159 = arith.constant 0 : i32
    %dma_wait3A_160 = arith.constant 0 : i32
    %dma_wait3A_161 = tpu.memref_slice %arg10[%dma_wait3A_159, %dma_wait3A_160] : memref<112x128xf32, #tpu.memory_space<vmem>> -> memref<64x128xf32, #tpu.memory_space<vmem>>
    %dma_wait3A_162 = arith.constant 0 : i32
    %dma_wait3A_163 = arith.constant 0 : i32
    %dma_wait3A_164 = tpu.memref_slice %arg4[%dma_wait3A_162, %dma_wait3A_163] : memref<100000x128xf32, #tpu.memory_space<hbm>> -> memref<100000x128xf32, #tpu.memory_space<hbm>>
    tpu.wait_indirect_dma semaphore(%arg17 : memref<!tpu.dma_semaphore, #tpu.memory_space<semaphore_mem>>) src(%dma_wait3A_164 : memref<100000x128xf32, #tpu.memory_space<hbm>>) dst(%dma_wait3A_161 : memref<64x128xf32, #tpu.memory_space<vmem>>)
    %mul3A_165 = arith.constant 640 : i32
    %mul3A_166 = arith.muli %arg1, %mul3A_165 : i32
    %add3A_167 = arith.constant 448 : i32
    %add3A_168 = arith.addi %mul3A_166, %add3A_167 : i32
    "tpu.region"() ({
      %run_scoped3A = tpu.sem_alloc : memref<!tpu.dma_semaphore, #tpu.memory_space<semaphore_mem>>
      %dma_start3A_502 = tpu.memref_slice %arg2[%add3A_168] : memref<10240xi32, #tpu.memory_space<hbm>> -> memref<64xi32, #tpu.memory_space<hbm>>
      %dma_start3A_503 = tpu.memref_slice %arg2[%add3A_168] : memref<10240xi32, #tpu.memory_space<hbm>> -> memref<64xi32, #tpu.memory_space<hbm>>
      tpu.enqueue_dma source(%dma_start3A_503 : memref<64xi32, #tpu.memory_space<hbm>>) target(%arg8 : memref<64xi32, #tpu.memory_space<vmem>>) target_semaphore(%run_scoped3A : memref<!tpu.dma_semaphore, #tpu.memory_space<semaphore_mem>>)
      %dma_wait3A_504 = tpu.memref_slice %arg2[%add3A_168] : memref<10240xi32, #tpu.memory_space<hbm>> -> memref<64xi32, #tpu.memory_space<hbm>>
      %dma_wait3A_505 = tpu.memref_slice %arg2[%add3A_168] : memref<10240xi32, #tpu.memory_space<hbm>> -> memref<64xi32, #tpu.memory_space<hbm>>
      tpu.wait_dma2 semaphore(%run_scoped3A : memref<!tpu.dma_semaphore, #tpu.memory_space<semaphore_mem>>) src(%dma_wait3A_505 : memref<64xi32, #tpu.memory_space<hbm>>) dst(%arg8 : memref<64xi32, #tpu.memory_space<vmem>>)
      tpu.yield
    }) : () -> ()
    %dma_start3A_169 = arith.constant 0 : i32
    %dma_start3A_170 = arith.constant 0 : i32
    %dma_start3A_171 = tpu.memref_slice %arg11[%dma_start3A_169, %dma_start3A_170] : memref<112x128xf32, #tpu.memory_space<vmem>> -> memref<64x128xf32, #tpu.memory_space<vmem>>
    %dma_start3A_172 = arith.constant 0 : i32
    %dma_start3A_173 = arith.constant 0 : i32
    %dma_start3A_174 = tpu.memref_slice %arg4[%dma_start3A_172, %dma_start3A_173] : memref<100000x128xf32, #tpu.memory_space<hbm>> -> memref<100000x128xf32, #tpu.memory_space<hbm>>
    tpu.enqueue_indirect_dma source(%dma_start3A_174 : memref<100000x128xf32, #tpu.memory_space<hbm>>) target(%dma_start3A_171 : memref<64x128xf32, #tpu.memory_space<vmem>>) offsets(%arg8 : memref<64xi32, #tpu.memory_space<vmem>>) semaphore(%arg18 : memref<!tpu.dma_semaphore, #tpu.memory_space<semaphore_mem>>)
    %mul3A_175 = arith.constant 640 : i32
    %mul3A_176 = arith.muli %arg1, %mul3A_175 : i32
    %add3A_177 = arith.constant 384 : i32
    %add3A_178 = arith.addi %mul3A_176, %add3A_177 : i32
    "tpu.region"() ({
      %run_scoped3A = tpu.sem_alloc : memref<!tpu.dma_semaphore, #tpu.memory_space<semaphore_mem>>
      %dma_start3A_502 = arith.constant 0 : i32
      %dma_start3A_503 = arith.constant 0 : i32
      %dma_start3A_504 = tpu.memref_slice %arg10[%dma_start3A_502, %dma_start3A_503] : memref<112x128xf32, #tpu.memory_space<vmem>> -> memref<64x128xf32, #tpu.memory_space<vmem>>
      %dma_start3A_505 = arith.constant 0 : i32
      %dma_start3A_506 = tpu.memref_slice %arg7[%add3A_178, %dma_start3A_505] : memref<10240x128xf32, #tpu.memory_space<hbm>> -> memref<64x128xf32, #tpu.memory_space<hbm>>
      %dma_start3A_507 = arith.constant 0 : i32
      %dma_start3A_508 = tpu.memref_slice %arg7[%add3A_178, %dma_start3A_507] : memref<10240x128xf32, #tpu.memory_space<hbm>> -> memref<64x128xf32, #tpu.memory_space<hbm>>
      %dma_start3A_509 = arith.constant 0 : i32
      %dma_start3A_510 = arith.constant 0 : i32
      %dma_start3A_511 = tpu.memref_slice %arg10[%dma_start3A_509, %dma_start3A_510] : memref<112x128xf32, #tpu.memory_space<vmem>> -> memref<64x128xf32, #tpu.memory_space<vmem>>
      tpu.enqueue_dma source(%dma_start3A_511 : memref<64x128xf32, #tpu.memory_space<vmem>>) target(%dma_start3A_508 : memref<64x128xf32, #tpu.memory_space<hbm>>) target_semaphore(%run_scoped3A : memref<!tpu.dma_semaphore, #tpu.memory_space<semaphore_mem>>)
      %dma_wait3A_512 = arith.constant 0 : i32
      %dma_wait3A_513 = arith.constant 0 : i32
      %dma_wait3A_514 = tpu.memref_slice %arg10[%dma_wait3A_512, %dma_wait3A_513] : memref<112x128xf32, #tpu.memory_space<vmem>> -> memref<64x128xf32, #tpu.memory_space<vmem>>
      %dma_wait3A_515 = arith.constant 0 : i32
      %dma_wait3A_516 = tpu.memref_slice %arg7[%add3A_178, %dma_wait3A_515] : memref<10240x128xf32, #tpu.memory_space<hbm>> -> memref<64x128xf32, #tpu.memory_space<hbm>>
      %dma_wait3A_517 = arith.constant 0 : i32
      %dma_wait3A_518 = tpu.memref_slice %arg7[%add3A_178, %dma_wait3A_517] : memref<10240x128xf32, #tpu.memory_space<hbm>> -> memref<64x128xf32, #tpu.memory_space<hbm>>
      %dma_wait3A_519 = arith.constant 0 : i32
      %dma_wait3A_520 = arith.constant 0 : i32
      %dma_wait3A_521 = tpu.memref_slice %arg10[%dma_wait3A_519, %dma_wait3A_520] : memref<112x128xf32, #tpu.memory_space<vmem>> -> memref<64x128xf32, #tpu.memory_space<vmem>>
      tpu.wait_dma2 semaphore(%run_scoped3A : memref<!tpu.dma_semaphore, #tpu.memory_space<semaphore_mem>>) src(%dma_wait3A_521 : memref<64x128xf32, #tpu.memory_space<vmem>>) dst(%dma_wait3A_518 : memref<64x128xf32, #tpu.memory_space<hbm>>)
      tpu.yield
    }) : () -> ()
    %eq3A_179 = arith.constant 0 : i32
    %eq3A_180 = arith.cmpi eq, %arg0, %eq3A_179 : i32
    %convert_element_type3A_181 = arith.extui %eq3A_180 : i1 to i32
    %cond3A_182 = arith.constant 0 : i32
    %cond3A_183 = arith.cmpi ne, %convert_element_type3A_181, %cond3A_182 : i32
    scf.if %cond3A_183 {
      "tpu.region"() ({
        %run_scoped3A = tpu.sem_alloc : memref<!tpu.dma_semaphore, #tpu.memory_space<semaphore_mem>>
        %dma_start3A_502 = arith.constant 0 : i32
        %dma_start3A_503 = arith.constant 0 : i32
        %dma_start3A_504 = tpu.memref_slice %arg10[%dma_start3A_502, %dma_start3A_503] : memref<112x128xf32, #tpu.memory_space<vmem>> -> memref<64x128xf32, #tpu.memory_space<vmem>>
        %dma_start3A_505 = arith.constant 0 : i32
        %dma_start3A_506 = tpu.memref_slice %arg16[%add3A_178, %dma_start3A_505] : memref<10240x128xf32, #tpu.memory_space<vmem_shared>> -> memref<64x128xf32, #tpu.memory_space<vmem_shared>>
        %dma_start3A_507 = arith.constant 0 : i32
        %dma_start3A_508 = tpu.memref_slice %arg16[%add3A_178, %dma_start3A_507] : memref<10240x128xf32, #tpu.memory_space<vmem_shared>> -> memref<64x128xf32, #tpu.memory_space<vmem_shared>>
        %dma_start3A_509 = arith.constant 0 : i32
        %dma_start3A_510 = arith.constant 0 : i32
        %dma_start3A_511 = tpu.memref_slice %arg10[%dma_start3A_509, %dma_start3A_510] : memref<112x128xf32, #tpu.memory_space<vmem>> -> memref<64x128xf32, #tpu.memory_space<vmem>>
        tpu.enqueue_dma source(%dma_start3A_511 : memref<64x128xf32, #tpu.memory_space<vmem>>) target(%dma_start3A_508 : memref<64x128xf32, #tpu.memory_space<vmem_shared>>) target_semaphore(%run_scoped3A : memref<!tpu.dma_semaphore, #tpu.memory_space<semaphore_mem>>)
        %dma_wait3A_512 = arith.constant 0 : i32
        %dma_wait3A_513 = arith.constant 0 : i32
        %dma_wait3A_514 = tpu.memref_slice %arg10[%dma_wait3A_512, %dma_wait3A_513] : memref<112x128xf32, #tpu.memory_space<vmem>> -> memref<64x128xf32, #tpu.memory_space<vmem>>
        %dma_wait3A_515 = arith.constant 0 : i32
        %dma_wait3A_516 = tpu.memref_slice %arg16[%add3A_178, %dma_wait3A_515] : memref<10240x128xf32, #tpu.memory_space<vmem_shared>> -> memref<64x128xf32, #tpu.memory_space<vmem_shared>>
        %dma_wait3A_517 = arith.constant 0 : i32
        %dma_wait3A_518 = tpu.memref_slice %arg16[%add3A_178, %dma_wait3A_517] : memref<10240x128xf32, #tpu.memory_space<vmem_shared>> -> memref<64x128xf32, #tpu.memory_space<vmem_shared>>
        %dma_wait3A_519 = arith.constant 0 : i32
        %dma_wait3A_520 = arith.constant 0 : i32
        %dma_wait3A_521 = tpu.memref_slice %arg10[%dma_wait3A_519, %dma_wait3A_520] : memref<112x128xf32, #tpu.memory_space<vmem>> -> memref<64x128xf32, #tpu.memory_space<vmem>>
        tpu.wait_dma2 semaphore(%run_scoped3A : memref<!tpu.dma_semaphore, #tpu.memory_space<semaphore_mem>>) src(%dma_wait3A_521 : memref<64x128xf32, #tpu.memory_space<vmem>>) dst(%dma_wait3A_518 : memref<64x128xf32, #tpu.memory_space<vmem_shared>>)
        tpu.yield
      }) : () -> ()
    } else {
    }
    %dma_wait3A_184 = arith.constant 0 : i32
    %dma_wait3A_185 = arith.constant 0 : i32
    %dma_wait3A_186 = tpu.memref_slice %arg11[%dma_wait3A_184, %dma_wait3A_185] : memref<112x128xf32, #tpu.memory_space<vmem>> -> memref<64x128xf32, #tpu.memory_space<vmem>>
    %dma_wait3A_187 = arith.constant 0 : i32
    %dma_wait3A_188 = arith.constant 0 : i32
    %dma_wait3A_189 = tpu.memref_slice %arg4[%dma_wait3A_187, %dma_wait3A_188] : memref<100000x128xf32, #tpu.memory_space<hbm>> -> memref<100000x128xf32, #tpu.memory_space<hbm>>
    tpu.wait_indirect_dma semaphore(%arg18 : memref<!tpu.dma_semaphore, #tpu.memory_space<semaphore_mem>>) src(%dma_wait3A_189 : memref<100000x128xf32, #tpu.memory_space<hbm>>) dst(%dma_wait3A_186 : memref<64x128xf32, #tpu.memory_space<vmem>>)
    %mul3A_190 = arith.constant 640 : i32
    %mul3A_191 = arith.muli %arg1, %mul3A_190 : i32
    %add3A_192 = arith.constant 512 : i32
    %add3A_193 = arith.addi %mul3A_191, %add3A_192 : i32
    "tpu.region"() ({
      %run_scoped3A = tpu.sem_alloc : memref<!tpu.dma_semaphore, #tpu.memory_space<semaphore_mem>>
      %dma_start3A_502 = tpu.memref_slice %arg2[%add3A_193] : memref<10240xi32, #tpu.memory_space<hbm>> -> memref<64xi32, #tpu.memory_space<hbm>>
      %dma_start3A_503 = tpu.memref_slice %arg2[%add3A_193] : memref<10240xi32, #tpu.memory_space<hbm>> -> memref<64xi32, #tpu.memory_space<hbm>>
      tpu.enqueue_dma source(%dma_start3A_503 : memref<64xi32, #tpu.memory_space<hbm>>) target(%arg8 : memref<64xi32, #tpu.memory_space<vmem>>) target_semaphore(%run_scoped3A : memref<!tpu.dma_semaphore, #tpu.memory_space<semaphore_mem>>)
      %dma_wait3A_504 = tpu.memref_slice %arg2[%add3A_193] : memref<10240xi32, #tpu.memory_space<hbm>> -> memref<64xi32, #tpu.memory_space<hbm>>
      %dma_wait3A_505 = tpu.memref_slice %arg2[%add3A_193] : memref<10240xi32, #tpu.memory_space<hbm>> -> memref<64xi32, #tpu.memory_space<hbm>>
      tpu.wait_dma2 semaphore(%run_scoped3A : memref<!tpu.dma_semaphore, #tpu.memory_space<semaphore_mem>>) src(%dma_wait3A_505 : memref<64xi32, #tpu.memory_space<hbm>>) dst(%arg8 : memref<64xi32, #tpu.memory_space<vmem>>)
      tpu.yield
    }) : () -> ()
    %dma_start3A_194 = arith.constant 0 : i32
    %dma_start3A_195 = arith.constant 0 : i32
    %dma_start3A_196 = tpu.memref_slice %arg10[%dma_start3A_194, %dma_start3A_195] : memref<112x128xf32, #tpu.memory_space<vmem>> -> memref<64x128xf32, #tpu.memory_space<vmem>>
    %dma_start3A_197 = arith.constant 0 : i32
    %dma_start3A_198 = arith.constant 0 : i32
    %dma_start3A_199 = tpu.memref_slice %arg4[%dma_start3A_197, %dma_start3A_198] : memref<100000x128xf32, #tpu.memory_space<hbm>> -> memref<100000x128xf32, #tpu.memory_space<hbm>>
    tpu.enqueue_indirect_dma source(%dma_start3A_199 : memref<100000x128xf32, #tpu.memory_space<hbm>>) target(%dma_start3A_196 : memref<64x128xf32, #tpu.memory_space<vmem>>) offsets(%arg8 : memref<64xi32, #tpu.memory_space<vmem>>) semaphore(%arg17 : memref<!tpu.dma_semaphore, #tpu.memory_space<semaphore_mem>>)
    %mul3A_200 = arith.constant 640 : i32
    %mul3A_201 = arith.muli %arg1, %mul3A_200 : i32
    %add3A_202 = arith.constant 448 : i32
    %add3A_203 = arith.addi %mul3A_201, %add3A_202 : i32
    "tpu.region"() ({
      %run_scoped3A = tpu.sem_alloc : memref<!tpu.dma_semaphore, #tpu.memory_space<semaphore_mem>>
      %dma_start3A_502 = arith.constant 0 : i32
      %dma_start3A_503 = arith.constant 0 : i32
      %dma_start3A_504 = tpu.memref_slice %arg11[%dma_start3A_502, %dma_start3A_503] : memref<112x128xf32, #tpu.memory_space<vmem>> -> memref<64x128xf32, #tpu.memory_space<vmem>>
      %dma_start3A_505 = arith.constant 0 : i32
      %dma_start3A_506 = tpu.memref_slice %arg7[%add3A_203, %dma_start3A_505] : memref<10240x128xf32, #tpu.memory_space<hbm>> -> memref<64x128xf32, #tpu.memory_space<hbm>>
      %dma_start3A_507 = arith.constant 0 : i32
      %dma_start3A_508 = tpu.memref_slice %arg7[%add3A_203, %dma_start3A_507] : memref<10240x128xf32, #tpu.memory_space<hbm>> -> memref<64x128xf32, #tpu.memory_space<hbm>>
      %dma_start3A_509 = arith.constant 0 : i32
      %dma_start3A_510 = arith.constant 0 : i32
      %dma_start3A_511 = tpu.memref_slice %arg11[%dma_start3A_509, %dma_start3A_510] : memref<112x128xf32, #tpu.memory_space<vmem>> -> memref<64x128xf32, #tpu.memory_space<vmem>>
      tpu.enqueue_dma source(%dma_start3A_511 : memref<64x128xf32, #tpu.memory_space<vmem>>) target(%dma_start3A_508 : memref<64x128xf32, #tpu.memory_space<hbm>>) target_semaphore(%run_scoped3A : memref<!tpu.dma_semaphore, #tpu.memory_space<semaphore_mem>>)
      %dma_wait3A_512 = arith.constant 0 : i32
      %dma_wait3A_513 = arith.constant 0 : i32
      %dma_wait3A_514 = tpu.memref_slice %arg11[%dma_wait3A_512, %dma_wait3A_513] : memref<112x128xf32, #tpu.memory_space<vmem>> -> memref<64x128xf32, #tpu.memory_space<vmem>>
      %dma_wait3A_515 = arith.constant 0 : i32
      %dma_wait3A_516 = tpu.memref_slice %arg7[%add3A_203, %dma_wait3A_515] : memref<10240x128xf32, #tpu.memory_space<hbm>> -> memref<64x128xf32, #tpu.memory_space<hbm>>
      %dma_wait3A_517 = arith.constant 0 : i32
      %dma_wait3A_518 = tpu.memref_slice %arg7[%add3A_203, %dma_wait3A_517] : memref<10240x128xf32, #tpu.memory_space<hbm>> -> memref<64x128xf32, #tpu.memory_space<hbm>>
      %dma_wait3A_519 = arith.constant 0 : i32
      %dma_wait3A_520 = arith.constant 0 : i32
      %dma_wait3A_521 = tpu.memref_slice %arg11[%dma_wait3A_519, %dma_wait3A_520] : memref<112x128xf32, #tpu.memory_space<vmem>> -> memref<64x128xf32, #tpu.memory_space<vmem>>
      tpu.wait_dma2 semaphore(%run_scoped3A : memref<!tpu.dma_semaphore, #tpu.memory_space<semaphore_mem>>) src(%dma_wait3A_521 : memref<64x128xf32, #tpu.memory_space<vmem>>) dst(%dma_wait3A_518 : memref<64x128xf32, #tpu.memory_space<hbm>>)
      tpu.yield
    }) : () -> ()
    %eq3A_204 = arith.constant 0 : i32
    %eq3A_205 = arith.cmpi eq, %arg0, %eq3A_204 : i32
    %convert_element_type3A_206 = arith.extui %eq3A_205 : i1 to i32
    %cond3A_207 = arith.constant 0 : i32
    %cond3A_208 = arith.cmpi ne, %convert_element_type3A_206, %cond3A_207 : i32
    scf.if %cond3A_208 {
      "tpu.region"() ({
        %run_scoped3A = tpu.sem_alloc : memref<!tpu.dma_semaphore, #tpu.memory_space<semaphore_mem>>
        %dma_start3A_502 = arith.constant 0 : i32
        %dma_start3A_503 = arith.constant 0 : i32
        %dma_start3A_504 = tpu.memref_slice %arg11[%dma_start3A_502, %dma_start3A_503] : memref<112x128xf32, #tpu.memory_space<vmem>> -> memref<64x128xf32, #tpu.memory_space<vmem>>
        %dma_start3A_505 = arith.constant 0 : i32
        %dma_start3A_506 = tpu.memref_slice %arg16[%add3A_203, %dma_start3A_505] : memref<10240x128xf32, #tpu.memory_space<vmem_shared>> -> memref<64x128xf32, #tpu.memory_space<vmem_shared>>
        %dma_start3A_507 = arith.constant 0 : i32
        %dma_start3A_508 = tpu.memref_slice %arg16[%add3A_203, %dma_start3A_507] : memref<10240x128xf32, #tpu.memory_space<vmem_shared>> -> memref<64x128xf32, #tpu.memory_space<vmem_shared>>
        %dma_start3A_509 = arith.constant 0 : i32
        %dma_start3A_510 = arith.constant 0 : i32
        %dma_start3A_511 = tpu.memref_slice %arg11[%dma_start3A_509, %dma_start3A_510] : memref<112x128xf32, #tpu.memory_space<vmem>> -> memref<64x128xf32, #tpu.memory_space<vmem>>
        tpu.enqueue_dma source(%dma_start3A_511 : memref<64x128xf32, #tpu.memory_space<vmem>>) target(%dma_start3A_508 : memref<64x128xf32, #tpu.memory_space<vmem_shared>>) target_semaphore(%run_scoped3A : memref<!tpu.dma_semaphore, #tpu.memory_space<semaphore_mem>>)
        %dma_wait3A_512 = arith.constant 0 : i32
        %dma_wait3A_513 = arith.constant 0 : i32
        %dma_wait3A_514 = tpu.memref_slice %arg11[%dma_wait3A_512, %dma_wait3A_513] : memref<112x128xf32, #tpu.memory_space<vmem>> -> memref<64x128xf32, #tpu.memory_space<vmem>>
        %dma_wait3A_515 = arith.constant 0 : i32
        %dma_wait3A_516 = tpu.memref_slice %arg16[%add3A_203, %dma_wait3A_515] : memref<10240x128xf32, #tpu.memory_space<vmem_shared>> -> memref<64x128xf32, #tpu.memory_space<vmem_shared>>
        %dma_wait3A_517 = arith.constant 0 : i32
        %dma_wait3A_518 = tpu.memref_slice %arg16[%add3A_203, %dma_wait3A_517] : memref<10240x128xf32, #tpu.memory_space<vmem_shared>> -> memref<64x128xf32, #tpu.memory_space<vmem_shared>>
        %dma_wait3A_519 = arith.constant 0 : i32
        %dma_wait3A_520 = arith.constant 0 : i32
        %dma_wait3A_521 = tpu.memref_slice %arg11[%dma_wait3A_519, %dma_wait3A_520] : memref<112x128xf32, #tpu.memory_space<vmem>> -> memref<64x128xf32, #tpu.memory_space<vmem>>
        tpu.wait_dma2 semaphore(%run_scoped3A : memref<!tpu.dma_semaphore, #tpu.memory_space<semaphore_mem>>) src(%dma_wait3A_521 : memref<64x128xf32, #tpu.memory_space<vmem>>) dst(%dma_wait3A_518 : memref<64x128xf32, #tpu.memory_space<vmem_shared>>)
        tpu.yield
      }) : () -> ()
    } else {
    }
    %dma_wait3A_209 = arith.constant 0 : i32
    %dma_wait3A_210 = arith.constant 0 : i32
    %dma_wait3A_211 = tpu.memref_slice %arg10[%dma_wait3A_209, %dma_wait3A_210] : memref<112x128xf32, #tpu.memory_space<vmem>> -> memref<64x128xf32, #tpu.memory_space<vmem>>
    %dma_wait3A_212 = arith.constant 0 : i32
    %dma_wait3A_213 = arith.constant 0 : i32
    %dma_wait3A_214 = tpu.memref_slice %arg4[%dma_wait3A_212, %dma_wait3A_213] : memref<100000x128xf32, #tpu.memory_space<hbm>> -> memref<100000x128xf32, #tpu.memory_space<hbm>>
    tpu.wait_indirect_dma semaphore(%arg17 : memref<!tpu.dma_semaphore, #tpu.memory_space<semaphore_mem>>) src(%dma_wait3A_214 : memref<100000x128xf32, #tpu.memory_space<hbm>>) dst(%dma_wait3A_211 : memref<64x128xf32, #tpu.memory_space<vmem>>)
    %mul3A_215 = arith.constant 640 : i32
    %mul3A_216 = arith.muli %arg1, %mul3A_215 : i32
    %add3A_217 = arith.constant 576 : i32
    %add3A_218 = arith.addi %mul3A_216, %add3A_217 : i32
    "tpu.region"() ({
      %run_scoped3A = tpu.sem_alloc : memref<!tpu.dma_semaphore, #tpu.memory_space<semaphore_mem>>
      %dma_start3A_502 = tpu.memref_slice %arg2[%add3A_218] : memref<10240xi32, #tpu.memory_space<hbm>> -> memref<64xi32, #tpu.memory_space<hbm>>
      %dma_start3A_503 = tpu.memref_slice %arg2[%add3A_218] : memref<10240xi32, #tpu.memory_space<hbm>> -> memref<64xi32, #tpu.memory_space<hbm>>
      tpu.enqueue_dma source(%dma_start3A_503 : memref<64xi32, #tpu.memory_space<hbm>>) target(%arg8 : memref<64xi32, #tpu.memory_space<vmem>>) target_semaphore(%run_scoped3A : memref<!tpu.dma_semaphore, #tpu.memory_space<semaphore_mem>>)
      %dma_wait3A_504 = tpu.memref_slice %arg2[%add3A_218] : memref<10240xi32, #tpu.memory_space<hbm>> -> memref<64xi32, #tpu.memory_space<hbm>>
      %dma_wait3A_505 = tpu.memref_slice %arg2[%add3A_218] : memref<10240xi32, #tpu.memory_space<hbm>> -> memref<64xi32, #tpu.memory_space<hbm>>
      tpu.wait_dma2 semaphore(%run_scoped3A : memref<!tpu.dma_semaphore, #tpu.memory_space<semaphore_mem>>) src(%dma_wait3A_505 : memref<64xi32, #tpu.memory_space<hbm>>) dst(%arg8 : memref<64xi32, #tpu.memory_space<vmem>>)
      tpu.yield
    }) : () -> ()
    %dma_start3A_219 = arith.constant 0 : i32
    %dma_start3A_220 = arith.constant 0 : i32
    %dma_start3A_221 = tpu.memref_slice %arg11[%dma_start3A_219, %dma_start3A_220] : memref<112x128xf32, #tpu.memory_space<vmem>> -> memref<64x128xf32, #tpu.memory_space<vmem>>
    %dma_start3A_222 = arith.constant 0 : i32
    %dma_start3A_223 = arith.constant 0 : i32
    %dma_start3A_224 = tpu.memref_slice %arg4[%dma_start3A_222, %dma_start3A_223] : memref<100000x128xf32, #tpu.memory_space<hbm>> -> memref<100000x128xf32, #tpu.memory_space<hbm>>
    tpu.enqueue_indirect_dma source(%dma_start3A_224 : memref<100000x128xf32, #tpu.memory_space<hbm>>) target(%dma_start3A_221 : memref<64x128xf32, #tpu.memory_space<vmem>>) offsets(%arg8 : memref<64xi32, #tpu.memory_space<vmem>>) semaphore(%arg18 : memref<!tpu.dma_semaphore, #tpu.memory_space<semaphore_mem>>)
    %mul3A_225 = arith.constant 640 : i32
    %mul3A_226 = arith.muli %arg1, %mul3A_225 : i32
    %add3A_227 = arith.constant 512 : i32
    %add3A_228 = arith.addi %mul3A_226, %add3A_227 : i32
    "tpu.region"() ({
      %run_scoped3A = tpu.sem_alloc : memref<!tpu.dma_semaphore, #tpu.memory_space<semaphore_mem>>
      %dma_start3A_502 = arith.constant 0 : i32
      %dma_start3A_503 = arith.constant 0 : i32
      %dma_start3A_504 = tpu.memref_slice %arg10[%dma_start3A_502, %dma_start3A_503] : memref<112x128xf32, #tpu.memory_space<vmem>> -> memref<64x128xf32, #tpu.memory_space<vmem>>
      %dma_start3A_505 = arith.constant 0 : i32
      %dma_start3A_506 = tpu.memref_slice %arg7[%add3A_228, %dma_start3A_505] : memref<10240x128xf32, #tpu.memory_space<hbm>> -> memref<64x128xf32, #tpu.memory_space<hbm>>
      %dma_start3A_507 = arith.constant 0 : i32
      %dma_start3A_508 = tpu.memref_slice %arg7[%add3A_228, %dma_start3A_507] : memref<10240x128xf32, #tpu.memory_space<hbm>> -> memref<64x128xf32, #tpu.memory_space<hbm>>
      %dma_start3A_509 = arith.constant 0 : i32
      %dma_start3A_510 = arith.constant 0 : i32
      %dma_start3A_511 = tpu.memref_slice %arg10[%dma_start3A_509, %dma_start3A_510] : memref<112x128xf32, #tpu.memory_space<vmem>> -> memref<64x128xf32, #tpu.memory_space<vmem>>
      tpu.enqueue_dma source(%dma_start3A_511 : memref<64x128xf32, #tpu.memory_space<vmem>>) target(%dma_start3A_508 : memref<64x128xf32, #tpu.memory_space<hbm>>) target_semaphore(%run_scoped3A : memref<!tpu.dma_semaphore, #tpu.memory_space<semaphore_mem>>)
      %dma_wait3A_512 = arith.constant 0 : i32
      %dma_wait3A_513 = arith.constant 0 : i32
      %dma_wait3A_514 = tpu.memref_slice %arg10[%dma_wait3A_512, %dma_wait3A_513] : memref<112x128xf32, #tpu.memory_space<vmem>> -> memref<64x128xf32, #tpu.memory_space<vmem>>
      %dma_wait3A_515 = arith.constant 0 : i32
      %dma_wait3A_516 = tpu.memref_slice %arg7[%add3A_228, %dma_wait3A_515] : memref<10240x128xf32, #tpu.memory_space<hbm>> -> memref<64x128xf32, #tpu.memory_space<hbm>>
      %dma_wait3A_517 = arith.constant 0 : i32
      %dma_wait3A_518 = tpu.memref_slice %arg7[%add3A_228, %dma_wait3A_517] : memref<10240x128xf32, #tpu.memory_space<hbm>> -> memref<64x128xf32, #tpu.memory_space<hbm>>
      %dma_wait3A_519 = arith.constant 0 : i32
      %dma_wait3A_520 = arith.constant 0 : i32
      %dma_wait3A_521 = tpu.memref_slice %arg10[%dma_wait3A_519, %dma_wait3A_520] : memref<112x128xf32, #tpu.memory_space<vmem>> -> memref<64x128xf32, #tpu.memory_space<vmem>>
      tpu.wait_dma2 semaphore(%run_scoped3A : memref<!tpu.dma_semaphore, #tpu.memory_space<semaphore_mem>>) src(%dma_wait3A_521 : memref<64x128xf32, #tpu.memory_space<vmem>>) dst(%dma_wait3A_518 : memref<64x128xf32, #tpu.memory_space<hbm>>)
      tpu.yield
    }) : () -> ()
    %eq3A_229 = arith.constant 0 : i32
    %eq3A_230 = arith.cmpi eq, %arg0, %eq3A_229 : i32
    %convert_element_type3A_231 = arith.extui %eq3A_230 : i1 to i32
    %cond3A_232 = arith.constant 0 : i32
    %cond3A_233 = arith.cmpi ne, %convert_element_type3A_231, %cond3A_232 : i32
    scf.if %cond3A_233 {
      "tpu.region"() ({
        %run_scoped3A = tpu.sem_alloc : memref<!tpu.dma_semaphore, #tpu.memory_space<semaphore_mem>>
        %dma_start3A_502 = arith.constant 0 : i32
        %dma_start3A_503 = arith.constant 0 : i32
        %dma_start3A_504 = tpu.memref_slice %arg10[%dma_start3A_502, %dma_start3A_503] : memref<112x128xf32, #tpu.memory_space<vmem>> -> memref<64x128xf32, #tpu.memory_space<vmem>>
        %dma_start3A_505 = arith.constant 0 : i32
        %dma_start3A_506 = tpu.memref_slice %arg16[%add3A_228, %dma_start3A_505] : memref<10240x128xf32, #tpu.memory_space<vmem_shared>> -> memref<64x128xf32, #tpu.memory_space<vmem_shared>>
        %dma_start3A_507 = arith.constant 0 : i32
        %dma_start3A_508 = tpu.memref_slice %arg16[%add3A_228, %dma_start3A_507] : memref<10240x128xf32, #tpu.memory_space<vmem_shared>> -> memref<64x128xf32, #tpu.memory_space<vmem_shared>>
        %dma_start3A_509 = arith.constant 0 : i32
        %dma_start3A_510 = arith.constant 0 : i32
        %dma_start3A_511 = tpu.memref_slice %arg10[%dma_start3A_509, %dma_start3A_510] : memref<112x128xf32, #tpu.memory_space<vmem>> -> memref<64x128xf32, #tpu.memory_space<vmem>>
        tpu.enqueue_dma source(%dma_start3A_511 : memref<64x128xf32, #tpu.memory_space<vmem>>) target(%dma_start3A_508 : memref<64x128xf32, #tpu.memory_space<vmem_shared>>) target_semaphore(%run_scoped3A : memref<!tpu.dma_semaphore, #tpu.memory_space<semaphore_mem>>)
        %dma_wait3A_512 = arith.constant 0 : i32
        %dma_wait3A_513 = arith.constant 0 : i32
        %dma_wait3A_514 = tpu.memref_slice %arg10[%dma_wait3A_512, %dma_wait3A_513] : memref<112x128xf32, #tpu.memory_space<vmem>> -> memref<64x128xf32, #tpu.memory_space<vmem>>
        %dma_wait3A_515 = arith.constant 0 : i32
        %dma_wait3A_516 = tpu.memref_slice %arg16[%add3A_228, %dma_wait3A_515] : memref<10240x128xf32, #tpu.memory_space<vmem_shared>> -> memref<64x128xf32, #tpu.memory_space<vmem_shared>>
        %dma_wait3A_517 = arith.constant 0 : i32
        %dma_wait3A_518 = tpu.memref_slice %arg16[%add3A_228, %dma_wait3A_517] : memref<10240x128xf32, #tpu.memory_space<vmem_shared>> -> memref<64x128xf32, #tpu.memory_space<vmem_shared>>
        %dma_wait3A_519 = arith.constant 0 : i32
        %dma_wait3A_520 = arith.constant 0 : i32
        %dma_wait3A_521 = tpu.memref_slice %arg10[%dma_wait3A_519, %dma_wait3A_520] : memref<112x128xf32, #tpu.memory_space<vmem>> -> memref<64x128xf32, #tpu.memory_space<vmem>>
        tpu.wait_dma2 semaphore(%run_scoped3A : memref<!tpu.dma_semaphore, #tpu.memory_space<semaphore_mem>>) src(%dma_wait3A_521 : memref<64x128xf32, #tpu.memory_space<vmem>>) dst(%dma_wait3A_518 : memref<64x128xf32, #tpu.memory_space<vmem_shared>>)
        tpu.yield
      }) : () -> ()
    } else {
    }
    %dma_wait3A_234 = arith.constant 0 : i32
    %dma_wait3A_235 = arith.constant 0 : i32
    %dma_wait3A_236 = tpu.memref_slice %arg11[%dma_wait3A_234, %dma_wait3A_235] : memref<112x128xf32, #tpu.memory_space<vmem>> -> memref<64x128xf32, #tpu.memory_space<vmem>>
    %dma_wait3A_237 = arith.constant 0 : i32
    %dma_wait3A_238 = arith.constant 0 : i32
    %dma_wait3A_239 = tpu.memref_slice %arg4[%dma_wait3A_237, %dma_wait3A_238] : memref<100000x128xf32, #tpu.memory_space<hbm>> -> memref<100000x128xf32, #tpu.memory_space<hbm>>
    tpu.wait_indirect_dma semaphore(%arg18 : memref<!tpu.dma_semaphore, #tpu.memory_space<semaphore_mem>>) src(%dma_wait3A_239 : memref<100000x128xf32, #tpu.memory_space<hbm>>) dst(%dma_wait3A_236 : memref<64x128xf32, #tpu.memory_space<vmem>>)
    %mul3A_240 = arith.constant 640 : i32
    %mul3A_241 = arith.muli %arg1, %mul3A_240 : i32
    %add3A_242 = arith.constant 576 : i32
    %add3A_243 = arith.addi %mul3A_241, %add3A_242 : i32
    "tpu.region"() ({
      %run_scoped3A = tpu.sem_alloc : memref<!tpu.dma_semaphore, #tpu.memory_space<semaphore_mem>>
      %dma_start3A_502 = arith.constant 0 : i32
      %dma_start3A_503 = arith.constant 0 : i32
      %dma_start3A_504 = tpu.memref_slice %arg11[%dma_start3A_502, %dma_start3A_503] : memref<112x128xf32, #tpu.memory_space<vmem>> -> memref<64x128xf32, #tpu.memory_space<vmem>>
      %dma_start3A_505 = arith.constant 0 : i32
      %dma_start3A_506 = tpu.memref_slice %arg7[%add3A_243, %dma_start3A_505] : memref<10240x128xf32, #tpu.memory_space<hbm>> -> memref<64x128xf32, #tpu.memory_space<hbm>>
      %dma_start3A_507 = arith.constant 0 : i32
      %dma_start3A_508 = tpu.memref_slice %arg7[%add3A_243, %dma_start3A_507] : memref<10240x128xf32, #tpu.memory_space<hbm>> -> memref<64x128xf32, #tpu.memory_space<hbm>>
      %dma_start3A_509 = arith.constant 0 : i32
      %dma_start3A_510 = arith.constant 0 : i32
      %dma_start3A_511 = tpu.memref_slice %arg11[%dma_start3A_509, %dma_start3A_510] : memref<112x128xf32, #tpu.memory_space<vmem>> -> memref<64x128xf32, #tpu.memory_space<vmem>>
      tpu.enqueue_dma source(%dma_start3A_511 : memref<64x128xf32, #tpu.memory_space<vmem>>) target(%dma_start3A_508 : memref<64x128xf32, #tpu.memory_space<hbm>>) target_semaphore(%run_scoped3A : memref<!tpu.dma_semaphore, #tpu.memory_space<semaphore_mem>>)
      %dma_wait3A_512 = arith.constant 0 : i32
      %dma_wait3A_513 = arith.constant 0 : i32
      %dma_wait3A_514 = tpu.memref_slice %arg11[%dma_wait3A_512, %dma_wait3A_513] : memref<112x128xf32, #tpu.memory_space<vmem>> -> memref<64x128xf32, #tpu.memory_space<vmem>>
      %dma_wait3A_515 = arith.constant 0 : i32
      %dma_wait3A_516 = tpu.memref_slice %arg7[%add3A_243, %dma_wait3A_515] : memref<10240x128xf32, #tpu.memory_space<hbm>> -> memref<64x128xf32, #tpu.memory_space<hbm>>
      %dma_wait3A_517 = arith.constant 0 : i32
      %dma_wait3A_518 = tpu.memref_slice %arg7[%add3A_243, %dma_wait3A_517] : memref<10240x128xf32, #tpu.memory_space<hbm>> -> memref<64x128xf32, #tpu.memory_space<hbm>>
      %dma_wait3A_519 = arith.constant 0 : i32
      %dma_wait3A_520 = arith.constant 0 : i32
      %dma_wait3A_521 = tpu.memref_slice %arg11[%dma_wait3A_519, %dma_wait3A_520] : memref<112x128xf32, #tpu.memory_space<vmem>> -> memref<64x128xf32, #tpu.memory_space<vmem>>
      tpu.wait_dma2 semaphore(%run_scoped3A : memref<!tpu.dma_semaphore, #tpu.memory_space<semaphore_mem>>) src(%dma_wait3A_521 : memref<64x128xf32, #tpu.memory_space<vmem>>) dst(%dma_wait3A_518 : memref<64x128xf32, #tpu.memory_space<hbm>>)
      tpu.yield
    }) : () -> ()
    %eq3A_244 = arith.constant 0 : i32
    %eq3A_245 = arith.cmpi eq, %arg0, %eq3A_244 : i32
    %convert_element_type3A_246 = arith.extui %eq3A_245 : i1 to i32
    %cond3A_247 = arith.constant 0 : i32
    %cond3A_248 = arith.cmpi ne, %convert_element_type3A_246, %cond3A_247 : i32
    scf.if %cond3A_248 {
      "tpu.region"() ({
        %run_scoped3A = tpu.sem_alloc : memref<!tpu.dma_semaphore, #tpu.memory_space<semaphore_mem>>
        %dma_start3A_502 = arith.constant 0 : i32
        %dma_start3A_503 = arith.constant 0 : i32
        %dma_start3A_504 = tpu.memref_slice %arg11[%dma_start3A_502, %dma_start3A_503] : memref<112x128xf32, #tpu.memory_space<vmem>> -> memref<64x128xf32, #tpu.memory_space<vmem>>
        %dma_start3A_505 = arith.constant 0 : i32
        %dma_start3A_506 = tpu.memref_slice %arg16[%add3A_243, %dma_start3A_505] : memref<10240x128xf32, #tpu.memory_space<vmem_shared>> -> memref<64x128xf32, #tpu.memory_space<vmem_shared>>
        %dma_start3A_507 = arith.constant 0 : i32
        %dma_start3A_508 = tpu.memref_slice %arg16[%add3A_243, %dma_start3A_507] : memref<10240x128xf32, #tpu.memory_space<vmem_shared>> -> memref<64x128xf32, #tpu.memory_space<vmem_shared>>
        %dma_start3A_509 = arith.constant 0 : i32
        %dma_start3A_510 = arith.constant 0 : i32
        %dma_start3A_511 = tpu.memref_slice %arg11[%dma_start3A_509, %dma_start3A_510] : memref<112x128xf32, #tpu.memory_space<vmem>> -> memref<64x128xf32, #tpu.memory_space<vmem>>
        tpu.enqueue_dma source(%dma_start3A_511 : memref<64x128xf32, #tpu.memory_space<vmem>>) target(%dma_start3A_508 : memref<64x128xf32, #tpu.memory_space<vmem_shared>>) target_semaphore(%run_scoped3A : memref<!tpu.dma_semaphore, #tpu.memory_space<semaphore_mem>>)
        %dma_wait3A_512 = arith.constant 0 : i32
        %dma_wait3A_513 = arith.constant 0 : i32
        %dma_wait3A_514 = tpu.memref_slice %arg11[%dma_wait3A_512, %dma_wait3A_513] : memref<112x128xf32, #tpu.memory_space<vmem>> -> memref<64x128xf32, #tpu.memory_space<vmem>>
        %dma_wait3A_515 = arith.constant 0 : i32
        %dma_wait3A_516 = tpu.memref_slice %arg16[%add3A_243, %dma_wait3A_515] : memref<10240x128xf32, #tpu.memory_space<vmem_shared>> -> memref<64x128xf32, #tpu.memory_space<vmem_shared>>
        %dma_wait3A_517 = arith.constant 0 : i32
        %dma_wait3A_518 = tpu.memref_slice %arg16[%add3A_243, %dma_wait3A_517] : memref<10240x128xf32, #tpu.memory_space<vmem_shared>> -> memref<64x128xf32, #tpu.memory_space<vmem_shared>>
        %dma_wait3A_519 = arith.constant 0 : i32
        %dma_wait3A_520 = arith.constant 0 : i32
        %dma_wait3A_521 = tpu.memref_slice %arg11[%dma_wait3A_519, %dma_wait3A_520] : memref<112x128xf32, #tpu.memory_space<vmem>> -> memref<64x128xf32, #tpu.memory_space<vmem>>
        tpu.wait_dma2 semaphore(%run_scoped3A : memref<!tpu.dma_semaphore, #tpu.memory_space<semaphore_mem>>) src(%dma_wait3A_521 : memref<64x128xf32, #tpu.memory_space<vmem>>) dst(%dma_wait3A_518 : memref<64x128xf32, #tpu.memory_space<vmem_shared>>)
        tpu.yield
      }) : () -> ()
    } else {
    }
    %barrier3A = arith.constant 0 : index
    tpu.barrier barrier_id(%barrier3A)
    %mul3A_249 = arith.constant 15 : i32
    %mul3A_250 = arith.muli %add3A, %mul3A_249 : i32
    %mul3A_251 = arith.constant 8 : i32
    %mul3A_252 = arith.muli %mul3A_250, %mul3A_251 : i32
    %dma_start3A_253 = arith.constant 0 : i32
    %dma_start3A_254 = arith.constant 0 : i32
    %dma_start3A_255 = tpu.memref_slice %arg3[%dma_start3A_253, %mul3A_252, %dma_start3A_254] : memref<2x3840x112xi32, #tpu.memory_space<hbm>> -> memref<1x8x112xi32, #tpu.memory_space<hbm>>
    %dma_start3A_256 = tpu.memref_squeeze %dma_start3A_255 : memref<1x8x112xi32, #tpu.memory_space<hbm>> -> memref<8x112xi32, #tpu.memory_space<hbm>>
    %dma_start3A_257 = arith.constant 0 : i32
    %dma_start3A_258 = tpu.memref_slice %arg3[%dma_start3A_253, %mul3A_252, %dma_start3A_257] : memref<2x3840x112xi32, #tpu.memory_space<hbm>> -> memref<1x8x112xi32, #tpu.memory_space<hbm>>
    %dma_start3A_259 = tpu.memref_squeeze %dma_start3A_258 : memref<1x8x112xi32, #tpu.memory_space<hbm>> -> memref<8x112xi32, #tpu.memory_space<hbm>>
    tpu.enqueue_dma source(%dma_start3A_259 : memref<8x112xi32, #tpu.memory_space<hbm>>) target(%arg12 : memref<8x112xi32, #tpu.memory_space<vmem>>) target_semaphore(%arg19 : memref<!tpu.dma_semaphore, #tpu.memory_space<semaphore_mem>>)
    %mul3A_260 = arith.constant 8 : i32
    %mul3A_261 = arith.muli %mul3A_250, %mul3A_260 : i32
    %dma_start3A_262 = arith.constant 1 : i32
    %dma_start3A_263 = arith.constant 0 : i32
    %dma_start3A_264 = tpu.memref_slice %arg3[%dma_start3A_262, %mul3A_261, %dma_start3A_263] : memref<2x3840x112xi32, #tpu.memory_space<hbm>> -> memref<1x8x112xi32, #tpu.memory_space<hbm>>
    %dma_start3A_265 = tpu.memref_squeeze %dma_start3A_264 : memref<1x8x112xi32, #tpu.memory_space<hbm>> -> memref<8x112xi32, #tpu.memory_space<hbm>>
    %dma_start3A_266 = arith.constant 0 : i32
    %dma_start3A_267 = tpu.memref_slice %arg3[%dma_start3A_262, %mul3A_261, %dma_start3A_266] : memref<2x3840x112xi32, #tpu.memory_space<hbm>> -> memref<1x8x112xi32, #tpu.memory_space<hbm>>
    %dma_start3A_268 = tpu.memref_squeeze %dma_start3A_267 : memref<1x8x112xi32, #tpu.memory_space<hbm>> -> memref<8x112xi32, #tpu.memory_space<hbm>>
    tpu.enqueue_dma source(%dma_start3A_268 : memref<8x112xi32, #tpu.memory_space<hbm>>) target(%arg13 : memref<8x112xi32, #tpu.memory_space<vmem>>) target_semaphore(%arg19 : memref<!tpu.dma_semaphore, #tpu.memory_space<semaphore_mem>>)
    %scan3A = arith.constant 0 : i32
    %scan3A_269 = arith.constant 0 : i32
    %scan3A_270 = arith.constant 7 : i32
    %scan3A_271 = arith.addi %scan3A_269, %scan3A_270 : i32
    %scan3A_272 = arith.constant 1 : i32
    scf.for %scan3A_502 = %scan3A_269 to %scan3A_271 step %scan3A_272  : i32 {
      %gt3A = arith.constant 0 : i32
      %gt3A_503 = arith.cmpi sgt, %scan3A_502, %gt3A : i32
      %convert_element_type3A_504 = arith.extui %gt3A_503 : i1 to i32
      %cond3A_505 = arith.constant 0 : i32
      %cond3A_506 = arith.cmpi ne, %convert_element_type3A_504, %cond3A_505 : i32
      scf.if %cond3A_506 {
        %dma_wait3A_913 = arith.constant 0 : i32
        %dma_wait3A_914 = arith.constant 0 : i32
        %dma_wait3A_915 = tpu.memref_slice %arg13[%dma_wait3A_913, %dma_wait3A_914] : memref<8x112xi32, #tpu.memory_space<vmem>> -> memref<1x112xi32, #tpu.memory_space<vmem>>
        %dma_wait3A_916 = tpu.memref_squeeze %dma_wait3A_915 : memref<1x112xi32, #tpu.memory_space<vmem>> -> memref<112xi32, #tpu.memory_space<vmem>>
        %dma_wait3A_917 = arith.constant 0 : i32
        %dma_wait3A_918 = arith.constant 0 : i32
        %dma_wait3A_919 = tpu.memref_slice %arg16[%dma_wait3A_917, %dma_wait3A_918] : memref<10240x128xf32, #tpu.memory_space<vmem_shared>> -> memref<10240x128xf32, #tpu.memory_space<vmem_shared>>
        tpu.wait_indirect_dma semaphore(%arg24 : memref<!tpu.dma_semaphore, #tpu.memory_space<semaphore_mem>>) src(%arg9 : memref<112x128xf32, #tpu.memory_space<vmem>>) dst(%dma_wait3A_919 : memref<10240x128xf32, #tpu.memory_space<vmem_shared>>)
      } else {
      }
      %mul3A_507 = arith.constant 2 : i32
      %mul3A_508 = arith.muli %mul3A_507, %scan3A_502 : i32
      %add3A_509 = arith.addi %mul3A_250, %mul3A_508 : i32
      %mul3A_510 = arith.constant 8 : i32
      %mul3A_511 = arith.muli %add3A_509, %mul3A_510 : i32
      %dma_wait3A_512 = arith.constant 0 : i32
      %dma_wait3A_513 = arith.constant 0 : i32
      %dma_wait3A_514 = tpu.memref_slice %arg3[%dma_wait3A_512, %mul3A_511, %dma_wait3A_513] : memref<2x3840x112xi32, #tpu.memory_space<hbm>> -> memref<1x8x112xi32, #tpu.memory_space<hbm>>
      %dma_wait3A_515 = tpu.memref_squeeze %dma_wait3A_514 : memref<1x8x112xi32, #tpu.memory_space<hbm>> -> memref<8x112xi32, #tpu.memory_space<hbm>>
      %dma_wait3A_516 = arith.constant 0 : i32
      %dma_wait3A_517 = tpu.memref_slice %arg3[%dma_wait3A_512, %mul3A_511, %dma_wait3A_516] : memref<2x3840x112xi32, #tpu.memory_space<hbm>> -> memref<1x8x112xi32, #tpu.memory_space<hbm>>
      %dma_wait3A_518 = tpu.memref_squeeze %dma_wait3A_517 : memref<1x8x112xi32, #tpu.memory_space<hbm>> -> memref<8x112xi32, #tpu.memory_space<hbm>>
      tpu.wait_dma2 semaphore(%arg19 : memref<!tpu.dma_semaphore, #tpu.memory_space<semaphore_mem>>) src(%dma_wait3A_518 : memref<8x112xi32, #tpu.memory_space<hbm>>) dst(%arg12 : memref<8x112xi32, #tpu.memory_space<vmem>>)
      %mul3A_519 = arith.constant 8 : i32
      %mul3A_520 = arith.muli %add3A_509, %mul3A_519 : i32
      %dma_wait3A_521 = arith.constant 1 : i32
      %dma_wait3A_522 = arith.constant 0 : i32
      %dma_wait3A_523 = tpu.memref_slice %arg3[%dma_wait3A_521, %mul3A_520, %dma_wait3A_522] : memref<2x3840x112xi32, #tpu.memory_space<hbm>> -> memref<1x8x112xi32, #tpu.memory_space<hbm>>
      %dma_wait3A_524 = tpu.memref_squeeze %dma_wait3A_523 : memref<1x8x112xi32, #tpu.memory_space<hbm>> -> memref<8x112xi32, #tpu.memory_space<hbm>>
      %dma_wait3A_525 = arith.constant 0 : i32
      %dma_wait3A_526 = tpu.memref_slice %arg3[%dma_wait3A_521, %mul3A_520, %dma_wait3A_525] : memref<2x3840x112xi32, #tpu.memory_space<hbm>> -> memref<1x8x112xi32, #tpu.memory_space<hbm>>
      %dma_wait3A_527 = tpu.memref_squeeze %dma_wait3A_526 : memref<1x8x112xi32, #tpu.memory_space<hbm>> -> memref<8x112xi32, #tpu.memory_space<hbm>>
      tpu.wait_dma2 semaphore(%arg19 : memref<!tpu.dma_semaphore, #tpu.memory_space<semaphore_mem>>) src(%dma_wait3A_527 : memref<8x112xi32, #tpu.memory_space<hbm>>) dst(%arg13 : memref<8x112xi32, #tpu.memory_space<vmem>>)
      %dma_start3A_528 = arith.constant 0 : i32
      %dma_start3A_529 = arith.constant 0 : i32
      %dma_start3A_530 = tpu.memref_slice %arg12[%dma_start3A_528, %dma_start3A_529] : memref<8x112xi32, #tpu.memory_space<vmem>> -> memref<1x112xi32, #tpu.memory_space<vmem>>
      %dma_start3A_531 = tpu.memref_squeeze %dma_start3A_530 : memref<1x112xi32, #tpu.memory_space<vmem>> -> memref<112xi32, #tpu.memory_space<vmem>>
      %dma_start3A_532 = arith.constant 0 : i32
      %dma_start3A_533 = arith.constant 0 : i32
      %dma_start3A_534 = tpu.memref_slice %arg7[%dma_start3A_532, %dma_start3A_533] : memref<10240x128xf32, #tpu.memory_space<hbm>> -> memref<10240x128xf32, #tpu.memory_space<hbm>>
      tpu.enqueue_indirect_dma source(%dma_start3A_534 : memref<10240x128xf32, #tpu.memory_space<hbm>>) target(%arg9 : memref<112x128xf32, #tpu.memory_space<vmem>>) offsets(%dma_start3A_531 : memref<112xi32, #tpu.memory_space<vmem>>) semaphore(%arg21 : memref<!tpu.dma_semaphore, #tpu.memory_space<semaphore_mem>>)
      %gt3A_535 = arith.constant 0 : i32
      %gt3A_536 = arith.cmpi sgt, %scan3A_502, %gt3A_535 : i32
      %convert_element_type3A_537 = arith.extui %gt3A_536 : i1 to i32
      %cond3A_538 = arith.constant 0 : i32
      %cond3A_539 = arith.cmpi ne, %convert_element_type3A_537, %cond3A_538 : i32
      scf.if %cond3A_539 {
        %dma_wait3A_913 = arith.constant 0 : i32
        %dma_wait3A_914 = arith.constant 0 : i32
        %dma_wait3A_915 = tpu.memref_slice %arg12[%dma_wait3A_913, %dma_wait3A_914] : memref<8x112xi32, #tpu.memory_space<vmem>> -> memref<1x112xi32, #tpu.memory_space<vmem>>
        %dma_wait3A_916 = tpu.memref_squeeze %dma_wait3A_915 : memref<1x112xi32, #tpu.memory_space<vmem>> -> memref<112xi32, #tpu.memory_space<vmem>>
        %dma_wait3A_917 = arith.constant 0 : i32
        %dma_wait3A_918 = arith.constant 0 : i32
        %dma_wait3A_919 = tpu.memref_slice %arg7[%dma_wait3A_917, %dma_wait3A_918] : memref<10240x128xf32, #tpu.memory_space<hbm>> -> memref<10240x128xf32, #tpu.memory_space<hbm>>
        tpu.wait_indirect_dma semaphore(%arg23 : memref<!tpu.dma_semaphore, #tpu.memory_space<semaphore_mem>>) src(%dma_wait3A_919 : memref<10240x128xf32, #tpu.memory_space<hbm>>) dst(%arg11 : memref<112x128xf32, #tpu.memory_space<vmem>>)
        %dma_start3A_920 = arith.constant 5 : i32
        %dma_start3A_921 = arith.constant 0 : i32
        %dma_start3A_922 = tpu.memref_slice %arg15[%dma_start3A_920, %dma_start3A_921] : memref<8x112xi32, #tpu.memory_space<vmem>> -> memref<1x112xi32, #tpu.memory_space<vmem>>
        %dma_start3A_923 = tpu.memref_squeeze %dma_start3A_922 : memref<1x112xi32, #tpu.memory_space<vmem>> -> memref<112xi32, #tpu.memory_space<vmem>>
        %dma_start3A_924 = arith.constant 0 : i32
        %dma_start3A_925 = arith.constant 0 : i32
        %dma_start3A_926 = tpu.memref_slice %arg16[%dma_start3A_924, %dma_start3A_925] : memref<10240x128xf32, #tpu.memory_space<vmem_shared>> -> memref<10240x128xf32, #tpu.memory_space<vmem_shared>>
        tpu.enqueue_indirect_dma source(%arg11 : memref<112x128xf32, #tpu.memory_space<vmem>>) target(%dma_start3A_926 : memref<10240x128xf32, #tpu.memory_space<vmem_shared>>) offsets(%dma_start3A_923 : memref<112xi32, #tpu.memory_space<vmem>>) semaphore(%arg26 : memref<!tpu.dma_semaphore, #tpu.memory_space<semaphore_mem>>) {add = true}
      } else {
      }
      %gt3A_540 = arith.constant 0 : i32
      %gt3A_541 = arith.cmpi sgt, %scan3A_502, %gt3A_540 : i32
      %convert_element_type3A_542 = arith.extui %gt3A_541 : i1 to i32
      %cond3A_543 = arith.constant 0 : i32
      %cond3A_544 = arith.cmpi ne, %convert_element_type3A_542, %cond3A_543 : i32
      scf.if %cond3A_544 {
        %dma_wait3A_913 = arith.constant 0 : i32
        %dma_wait3A_914 = arith.constant 0 : i32
        %dma_wait3A_915 = tpu.memref_slice %arg13[%dma_wait3A_913, %dma_wait3A_914] : memref<8x112xi32, #tpu.memory_space<vmem>> -> memref<1x112xi32, #tpu.memory_space<vmem>>
        %dma_wait3A_916 = tpu.memref_squeeze %dma_wait3A_915 : memref<1x112xi32, #tpu.memory_space<vmem>> -> memref<112xi32, #tpu.memory_space<vmem>>
        %dma_wait3A_917 = arith.constant 0 : i32
        %dma_wait3A_918 = arith.constant 0 : i32
        %dma_wait3A_919 = tpu.memref_slice %arg16[%dma_wait3A_917, %dma_wait3A_918] : memref<10240x128xf32, #tpu.memory_space<vmem_shared>> -> memref<10240x128xf32, #tpu.memory_space<vmem_shared>>
        tpu.wait_indirect_dma semaphore(%arg25 : memref<!tpu.dma_semaphore, #tpu.memory_space<semaphore_mem>>) src(%arg10 : memref<112x128xf32, #tpu.memory_space<vmem>>) dst(%dma_wait3A_919 : memref<10240x128xf32, #tpu.memory_space<vmem_shared>>)
      } else {
      }
      %dma_start3A_545 = arith.constant 1 : i32
      %dma_start3A_546 = arith.constant 0 : i32
      %dma_start3A_547 = tpu.memref_slice %arg12[%dma_start3A_545, %dma_start3A_546] : memref<8x112xi32, #tpu.memory_space<vmem>> -> memref<1x112xi32, #tpu.memory_space<vmem>>
      %dma_start3A_548 = tpu.memref_squeeze %dma_start3A_547 : memref<1x112xi32, #tpu.memory_space<vmem>> -> memref<112xi32, #tpu.memory_space<vmem>>
      %dma_start3A_549 = arith.constant 0 : i32
      %dma_start3A_550 = arith.constant 0 : i32
      %dma_start3A_551 = tpu.memref_slice %arg7[%dma_start3A_549, %dma_start3A_550] : memref<10240x128xf32, #tpu.memory_space<hbm>> -> memref<10240x128xf32, #tpu.memory_space<hbm>>
      tpu.enqueue_indirect_dma source(%dma_start3A_551 : memref<10240x128xf32, #tpu.memory_space<hbm>>) target(%arg10 : memref<112x128xf32, #tpu.memory_space<vmem>>) offsets(%dma_start3A_548 : memref<112xi32, #tpu.memory_space<vmem>>) semaphore(%arg22 : memref<!tpu.dma_semaphore, #tpu.memory_space<semaphore_mem>>)
      %dma_wait3A_552 = arith.constant 0 : i32
      %dma_wait3A_553 = arith.constant 0 : i32
      %dma_wait3A_554 = tpu.memref_slice %arg12[%dma_wait3A_552, %dma_wait3A_553] : memref<8x112xi32, #tpu.memory_space<vmem>> -> memref<1x112xi32, #tpu.memory_space<vmem>>
      %dma_wait3A_555 = tpu.memref_squeeze %dma_wait3A_554 : memref<1x112xi32, #tpu.memory_space<vmem>> -> memref<112xi32, #tpu.memory_space<vmem>>
      %dma_wait3A_556 = arith.constant 0 : i32
      %dma_wait3A_557 = arith.constant 0 : i32
      %dma_wait3A_558 = tpu.memref_slice %arg7[%dma_wait3A_556, %dma_wait3A_557] : memref<10240x128xf32, #tpu.memory_space<hbm>> -> memref<10240x128xf32, #tpu.memory_space<hbm>>
      tpu.wait_indirect_dma semaphore(%arg21 : memref<!tpu.dma_semaphore, #tpu.memory_space<semaphore_mem>>) src(%dma_wait3A_558 : memref<10240x128xf32, #tpu.memory_space<hbm>>) dst(%arg9 : memref<112x128xf32, #tpu.memory_space<vmem>>)
      %dma_start3A_559 = arith.constant 0 : i32
      %dma_start3A_560 = arith.constant 0 : i32
      %dma_start3A_561 = tpu.memref_slice %arg13[%dma_start3A_559, %dma_start3A_560] : memref<8x112xi32, #tpu.memory_space<vmem>> -> memref<1x112xi32, #tpu.memory_space<vmem>>
      %dma_start3A_562 = tpu.memref_squeeze %dma_start3A_561 : memref<1x112xi32, #tpu.memory_space<vmem>> -> memref<112xi32, #tpu.memory_space<vmem>>
      %dma_start3A_563 = arith.constant 0 : i32
      %dma_start3A_564 = arith.constant 0 : i32
      %dma_start3A_565 = tpu.memref_slice %arg16[%dma_start3A_563, %dma_start3A_564] : memref<10240x128xf32, #tpu.memory_space<vmem_shared>> -> memref<10240x128xf32, #tpu.memory_space<vmem_shared>>
      tpu.enqueue_indirect_dma source(%arg9 : memref<112x128xf32, #tpu.memory_space<vmem>>) target(%dma_start3A_565 : memref<10240x128xf32, #tpu.memory_space<vmem_shared>>) offsets(%dma_start3A_562 : memref<112xi32, #tpu.memory_space<vmem>>) semaphore(%arg24 : memref<!tpu.dma_semaphore, #tpu.memory_space<semaphore_mem>>) {add = true}
      %gt3A_566 = arith.constant 0 : i32
      %gt3A_567 = arith.cmpi sgt, %scan3A_502, %gt3A_566 : i32
      %convert_element_type3A_568 = arith.extui %gt3A_567 : i1 to i32
      %cond3A_569 = arith.constant 0 : i32
      %cond3A_570 = arith.cmpi ne, %convert_element_type3A_568, %cond3A_569 : i32
      scf.if %cond3A_570 {
        %dma_wait3A_913 = arith.constant 0 : i32
        %dma_wait3A_914 = arith.constant 0 : i32
        %dma_wait3A_915 = tpu.memref_slice %arg13[%dma_wait3A_913, %dma_wait3A_914] : memref<8x112xi32, #tpu.memory_space<vmem>> -> memref<1x112xi32, #tpu.memory_space<vmem>>
        %dma_wait3A_916 = tpu.memref_squeeze %dma_wait3A_915 : memref<1x112xi32, #tpu.memory_space<vmem>> -> memref<112xi32, #tpu.memory_space<vmem>>
        %dma_wait3A_917 = arith.constant 0 : i32
        %dma_wait3A_918 = arith.constant 0 : i32
        %dma_wait3A_919 = tpu.memref_slice %arg16[%dma_wait3A_917, %dma_wait3A_918] : memref<10240x128xf32, #tpu.memory_space<vmem_shared>> -> memref<10240x128xf32, #tpu.memory_space<vmem_shared>>
        tpu.wait_indirect_dma semaphore(%arg26 : memref<!tpu.dma_semaphore, #tpu.memory_space<semaphore_mem>>) src(%arg11 : memref<112x128xf32, #tpu.memory_space<vmem>>) dst(%dma_wait3A_919 : memref<10240x128xf32, #tpu.memory_space<vmem_shared>>)
      } else {
      }
      %mul3A_571 = arith.constant 2 : i32
      %mul3A_572 = arith.muli %mul3A_571, %scan3A_502 : i32
      %add3A_573 = arith.addi %mul3A_250, %mul3A_572 : i32
      %add3A_574 = arith.constant 1 : i32
      %add3A_575 = arith.addi %add3A_573, %add3A_574 : i32
      %mul3A_576 = arith.constant 8 : i32
      %mul3A_577 = arith.muli %add3A_575, %mul3A_576 : i32
      %dma_start3A_578 = arith.constant 0 : i32
      %dma_start3A_579 = arith.constant 0 : i32
      %dma_start3A_580 = tpu.memref_slice %arg3[%dma_start3A_578, %mul3A_577, %dma_start3A_579] : memref<2x3840x112xi32, #tpu.memory_space<hbm>> -> memref<1x8x112xi32, #tpu.memory_space<hbm>>
      %dma_start3A_581 = tpu.memref_squeeze %dma_start3A_580 : memref<1x8x112xi32, #tpu.memory_space<hbm>> -> memref<8x112xi32, #tpu.memory_space<hbm>>
      %dma_start3A_582 = arith.constant 0 : i32
      %dma_start3A_583 = tpu.memref_slice %arg3[%dma_start3A_578, %mul3A_577, %dma_start3A_582] : memref<2x3840x112xi32, #tpu.memory_space<hbm>> -> memref<1x8x112xi32, #tpu.memory_space<hbm>>
      %dma_start3A_584 = tpu.memref_squeeze %dma_start3A_583 : memref<1x8x112xi32, #tpu.memory_space<hbm>> -> memref<8x112xi32, #tpu.memory_space<hbm>>
      tpu.enqueue_dma source(%dma_start3A_584 : memref<8x112xi32, #tpu.memory_space<hbm>>) target(%arg14 : memref<8x112xi32, #tpu.memory_space<vmem>>) target_semaphore(%arg20 : memref<!tpu.dma_semaphore, #tpu.memory_space<semaphore_mem>>)
      %mul3A_585 = arith.constant 8 : i32
      %mul3A_586 = arith.muli %add3A_575, %mul3A_585 : i32
      %dma_start3A_587 = arith.constant 1 : i32
      %dma_start3A_588 = arith.constant 0 : i32
      %dma_start3A_589 = tpu.memref_slice %arg3[%dma_start3A_587, %mul3A_586, %dma_start3A_588] : memref<2x3840x112xi32, #tpu.memory_space<hbm>> -> memref<1x8x112xi32, #tpu.memory_space<hbm>>
      %dma_start3A_590 = tpu.memref_squeeze %dma_start3A_589 : memref<1x8x112xi32, #tpu.memory_space<hbm>> -> memref<8x112xi32, #tpu.memory_space<hbm>>
      %dma_start3A_591 = arith.constant 0 : i32
      %dma_start3A_592 = tpu.memref_slice %arg3[%dma_start3A_587, %mul3A_586, %dma_start3A_591] : memref<2x3840x112xi32, #tpu.memory_space<hbm>> -> memref<1x8x112xi32, #tpu.memory_space<hbm>>
      %dma_start3A_593 = tpu.memref_squeeze %dma_start3A_592 : memref<1x8x112xi32, #tpu.memory_space<hbm>> -> memref<8x112xi32, #tpu.memory_space<hbm>>
      tpu.enqueue_dma source(%dma_start3A_593 : memref<8x112xi32, #tpu.memory_space<hbm>>) target(%arg15 : memref<8x112xi32, #tpu.memory_space<vmem>>) target_semaphore(%arg20 : memref<!tpu.dma_semaphore, #tpu.memory_space<semaphore_mem>>)
      %dma_start3A_594 = arith.constant 2 : i32
      %dma_start3A_595 = arith.constant 0 : i32
      %dma_start3A_596 = tpu.memref_slice %arg12[%dma_start3A_594, %dma_start3A_595] : memref<8x112xi32, #tpu.memory_space<vmem>> -> memref<1x112xi32, #tpu.memory_space<vmem>>
      %dma_start3A_597 = tpu.memref_squeeze %dma_start3A_596 : memref<1x112xi32, #tpu.memory_space<vmem>> -> memref<112xi32, #tpu.memory_space<vmem>>
      %dma_start3A_598 = arith.constant 0 : i32
      %dma_start3A_599 = arith.constant 0 : i32
      %dma_start3A_600 = tpu.memref_slice %arg7[%dma_start3A_598, %dma_start3A_599] : memref<10240x128xf32, #tpu.memory_space<hbm>> -> memref<10240x128xf32, #tpu.memory_space<hbm>>
      tpu.enqueue_indirect_dma source(%dma_start3A_600 : memref<10240x128xf32, #tpu.memory_space<hbm>>) target(%arg11 : memref<112x128xf32, #tpu.memory_space<vmem>>) offsets(%dma_start3A_597 : memref<112xi32, #tpu.memory_space<vmem>>) semaphore(%arg23 : memref<!tpu.dma_semaphore, #tpu.memory_space<semaphore_mem>>)
      %dma_wait3A_601 = arith.constant 0 : i32
      %dma_wait3A_602 = arith.constant 0 : i32
      %dma_wait3A_603 = tpu.memref_slice %arg12[%dma_wait3A_601, %dma_wait3A_602] : memref<8x112xi32, #tpu.memory_space<vmem>> -> memref<1x112xi32, #tpu.memory_space<vmem>>
      %dma_wait3A_604 = tpu.memref_squeeze %dma_wait3A_603 : memref<1x112xi32, #tpu.memory_space<vmem>> -> memref<112xi32, #tpu.memory_space<vmem>>
      %dma_wait3A_605 = arith.constant 0 : i32
      %dma_wait3A_606 = arith.constant 0 : i32
      %dma_wait3A_607 = tpu.memref_slice %arg7[%dma_wait3A_605, %dma_wait3A_606] : memref<10240x128xf32, #tpu.memory_space<hbm>> -> memref<10240x128xf32, #tpu.memory_space<hbm>>
      tpu.wait_indirect_dma semaphore(%arg22 : memref<!tpu.dma_semaphore, #tpu.memory_space<semaphore_mem>>) src(%dma_wait3A_607 : memref<10240x128xf32, #tpu.memory_space<hbm>>) dst(%arg10 : memref<112x128xf32, #tpu.memory_space<vmem>>)
      %dma_start3A_608 = arith.constant 1 : i32
      %dma_start3A_609 = arith.constant 0 : i32
      %dma_start3A_610 = tpu.memref_slice %arg13[%dma_start3A_608, %dma_start3A_609] : memref<8x112xi32, #tpu.memory_space<vmem>> -> memref<1x112xi32, #tpu.memory_space<vmem>>
      %dma_start3A_611 = tpu.memref_squeeze %dma_start3A_610 : memref<1x112xi32, #tpu.memory_space<vmem>> -> memref<112xi32, #tpu.memory_space<vmem>>
      %dma_start3A_612 = arith.constant 0 : i32
      %dma_start3A_613 = arith.constant 0 : i32
      %dma_start3A_614 = tpu.memref_slice %arg16[%dma_start3A_612, %dma_start3A_613] : memref<10240x128xf32, #tpu.memory_space<vmem_shared>> -> memref<10240x128xf32, #tpu.memory_space<vmem_shared>>
      tpu.enqueue_indirect_dma source(%arg10 : memref<112x128xf32, #tpu.memory_space<vmem>>) target(%dma_start3A_614 : memref<10240x128xf32, #tpu.memory_space<vmem_shared>>) offsets(%dma_start3A_611 : memref<112xi32, #tpu.memory_space<vmem>>) semaphore(%arg25 : memref<!tpu.dma_semaphore, #tpu.memory_space<semaphore_mem>>) {add = true}
      %dma_wait3A_615 = arith.constant 0 : i32
      %dma_wait3A_616 = arith.constant 0 : i32
      %dma_wait3A_617 = tpu.memref_slice %arg13[%dma_wait3A_615, %dma_wait3A_616] : memref<8x112xi32, #tpu.memory_space<vmem>> -> memref<1x112xi32, #tpu.memory_space<vmem>>
      %dma_wait3A_618 = tpu.memref_squeeze %dma_wait3A_617 : memref<1x112xi32, #tpu.memory_space<vmem>> -> memref<112xi32, #tpu.memory_space<vmem>>
      %dma_wait3A_619 = arith.constant 0 : i32
      %dma_wait3A_620 = arith.constant 0 : i32
      %dma_wait3A_621 = tpu.memref_slice %arg16[%dma_wait3A_619, %dma_wait3A_620] : memref<10240x128xf32, #tpu.memory_space<vmem_shared>> -> memref<10240x128xf32, #tpu.memory_space<vmem_shared>>
      tpu.wait_indirect_dma semaphore(%arg24 : memref<!tpu.dma_semaphore, #tpu.memory_space<semaphore_mem>>) src(%arg9 : memref<112x128xf32, #tpu.memory_space<vmem>>) dst(%dma_wait3A_621 : memref<10240x128xf32, #tpu.memory_space<vmem_shared>>)
      %dma_start3A_622 = arith.constant 3 : i32
      %dma_start3A_623 = arith.constant 0 : i32
      %dma_start3A_624 = tpu.memref_slice %arg12[%dma_start3A_622, %dma_start3A_623] : memref<8x112xi32, #tpu.memory_space<vmem>> -> memref<1x112xi32, #tpu.memory_space<vmem>>
      %dma_start3A_625 = tpu.memref_squeeze %dma_start3A_624 : memref<1x112xi32, #tpu.memory_space<vmem>> -> memref<112xi32, #tpu.memory_space<vmem>>
      %dma_start3A_626 = arith.constant 0 : i32
      %dma_start3A_627 = arith.constant 0 : i32
      %dma_start3A_628 = tpu.memref_slice %arg7[%dma_start3A_626, %dma_start3A_627] : memref<10240x128xf32, #tpu.memory_space<hbm>> -> memref<10240x128xf32, #tpu.memory_space<hbm>>
      tpu.enqueue_indirect_dma source(%dma_start3A_628 : memref<10240x128xf32, #tpu.memory_space<hbm>>) target(%arg9 : memref<112x128xf32, #tpu.memory_space<vmem>>) offsets(%dma_start3A_625 : memref<112xi32, #tpu.memory_space<vmem>>) semaphore(%arg21 : memref<!tpu.dma_semaphore, #tpu.memory_space<semaphore_mem>>)
      %dma_wait3A_629 = arith.constant 0 : i32
      %dma_wait3A_630 = arith.constant 0 : i32
      %dma_wait3A_631 = tpu.memref_slice %arg12[%dma_wait3A_629, %dma_wait3A_630] : memref<8x112xi32, #tpu.memory_space<vmem>> -> memref<1x112xi32, #tpu.memory_space<vmem>>
      %dma_wait3A_632 = tpu.memref_squeeze %dma_wait3A_631 : memref<1x112xi32, #tpu.memory_space<vmem>> -> memref<112xi32, #tpu.memory_space<vmem>>
      %dma_wait3A_633 = arith.constant 0 : i32
      %dma_wait3A_634 = arith.constant 0 : i32
      %dma_wait3A_635 = tpu.memref_slice %arg7[%dma_wait3A_633, %dma_wait3A_634] : memref<10240x128xf32, #tpu.memory_space<hbm>> -> memref<10240x128xf32, #tpu.memory_space<hbm>>
      tpu.wait_indirect_dma semaphore(%arg23 : memref<!tpu.dma_semaphore, #tpu.memory_space<semaphore_mem>>) src(%dma_wait3A_635 : memref<10240x128xf32, #tpu.memory_space<hbm>>) dst(%arg11 : memref<112x128xf32, #tpu.memory_space<vmem>>)
      %dma_start3A_636 = arith.constant 2 : i32
      %dma_start3A_637 = arith.constant 0 : i32
      %dma_start3A_638 = tpu.memref_slice %arg13[%dma_start3A_636, %dma_start3A_637] : memref<8x112xi32, #tpu.memory_space<vmem>> -> memref<1x112xi32, #tpu.memory_space<vmem>>
      %dma_start3A_639 = tpu.memref_squeeze %dma_start3A_638 : memref<1x112xi32, #tpu.memory_space<vmem>> -> memref<112xi32, #tpu.memory_space<vmem>>
      %dma_start3A_640 = arith.constant 0 : i32
      %dma_start3A_641 = arith.constant 0 : i32
      %dma_start3A_642 = tpu.memref_slice %arg16[%dma_start3A_640, %dma_start3A_641] : memref<10240x128xf32, #tpu.memory_space<vmem_shared>> -> memref<10240x128xf32, #tpu.memory_space<vmem_shared>>
      tpu.enqueue_indirect_dma source(%arg11 : memref<112x128xf32, #tpu.memory_space<vmem>>) target(%dma_start3A_642 : memref<10240x128xf32, #tpu.memory_space<vmem_shared>>) offsets(%dma_start3A_639 : memref<112xi32, #tpu.memory_space<vmem>>) semaphore(%arg26 : memref<!tpu.dma_semaphore, #tpu.memory_space<semaphore_mem>>) {add = true}
      %dma_wait3A_643 = arith.constant 0 : i32
      %dma_wait3A_644 = arith.constant 0 : i32
      %dma_wait3A_645 = tpu.memref_slice %arg13[%dma_wait3A_643, %dma_wait3A_644] : memref<8x112xi32, #tpu.memory_space<vmem>> -> memref<1x112xi32, #tpu.memory_space<vmem>>
      %dma_wait3A_646 = tpu.memref_squeeze %dma_wait3A_645 : memref<1x112xi32, #tpu.memory_space<vmem>> -> memref<112xi32, #tpu.memory_space<vmem>>
      %dma_wait3A_647 = arith.constant 0 : i32
      %dma_wait3A_648 = arith.constant 0 : i32
      %dma_wait3A_649 = tpu.memref_slice %arg16[%dma_wait3A_647, %dma_wait3A_648] : memref<10240x128xf32, #tpu.memory_space<vmem_shared>> -> memref<10240x128xf32, #tpu.memory_space<vmem_shared>>
      tpu.wait_indirect_dma semaphore(%arg25 : memref<!tpu.dma_semaphore, #tpu.memory_space<semaphore_mem>>) src(%arg10 : memref<112x128xf32, #tpu.memory_space<vmem>>) dst(%dma_wait3A_649 : memref<10240x128xf32, #tpu.memory_space<vmem_shared>>)
      %dma_start3A_650 = arith.constant 4 : i32
      %dma_start3A_651 = arith.constant 0 : i32
      %dma_start3A_652 = tpu.memref_slice %arg12[%dma_start3A_650, %dma_start3A_651] : memref<8x112xi32, #tpu.memory_space<vmem>> -> memref<1x112xi32, #tpu.memory_space<vmem>>
      %dma_start3A_653 = tpu.memref_squeeze %dma_start3A_652 : memref<1x112xi32, #tpu.memory_space<vmem>> -> memref<112xi32, #tpu.memory_space<vmem>>
      %dma_start3A_654 = arith.constant 0 : i32
      %dma_start3A_655 = arith.constant 0 : i32
      %dma_start3A_656 = tpu.memref_slice %arg7[%dma_start3A_654, %dma_start3A_655] : memref<10240x128xf32, #tpu.memory_space<hbm>> -> memref<10240x128xf32, #tpu.memory_space<hbm>>
      tpu.enqueue_indirect_dma source(%dma_start3A_656 : memref<10240x128xf32, #tpu.memory_space<hbm>>) target(%arg10 : memref<112x128xf32, #tpu.memory_space<vmem>>) offsets(%dma_start3A_653 : memref<112xi32, #tpu.memory_space<vmem>>) semaphore(%arg22 : memref<!tpu.dma_semaphore, #tpu.memory_space<semaphore_mem>>)
      %dma_wait3A_657 = arith.constant 0 : i32
      %dma_wait3A_658 = arith.constant 0 : i32
      %dma_wait3A_659 = tpu.memref_slice %arg12[%dma_wait3A_657, %dma_wait3A_658] : memref<8x112xi32, #tpu.memory_space<vmem>> -> memref<1x112xi32, #tpu.memory_space<vmem>>
      %dma_wait3A_660 = tpu.memref_squeeze %dma_wait3A_659 : memref<1x112xi32, #tpu.memory_space<vmem>> -> memref<112xi32, #tpu.memory_space<vmem>>
      %dma_wait3A_661 = arith.constant 0 : i32
      %dma_wait3A_662 = arith.constant 0 : i32
      %dma_wait3A_663 = tpu.memref_slice %arg7[%dma_wait3A_661, %dma_wait3A_662] : memref<10240x128xf32, #tpu.memory_space<hbm>> -> memref<10240x128xf32, #tpu.memory_space<hbm>>
      tpu.wait_indirect_dma semaphore(%arg21 : memref<!tpu.dma_semaphore, #tpu.memory_space<semaphore_mem>>) src(%dma_wait3A_663 : memref<10240x128xf32, #tpu.memory_space<hbm>>) dst(%arg9 : memref<112x128xf32, #tpu.memory_space<vmem>>)
      %dma_start3A_664 = arith.constant 3 : i32
      %dma_start3A_665 = arith.constant 0 : i32
      %dma_start3A_666 = tpu.memref_slice %arg13[%dma_start3A_664, %dma_start3A_665] : memref<8x112xi32, #tpu.memory_space<vmem>> -> memref<1x112xi32, #tpu.memory_space<vmem>>
      %dma_start3A_667 = tpu.memref_squeeze %dma_start3A_666 : memref<1x112xi32, #tpu.memory_space<vmem>> -> memref<112xi32, #tpu.memory_space<vmem>>
      %dma_start3A_668 = arith.constant 0 : i32
      %dma_start3A_669 = arith.constant 0 : i32
      %dma_start3A_670 = tpu.memref_slice %arg16[%dma_start3A_668, %dma_start3A_669] : memref<10240x128xf32, #tpu.memory_space<vmem_shared>> -> memref<10240x128xf32, #tpu.memory_space<vmem_shared>>
      tpu.enqueue_indirect_dma source(%arg9 : memref<112x128xf32, #tpu.memory_space<vmem>>) target(%dma_start3A_670 : memref<10240x128xf32, #tpu.memory_space<vmem_shared>>) offsets(%dma_start3A_667 : memref<112xi32, #tpu.memory_space<vmem>>) semaphore(%arg24 : memref<!tpu.dma_semaphore, #tpu.memory_space<semaphore_mem>>) {add = true}
      %dma_wait3A_671 = arith.constant 0 : i32
      %dma_wait3A_672 = arith.constant 0 : i32
      %dma_wait3A_673 = tpu.memref_slice %arg13[%dma_wait3A_671, %dma_wait3A_672] : memref<8x112xi32, #tpu.memory_space<vmem>> -> memref<1x112xi32, #tpu.memory_space<vmem>>
      %dma_wait3A_674 = tpu.memref_squeeze %dma_wait3A_673 : memref<1x112xi32, #tpu.memory_space<vmem>> -> memref<112xi32, #tpu.memory_space<vmem>>
      %dma_wait3A_675 = arith.constant 0 : i32
      %dma_wait3A_676 = arith.constant 0 : i32
      %dma_wait3A_677 = tpu.memref_slice %arg16[%dma_wait3A_675, %dma_wait3A_676] : memref<10240x128xf32, #tpu.memory_space<vmem_shared>> -> memref<10240x128xf32, #tpu.memory_space<vmem_shared>>
      tpu.wait_indirect_dma semaphore(%arg26 : memref<!tpu.dma_semaphore, #tpu.memory_space<semaphore_mem>>) src(%arg11 : memref<112x128xf32, #tpu.memory_space<vmem>>) dst(%dma_wait3A_677 : memref<10240x128xf32, #tpu.memory_space<vmem_shared>>)
      %dma_start3A_678 = arith.constant 5 : i32
      %dma_start3A_679 = arith.constant 0 : i32
      %dma_start3A_680 = tpu.memref_slice %arg12[%dma_start3A_678, %dma_start3A_679] : memref<8x112xi32, #tpu.memory_space<vmem>> -> memref<1x112xi32, #tpu.memory_space<vmem>>
      %dma_start3A_681 = tpu.memref_squeeze %dma_start3A_680 : memref<1x112xi32, #tpu.memory_space<vmem>> -> memref<112xi32, #tpu.memory_space<vmem>>
      %dma_start3A_682 = arith.constant 0 : i32
      %dma_start3A_683 = arith.constant 0 : i32
      %dma_start3A_684 = tpu.memref_slice %arg7[%dma_start3A_682, %dma_start3A_683] : memref<10240x128xf32, #tpu.memory_space<hbm>> -> memref<10240x128xf32, #tpu.memory_space<hbm>>
      tpu.enqueue_indirect_dma source(%dma_start3A_684 : memref<10240x128xf32, #tpu.memory_space<hbm>>) target(%arg11 : memref<112x128xf32, #tpu.memory_space<vmem>>) offsets(%dma_start3A_681 : memref<112xi32, #tpu.memory_space<vmem>>) semaphore(%arg23 : memref<!tpu.dma_semaphore, #tpu.memory_space<semaphore_mem>>)
      %dma_wait3A_685 = arith.constant 0 : i32
      %dma_wait3A_686 = arith.constant 0 : i32
      %dma_wait3A_687 = tpu.memref_slice %arg12[%dma_wait3A_685, %dma_wait3A_686] : memref<8x112xi32, #tpu.memory_space<vmem>> -> memref<1x112xi32, #tpu.memory_space<vmem>>
      %dma_wait3A_688 = tpu.memref_squeeze %dma_wait3A_687 : memref<1x112xi32, #tpu.memory_space<vmem>> -> memref<112xi32, #tpu.memory_space<vmem>>
      %dma_wait3A_689 = arith.constant 0 : i32
      %dma_wait3A_690 = arith.constant 0 : i32
      %dma_wait3A_691 = tpu.memref_slice %arg7[%dma_wait3A_689, %dma_wait3A_690] : memref<10240x128xf32, #tpu.memory_space<hbm>> -> memref<10240x128xf32, #tpu.memory_space<hbm>>
      tpu.wait_indirect_dma semaphore(%arg22 : memref<!tpu.dma_semaphore, #tpu.memory_space<semaphore_mem>>) src(%dma_wait3A_691 : memref<10240x128xf32, #tpu.memory_space<hbm>>) dst(%arg10 : memref<112x128xf32, #tpu.memory_space<vmem>>)
      %dma_start3A_692 = arith.constant 4 : i32
      %dma_start3A_693 = arith.constant 0 : i32
      %dma_start3A_694 = tpu.memref_slice %arg13[%dma_start3A_692, %dma_start3A_693] : memref<8x112xi32, #tpu.memory_space<vmem>> -> memref<1x112xi32, #tpu.memory_space<vmem>>
      %dma_start3A_695 = tpu.memref_squeeze %dma_start3A_694 : memref<1x112xi32, #tpu.memory_space<vmem>> -> memref<112xi32, #tpu.memory_space<vmem>>
      %dma_start3A_696 = arith.constant 0 : i32
      %dma_start3A_697 = arith.constant 0 : i32
      %dma_start3A_698 = tpu.memref_slice %arg16[%dma_start3A_696, %dma_start3A_697] : memref<10240x128xf32, #tpu.memory_space<vmem_shared>> -> memref<10240x128xf32, #tpu.memory_space<vmem_shared>>
      tpu.enqueue_indirect_dma source(%arg10 : memref<112x128xf32, #tpu.memory_space<vmem>>) target(%dma_start3A_698 : memref<10240x128xf32, #tpu.memory_space<vmem_shared>>) offsets(%dma_start3A_695 : memref<112xi32, #tpu.memory_space<vmem>>) semaphore(%arg25 : memref<!tpu.dma_semaphore, #tpu.memory_space<semaphore_mem>>) {add = true}
      %dma_wait3A_699 = arith.constant 0 : i32
      %dma_wait3A_700 = arith.constant 0 : i32
      %dma_wait3A_701 = tpu.memref_slice %arg13[%dma_wait3A_699, %dma_wait3A_700] : memref<8x112xi32, #tpu.memory_space<vmem>> -> memref<1x112xi32, #tpu.memory_space<vmem>>
      %dma_wait3A_702 = tpu.memref_squeeze %dma_wait3A_701 : memref<1x112xi32, #tpu.memory_space<vmem>> -> memref<112xi32, #tpu.memory_space<vmem>>
      %dma_wait3A_703 = arith.constant 0 : i32
      %dma_wait3A_704 = arith.constant 0 : i32
      %dma_wait3A_705 = tpu.memref_slice %arg16[%dma_wait3A_703, %dma_wait3A_704] : memref<10240x128xf32, #tpu.memory_space<vmem_shared>> -> memref<10240x128xf32, #tpu.memory_space<vmem_shared>>
      tpu.wait_indirect_dma semaphore(%arg24 : memref<!tpu.dma_semaphore, #tpu.memory_space<semaphore_mem>>) src(%arg9 : memref<112x128xf32, #tpu.memory_space<vmem>>) dst(%dma_wait3A_705 : memref<10240x128xf32, #tpu.memory_space<vmem_shared>>)
      %mul3A_706 = arith.constant 2 : i32
      %mul3A_707 = arith.muli %mul3A_706, %scan3A_502 : i32
      %add3A_708 = arith.addi %mul3A_250, %mul3A_707 : i32
      %add3A_709 = arith.constant 1 : i32
      %add3A_710 = arith.addi %add3A_708, %add3A_709 : i32
      %mul3A_711 = arith.constant 8 : i32
      %mul3A_712 = arith.muli %add3A_710, %mul3A_711 : i32
      %dma_wait3A_713 = arith.constant 0 : i32
      %dma_wait3A_714 = arith.constant 0 : i32
      %dma_wait3A_715 = tpu.memref_slice %arg3[%dma_wait3A_713, %mul3A_712, %dma_wait3A_714] : memref<2x3840x112xi32, #tpu.memory_space<hbm>> -> memref<1x8x112xi32, #tpu.memory_space<hbm>>
      %dma_wait3A_716 = tpu.memref_squeeze %dma_wait3A_715 : memref<1x8x112xi32, #tpu.memory_space<hbm>> -> memref<8x112xi32, #tpu.memory_space<hbm>>
      %dma_wait3A_717 = arith.constant 0 : i32
      %dma_wait3A_718 = tpu.memref_slice %arg3[%dma_wait3A_713, %mul3A_712, %dma_wait3A_717] : memref<2x3840x112xi32, #tpu.memory_space<hbm>> -> memref<1x8x112xi32, #tpu.memory_space<hbm>>
      %dma_wait3A_719 = tpu.memref_squeeze %dma_wait3A_718 : memref<1x8x112xi32, #tpu.memory_space<hbm>> -> memref<8x112xi32, #tpu.memory_space<hbm>>
      tpu.wait_dma2 semaphore(%arg20 : memref<!tpu.dma_semaphore, #tpu.memory_space<semaphore_mem>>) src(%dma_wait3A_719 : memref<8x112xi32, #tpu.memory_space<hbm>>) dst(%arg14 : memref<8x112xi32, #tpu.memory_space<vmem>>)
      %mul3A_720 = arith.constant 8 : i32
      %mul3A_721 = arith.muli %add3A_710, %mul3A_720 : i32
      %dma_wait3A_722 = arith.constant 1 : i32
      %dma_wait3A_723 = arith.constant 0 : i32
      %dma_wait3A_724 = tpu.memref_slice %arg3[%dma_wait3A_722, %mul3A_721, %dma_wait3A_723] : memref<2x3840x112xi32, #tpu.memory_space<hbm>> -> memref<1x8x112xi32, #tpu.memory_space<hbm>>
      %dma_wait3A_725 = tpu.memref_squeeze %dma_wait3A_724 : memref<1x8x112xi32, #tpu.memory_space<hbm>> -> memref<8x112xi32, #tpu.memory_space<hbm>>
      %dma_wait3A_726 = arith.constant 0 : i32
      %dma_wait3A_727 = tpu.memref_slice %arg3[%dma_wait3A_722, %mul3A_721, %dma_wait3A_726] : memref<2x3840x112xi32, #tpu.memory_space<hbm>> -> memref<1x8x112xi32, #tpu.memory_space<hbm>>
      %dma_wait3A_728 = tpu.memref_squeeze %dma_wait3A_727 : memref<1x8x112xi32, #tpu.memory_space<hbm>> -> memref<8x112xi32, #tpu.memory_space<hbm>>
      tpu.wait_dma2 semaphore(%arg20 : memref<!tpu.dma_semaphore, #tpu.memory_space<semaphore_mem>>) src(%dma_wait3A_728 : memref<8x112xi32, #tpu.memory_space<hbm>>) dst(%arg15 : memref<8x112xi32, #tpu.memory_space<vmem>>)
      %dma_start3A_729 = arith.constant 0 : i32
      %dma_start3A_730 = arith.constant 0 : i32
      %dma_start3A_731 = tpu.memref_slice %arg14[%dma_start3A_729, %dma_start3A_730] : memref<8x112xi32, #tpu.memory_space<vmem>> -> memref<1x112xi32, #tpu.memory_space<vmem>>
      %dma_start3A_732 = tpu.memref_squeeze %dma_start3A_731 : memref<1x112xi32, #tpu.memory_space<vmem>> -> memref<112xi32, #tpu.memory_space<vmem>>
      %dma_start3A_733 = arith.constant 0 : i32
      %dma_start3A_734 = arith.constant 0 : i32
      %dma_start3A_735 = tpu.memref_slice %arg7[%dma_start3A_733, %dma_start3A_734] : memref<10240x128xf32, #tpu.memory_space<hbm>> -> memref<10240x128xf32, #tpu.memory_space<hbm>>
      tpu.enqueue_indirect_dma source(%dma_start3A_735 : memref<10240x128xf32, #tpu.memory_space<hbm>>) target(%arg9 : memref<112x128xf32, #tpu.memory_space<vmem>>) offsets(%dma_start3A_732 : memref<112xi32, #tpu.memory_space<vmem>>) semaphore(%arg21 : memref<!tpu.dma_semaphore, #tpu.memory_space<semaphore_mem>>)
      %dma_wait3A_736 = arith.constant 0 : i32
      %dma_wait3A_737 = arith.constant 0 : i32
      %dma_wait3A_738 = tpu.memref_slice %arg12[%dma_wait3A_736, %dma_wait3A_737] : memref<8x112xi32, #tpu.memory_space<vmem>> -> memref<1x112xi32, #tpu.memory_space<vmem>>
      %dma_wait3A_739 = tpu.memref_squeeze %dma_wait3A_738 : memref<1x112xi32, #tpu.memory_space<vmem>> -> memref<112xi32, #tpu.memory_space<vmem>>
      %dma_wait3A_740 = arith.constant 0 : i32
      %dma_wait3A_741 = arith.constant 0 : i32
      %dma_wait3A_742 = tpu.memref_slice %arg7[%dma_wait3A_740, %dma_wait3A_741] : memref<10240x128xf32, #tpu.memory_space<hbm>> -> memref<10240x128xf32, #tpu.memory_space<hbm>>
      tpu.wait_indirect_dma semaphore(%arg23 : memref<!tpu.dma_semaphore, #tpu.memory_space<semaphore_mem>>) src(%dma_wait3A_742 : memref<10240x128xf32, #tpu.memory_space<hbm>>) dst(%arg11 : memref<112x128xf32, #tpu.memory_space<vmem>>)
      %dma_start3A_743 = arith.constant 5 : i32
      %dma_start3A_744 = arith.constant 0 : i32
      %dma_start3A_745 = tpu.memref_slice %arg13[%dma_start3A_743, %dma_start3A_744] : memref<8x112xi32, #tpu.memory_space<vmem>> -> memref<1x112xi32, #tpu.memory_space<vmem>>
      %dma_start3A_746 = tpu.memref_squeeze %dma_start3A_745 : memref<1x112xi32, #tpu.memory_space<vmem>> -> memref<112xi32, #tpu.memory_space<vmem>>
      %dma_start3A_747 = arith.constant 0 : i32
      %dma_start3A_748 = arith.constant 0 : i32
      %dma_start3A_749 = tpu.memref_slice %arg16[%dma_start3A_747, %dma_start3A_748] : memref<10240x128xf32, #tpu.memory_space<vmem_shared>> -> memref<10240x128xf32, #tpu.memory_space<vmem_shared>>
      tpu.enqueue_indirect_dma source(%arg11 : memref<112x128xf32, #tpu.memory_space<vmem>>) target(%dma_start3A_749 : memref<10240x128xf32, #tpu.memory_space<vmem_shared>>) offsets(%dma_start3A_746 : memref<112xi32, #tpu.memory_space<vmem>>) semaphore(%arg26 : memref<!tpu.dma_semaphore, #tpu.memory_space<semaphore_mem>>) {add = true}
      %dma_wait3A_750 = arith.constant 0 : i32
      %dma_wait3A_751 = arith.constant 0 : i32
      %dma_wait3A_752 = tpu.memref_slice %arg13[%dma_wait3A_750, %dma_wait3A_751] : memref<8x112xi32, #tpu.memory_space<vmem>> -> memref<1x112xi32, #tpu.memory_space<vmem>>
      %dma_wait3A_753 = tpu.memref_squeeze %dma_wait3A_752 : memref<1x112xi32, #tpu.memory_space<vmem>> -> memref<112xi32, #tpu.memory_space<vmem>>
      %dma_wait3A_754 = arith.constant 0 : i32
      %dma_wait3A_755 = arith.constant 0 : i32
      %dma_wait3A_756 = tpu.memref_slice %arg16[%dma_wait3A_754, %dma_wait3A_755] : memref<10240x128xf32, #tpu.memory_space<vmem_shared>> -> memref<10240x128xf32, #tpu.memory_space<vmem_shared>>
      tpu.wait_indirect_dma semaphore(%arg25 : memref<!tpu.dma_semaphore, #tpu.memory_space<semaphore_mem>>) src(%arg10 : memref<112x128xf32, #tpu.memory_space<vmem>>) dst(%dma_wait3A_756 : memref<10240x128xf32, #tpu.memory_space<vmem_shared>>)
      %dma_start3A_757 = arith.constant 1 : i32
      %dma_start3A_758 = arith.constant 0 : i32
      %dma_start3A_759 = tpu.memref_slice %arg14[%dma_start3A_757, %dma_start3A_758] : memref<8x112xi32, #tpu.memory_space<vmem>> -> memref<1x112xi32, #tpu.memory_space<vmem>>
      %dma_start3A_760 = tpu.memref_squeeze %dma_start3A_759 : memref<1x112xi32, #tpu.memory_space<vmem>> -> memref<112xi32, #tpu.memory_space<vmem>>
      %dma_start3A_761 = arith.constant 0 : i32
      %dma_start3A_762 = arith.constant 0 : i32
      %dma_start3A_763 = tpu.memref_slice %arg7[%dma_start3A_761, %dma_start3A_762] : memref<10240x128xf32, #tpu.memory_space<hbm>> -> memref<10240x128xf32, #tpu.memory_space<hbm>>
      tpu.enqueue_indirect_dma source(%dma_start3A_763 : memref<10240x128xf32, #tpu.memory_space<hbm>>) target(%arg10 : memref<112x128xf32, #tpu.memory_space<vmem>>) offsets(%dma_start3A_760 : memref<112xi32, #tpu.memory_space<vmem>>) semaphore(%arg22 : memref<!tpu.dma_semaphore, #tpu.memory_space<semaphore_mem>>)
      %dma_wait3A_764 = arith.constant 0 : i32
      %dma_wait3A_765 = arith.constant 0 : i32
      %dma_wait3A_766 = tpu.memref_slice %arg12[%dma_wait3A_764, %dma_wait3A_765] : memref<8x112xi32, #tpu.memory_space<vmem>> -> memref<1x112xi32, #tpu.memory_space<vmem>>
      %dma_wait3A_767 = tpu.memref_squeeze %dma_wait3A_766 : memref<1x112xi32, #tpu.memory_space<vmem>> -> memref<112xi32, #tpu.memory_space<vmem>>
      %dma_wait3A_768 = arith.constant 0 : i32
      %dma_wait3A_769 = arith.constant 0 : i32
      %dma_wait3A_770 = tpu.memref_slice %arg7[%dma_wait3A_768, %dma_wait3A_769] : memref<10240x128xf32, #tpu.memory_space<hbm>> -> memref<10240x128xf32, #tpu.memory_space<hbm>>
      tpu.wait_indirect_dma semaphore(%arg21 : memref<!tpu.dma_semaphore, #tpu.memory_space<semaphore_mem>>) src(%dma_wait3A_770 : memref<10240x128xf32, #tpu.memory_space<hbm>>) dst(%arg9 : memref<112x128xf32, #tpu.memory_space<vmem>>)
      %dma_start3A_771 = arith.constant 0 : i32
      %dma_start3A_772 = arith.constant 0 : i32
      %dma_start3A_773 = tpu.memref_slice %arg15[%dma_start3A_771, %dma_start3A_772] : memref<8x112xi32, #tpu.memory_space<vmem>> -> memref<1x112xi32, #tpu.memory_space<vmem>>
      %dma_start3A_774 = tpu.memref_squeeze %dma_start3A_773 : memref<1x112xi32, #tpu.memory_space<vmem>> -> memref<112xi32, #tpu.memory_space<vmem>>
      %dma_start3A_775 = arith.constant 0 : i32
      %dma_start3A_776 = arith.constant 0 : i32
      %dma_start3A_777 = tpu.memref_slice %arg16[%dma_start3A_775, %dma_start3A_776] : memref<10240x128xf32, #tpu.memory_space<vmem_shared>> -> memref<10240x128xf32, #tpu.memory_space<vmem_shared>>
      tpu.enqueue_indirect_dma source(%arg9 : memref<112x128xf32, #tpu.memory_space<vmem>>) target(%dma_start3A_777 : memref<10240x128xf32, #tpu.memory_space<vmem_shared>>) offsets(%dma_start3A_774 : memref<112xi32, #tpu.memory_space<vmem>>) semaphore(%arg24 : memref<!tpu.dma_semaphore, #tpu.memory_space<semaphore_mem>>) {add = true}
      %dma_wait3A_778 = arith.constant 0 : i32
      %dma_wait3A_779 = arith.constant 0 : i32
      %dma_wait3A_780 = tpu.memref_slice %arg13[%dma_wait3A_778, %dma_wait3A_779] : memref<8x112xi32, #tpu.memory_space<vmem>> -> memref<1x112xi32, #tpu.memory_space<vmem>>
      %dma_wait3A_781 = tpu.memref_squeeze %dma_wait3A_780 : memref<1x112xi32, #tpu.memory_space<vmem>> -> memref<112xi32, #tpu.memory_space<vmem>>
      %dma_wait3A_782 = arith.constant 0 : i32
      %dma_wait3A_783 = arith.constant 0 : i32
      %dma_wait3A_784 = tpu.memref_slice %arg16[%dma_wait3A_782, %dma_wait3A_783] : memref<10240x128xf32, #tpu.memory_space<vmem_shared>> -> memref<10240x128xf32, #tpu.memory_space<vmem_shared>>
      tpu.wait_indirect_dma semaphore(%arg26 : memref<!tpu.dma_semaphore, #tpu.memory_space<semaphore_mem>>) src(%arg11 : memref<112x128xf32, #tpu.memory_space<vmem>>) dst(%dma_wait3A_784 : memref<10240x128xf32, #tpu.memory_space<vmem_shared>>)
      %mul3A_785 = arith.constant 2 : i32
      %mul3A_786 = arith.muli %mul3A_785, %scan3A_502 : i32
      %add3A_787 = arith.addi %mul3A_250, %mul3A_786 : i32
      %add3A_788 = arith.constant 2 : i32
      %add3A_789 = arith.addi %add3A_787, %add3A_788 : i32
      %mul3A_790 = arith.constant 8 : i32
      %mul3A_791 = arith.muli %add3A_789, %mul3A_790 : i32
      %dma_start3A_792 = arith.constant 0 : i32
      %dma_start3A_793 = arith.constant 0 : i32
      %dma_start3A_794 = tpu.memref_slice %arg3[%dma_start3A_792, %mul3A_791, %dma_start3A_793] : memref<2x3840x112xi32, #tpu.memory_space<hbm>> -> memref<1x8x112xi32, #tpu.memory_space<hbm>>
      %dma_start3A_795 = tpu.memref_squeeze %dma_start3A_794 : memref<1x8x112xi32, #tpu.memory_space<hbm>> -> memref<8x112xi32, #tpu.memory_space<hbm>>
      %dma_start3A_796 = arith.constant 0 : i32
      %dma_start3A_797 = tpu.memref_slice %arg3[%dma_start3A_792, %mul3A_791, %dma_start3A_796] : memref<2x3840x112xi32, #tpu.memory_space<hbm>> -> memref<1x8x112xi32, #tpu.memory_space<hbm>>
      %dma_start3A_798 = tpu.memref_squeeze %dma_start3A_797 : memref<1x8x112xi32, #tpu.memory_space<hbm>> -> memref<8x112xi32, #tpu.memory_space<hbm>>
      tpu.enqueue_dma source(%dma_start3A_798 : memref<8x112xi32, #tpu.memory_space<hbm>>) target(%arg12 : memref<8x112xi32, #tpu.memory_space<vmem>>) target_semaphore(%arg19 : memref<!tpu.dma_semaphore, #tpu.memory_space<semaphore_mem>>)
      %mul3A_799 = arith.constant 8 : i32
      %mul3A_800 = arith.muli %add3A_789, %mul3A_799 : i32
      %dma_start3A_801 = arith.constant 1 : i32
      %dma_start3A_802 = arith.constant 0 : i32
      %dma_start3A_803 = tpu.memref_slice %arg3[%dma_start3A_801, %mul3A_800, %dma_start3A_802] : memref<2x3840x112xi32, #tpu.memory_space<hbm>> -> memref<1x8x112xi32, #tpu.memory_space<hbm>>
      %dma_start3A_804 = tpu.memref_squeeze %dma_start3A_803 : memref<1x8x112xi32, #tpu.memory_space<hbm>> -> memref<8x112xi32, #tpu.memory_space<hbm>>
      %dma_start3A_805 = arith.constant 0 : i32
      %dma_start3A_806 = tpu.memref_slice %arg3[%dma_start3A_801, %mul3A_800, %dma_start3A_805] : memref<2x3840x112xi32, #tpu.memory_space<hbm>> -> memref<1x8x112xi32, #tpu.memory_space<hbm>>
      %dma_start3A_807 = tpu.memref_squeeze %dma_start3A_806 : memref<1x8x112xi32, #tpu.memory_space<hbm>> -> memref<8x112xi32, #tpu.memory_space<hbm>>
      tpu.enqueue_dma source(%dma_start3A_807 : memref<8x112xi32, #tpu.memory_space<hbm>>) target(%arg13 : memref<8x112xi32, #tpu.memory_space<vmem>>) target_semaphore(%arg19 : memref<!tpu.dma_semaphore, #tpu.memory_space<semaphore_mem>>)
      %dma_start3A_808 = arith.constant 2 : i32
      %dma_start3A_809 = arith.constant 0 : i32
      %dma_start3A_810 = tpu.memref_slice %arg14[%dma_start3A_808, %dma_start3A_809] : memref<8x112xi32, #tpu.memory_space<vmem>> -> memref<1x112xi32, #tpu.memory_space<vmem>>
      %dma_start3A_811 = tpu.memref_squeeze %dma_start3A_810 : memref<1x112xi32, #tpu.memory_space<vmem>> -> memref<112xi32, #tpu.memory_space<vmem>>
      %dma_start3A_812 = arith.constant 0 : i32
      %dma_start3A_813 = arith.constant 0 : i32
      %dma_start3A_814 = tpu.memref_slice %arg7[%dma_start3A_812, %dma_start3A_813] : memref<10240x128xf32, #tpu.memory_space<hbm>> -> memref<10240x128xf32, #tpu.memory_space<hbm>>
      tpu.enqueue_indirect_dma source(%dma_start3A_814 : memref<10240x128xf32, #tpu.memory_space<hbm>>) target(%arg11 : memref<112x128xf32, #tpu.memory_space<vmem>>) offsets(%dma_start3A_811 : memref<112xi32, #tpu.memory_space<vmem>>) semaphore(%arg23 : memref<!tpu.dma_semaphore, #tpu.memory_space<semaphore_mem>>)
      %dma_wait3A_815 = arith.constant 0 : i32
      %dma_wait3A_816 = arith.constant 0 : i32
      %dma_wait3A_817 = tpu.memref_slice %arg12[%dma_wait3A_815, %dma_wait3A_816] : memref<8x112xi32, #tpu.memory_space<vmem>> -> memref<1x112xi32, #tpu.memory_space<vmem>>
      %dma_wait3A_818 = tpu.memref_squeeze %dma_wait3A_817 : memref<1x112xi32, #tpu.memory_space<vmem>> -> memref<112xi32, #tpu.memory_space<vmem>>
      %dma_wait3A_819 = arith.constant 0 : i32
      %dma_wait3A_820 = arith.constant 0 : i32
      %dma_wait3A_821 = tpu.memref_slice %arg7[%dma_wait3A_819, %dma_wait3A_820] : memref<10240x128xf32, #tpu.memory_space<hbm>> -> memref<10240x128xf32, #tpu.memory_space<hbm>>
      tpu.wait_indirect_dma semaphore(%arg22 : memref<!tpu.dma_semaphore, #tpu.memory_space<semaphore_mem>>) src(%dma_wait3A_821 : memref<10240x128xf32, #tpu.memory_space<hbm>>) dst(%arg10 : memref<112x128xf32, #tpu.memory_space<vmem>>)
      %dma_start3A_822 = arith.constant 1 : i32
      %dma_start3A_823 = arith.constant 0 : i32
      %dma_start3A_824 = tpu.memref_slice %arg15[%dma_start3A_822, %dma_start3A_823] : memref<8x112xi32, #tpu.memory_space<vmem>> -> memref<1x112xi32, #tpu.memory_space<vmem>>
      %dma_start3A_825 = tpu.memref_squeeze %dma_start3A_824 : memref<1x112xi32, #tpu.memory_space<vmem>> -> memref<112xi32, #tpu.memory_space<vmem>>
      %dma_start3A_826 = arith.constant 0 : i32
      %dma_start3A_827 = arith.constant 0 : i32
      %dma_start3A_828 = tpu.memref_slice %arg16[%dma_start3A_826, %dma_start3A_827] : memref<10240x128xf32, #tpu.memory_space<vmem_shared>> -> memref<10240x128xf32, #tpu.memory_space<vmem_shared>>
      tpu.enqueue_indirect_dma source(%arg10 : memref<112x128xf32, #tpu.memory_space<vmem>>) target(%dma_start3A_828 : memref<10240x128xf32, #tpu.memory_space<vmem_shared>>) offsets(%dma_start3A_825 : memref<112xi32, #tpu.memory_space<vmem>>) semaphore(%arg25 : memref<!tpu.dma_semaphore, #tpu.memory_space<semaphore_mem>>) {add = true}
      %dma_wait3A_829 = arith.constant 0 : i32
      %dma_wait3A_830 = arith.constant 0 : i32
      %dma_wait3A_831 = tpu.memref_slice %arg13[%dma_wait3A_829, %dma_wait3A_830] : memref<8x112xi32, #tpu.memory_space<vmem>> -> memref<1x112xi32, #tpu.memory_space<vmem>>
      %dma_wait3A_832 = tpu.memref_squeeze %dma_wait3A_831 : memref<1x112xi32, #tpu.memory_space<vmem>> -> memref<112xi32, #tpu.memory_space<vmem>>
      %dma_wait3A_833 = arith.constant 0 : i32
      %dma_wait3A_834 = arith.constant 0 : i32
      %dma_wait3A_835 = tpu.memref_slice %arg16[%dma_wait3A_833, %dma_wait3A_834] : memref<10240x128xf32, #tpu.memory_space<vmem_shared>> -> memref<10240x128xf32, #tpu.memory_space<vmem_shared>>
      tpu.wait_indirect_dma semaphore(%arg24 : memref<!tpu.dma_semaphore, #tpu.memory_space<semaphore_mem>>) src(%arg9 : memref<112x128xf32, #tpu.memory_space<vmem>>) dst(%dma_wait3A_835 : memref<10240x128xf32, #tpu.memory_space<vmem_shared>>)
      %dma_start3A_836 = arith.constant 3 : i32
      %dma_start3A_837 = arith.constant 0 : i32
      %dma_start3A_838 = tpu.memref_slice %arg14[%dma_start3A_836, %dma_start3A_837] : memref<8x112xi32, #tpu.memory_space<vmem>> -> memref<1x112xi32, #tpu.memory_space<vmem>>
      %dma_start3A_839 = tpu.memref_squeeze %dma_start3A_838 : memref<1x112xi32, #tpu.memory_space<vmem>> -> memref<112xi32, #tpu.memory_space<vmem>>
      %dma_start3A_840 = arith.constant 0 : i32
      %dma_start3A_841 = arith.constant 0 : i32
      %dma_start3A_842 = tpu.memref_slice %arg7[%dma_start3A_840, %dma_start3A_841] : memref<10240x128xf32, #tpu.memory_space<hbm>> -> memref<10240x128xf32, #tpu.memory_space<hbm>>
      tpu.enqueue_indirect_dma source(%dma_start3A_842 : memref<10240x128xf32, #tpu.memory_space<hbm>>) target(%arg9 : memref<112x128xf32, #tpu.memory_space<vmem>>) offsets(%dma_start3A_839 : memref<112xi32, #tpu.memory_space<vmem>>) semaphore(%arg21 : memref<!tpu.dma_semaphore, #tpu.memory_space<semaphore_mem>>)
      %dma_wait3A_843 = arith.constant 0 : i32
      %dma_wait3A_844 = arith.constant 0 : i32
      %dma_wait3A_845 = tpu.memref_slice %arg12[%dma_wait3A_843, %dma_wait3A_844] : memref<8x112xi32, #tpu.memory_space<vmem>> -> memref<1x112xi32, #tpu.memory_space<vmem>>
      %dma_wait3A_846 = tpu.memref_squeeze %dma_wait3A_845 : memref<1x112xi32, #tpu.memory_space<vmem>> -> memref<112xi32, #tpu.memory_space<vmem>>
      %dma_wait3A_847 = arith.constant 0 : i32
      %dma_wait3A_848 = arith.constant 0 : i32
      %dma_wait3A_849 = tpu.memref_slice %arg7[%dma_wait3A_847, %dma_wait3A_848] : memref<10240x128xf32, #tpu.memory_space<hbm>> -> memref<10240x128xf32, #tpu.memory_space<hbm>>
      tpu.wait_indirect_dma semaphore(%arg23 : memref<!tpu.dma_semaphore, #tpu.memory_space<semaphore_mem>>) src(%dma_wait3A_849 : memref<10240x128xf32, #tpu.memory_space<hbm>>) dst(%arg11 : memref<112x128xf32, #tpu.memory_space<vmem>>)
      %dma_start3A_850 = arith.constant 2 : i32
      %dma_start3A_851 = arith.constant 0 : i32
      %dma_start3A_852 = tpu.memref_slice %arg15[%dma_start3A_850, %dma_start3A_851] : memref<8x112xi32, #tpu.memory_space<vmem>> -> memref<1x112xi32, #tpu.memory_space<vmem>>
      %dma_start3A_853 = tpu.memref_squeeze %dma_start3A_852 : memref<1x112xi32, #tpu.memory_space<vmem>> -> memref<112xi32, #tpu.memory_space<vmem>>
      %dma_start3A_854 = arith.constant 0 : i32
      %dma_start3A_855 = arith.constant 0 : i32
      %dma_start3A_856 = tpu.memref_slice %arg16[%dma_start3A_854, %dma_start3A_855] : memref<10240x128xf32, #tpu.memory_space<vmem_shared>> -> memref<10240x128xf32, #tpu.memory_space<vmem_shared>>
      tpu.enqueue_indirect_dma source(%arg11 : memref<112x128xf32, #tpu.memory_space<vmem>>) target(%dma_start3A_856 : memref<10240x128xf32, #tpu.memory_space<vmem_shared>>) offsets(%dma_start3A_853 : memref<112xi32, #tpu.memory_space<vmem>>) semaphore(%arg26 : memref<!tpu.dma_semaphore, #tpu.memory_space<semaphore_mem>>) {add = true}
      %dma_wait3A_857 = arith.constant 0 : i32
      %dma_wait3A_858 = arith.constant 0 : i32
      %dma_wait3A_859 = tpu.memref_slice %arg13[%dma_wait3A_857, %dma_wait3A_858] : memref<8x112xi32, #tpu.memory_space<vmem>> -> memref<1x112xi32, #tpu.memory_space<vmem>>
      %dma_wait3A_860 = tpu.memref_squeeze %dma_wait3A_859 : memref<1x112xi32, #tpu.memory_space<vmem>> -> memref<112xi32, #tpu.memory_space<vmem>>
      %dma_wait3A_861 = arith.constant 0 : i32
      %dma_wait3A_862 = arith.constant 0 : i32
      %dma_wait3A_863 = tpu.memref_slice %arg16[%dma_wait3A_861, %dma_wait3A_862] : memref<10240x128xf32, #tpu.memory_space<vmem_shared>> -> memref<10240x128xf32, #tpu.memory_space<vmem_shared>>
      tpu.wait_indirect_dma semaphore(%arg25 : memref<!tpu.dma_semaphore, #tpu.memory_space<semaphore_mem>>) src(%arg10 : memref<112x128xf32, #tpu.memory_space<vmem>>) dst(%dma_wait3A_863 : memref<10240x128xf32, #tpu.memory_space<vmem_shared>>)
      %dma_start3A_864 = arith.constant 4 : i32
      %dma_start3A_865 = arith.constant 0 : i32
      %dma_start3A_866 = tpu.memref_slice %arg14[%dma_start3A_864, %dma_start3A_865] : memref<8x112xi32, #tpu.memory_space<vmem>> -> memref<1x112xi32, #tpu.memory_space<vmem>>
      %dma_start3A_867 = tpu.memref_squeeze %dma_start3A_866 : memref<1x112xi32, #tpu.memory_space<vmem>> -> memref<112xi32, #tpu.memory_space<vmem>>
      %dma_start3A_868 = arith.constant 0 : i32
      %dma_start3A_869 = arith.constant 0 : i32
      %dma_start3A_870 = tpu.memref_slice %arg7[%dma_start3A_868, %dma_start3A_869] : memref<10240x128xf32, #tpu.memory_space<hbm>> -> memref<10240x128xf32, #tpu.memory_space<hbm>>
      tpu.enqueue_indirect_dma source(%dma_start3A_870 : memref<10240x128xf32, #tpu.memory_space<hbm>>) target(%arg10 : memref<112x128xf32, #tpu.memory_space<vmem>>) offsets(%dma_start3A_867 : memref<112xi32, #tpu.memory_space<vmem>>) semaphore(%arg22 : memref<!tpu.dma_semaphore, #tpu.memory_space<semaphore_mem>>)
      %dma_wait3A_871 = arith.constant 0 : i32
      %dma_wait3A_872 = arith.constant 0 : i32
      %dma_wait3A_873 = tpu.memref_slice %arg12[%dma_wait3A_871, %dma_wait3A_872] : memref<8x112xi32, #tpu.memory_space<vmem>> -> memref<1x112xi32, #tpu.memory_space<vmem>>
      %dma_wait3A_874 = tpu.memref_squeeze %dma_wait3A_873 : memref<1x112xi32, #tpu.memory_space<vmem>> -> memref<112xi32, #tpu.memory_space<vmem>>
      %dma_wait3A_875 = arith.constant 0 : i32
      %dma_wait3A_876 = arith.constant 0 : i32
      %dma_wait3A_877 = tpu.memref_slice %arg7[%dma_wait3A_875, %dma_wait3A_876] : memref<10240x128xf32, #tpu.memory_space<hbm>> -> memref<10240x128xf32, #tpu.memory_space<hbm>>
      tpu.wait_indirect_dma semaphore(%arg21 : memref<!tpu.dma_semaphore, #tpu.memory_space<semaphore_mem>>) src(%dma_wait3A_877 : memref<10240x128xf32, #tpu.memory_space<hbm>>) dst(%arg9 : memref<112x128xf32, #tpu.memory_space<vmem>>)
      %dma_start3A_878 = arith.constant 3 : i32
      %dma_start3A_879 = arith.constant 0 : i32
      %dma_start3A_880 = tpu.memref_slice %arg15[%dma_start3A_878, %dma_start3A_879] : memref<8x112xi32, #tpu.memory_space<vmem>> -> memref<1x112xi32, #tpu.memory_space<vmem>>
      %dma_start3A_881 = tpu.memref_squeeze %dma_start3A_880 : memref<1x112xi32, #tpu.memory_space<vmem>> -> memref<112xi32, #tpu.memory_space<vmem>>
      %dma_start3A_882 = arith.constant 0 : i32
      %dma_start3A_883 = arith.constant 0 : i32
      %dma_start3A_884 = tpu.memref_slice %arg16[%dma_start3A_882, %dma_start3A_883] : memref<10240x128xf32, #tpu.memory_space<vmem_shared>> -> memref<10240x128xf32, #tpu.memory_space<vmem_shared>>
      tpu.enqueue_indirect_dma source(%arg9 : memref<112x128xf32, #tpu.memory_space<vmem>>) target(%dma_start3A_884 : memref<10240x128xf32, #tpu.memory_space<vmem_shared>>) offsets(%dma_start3A_881 : memref<112xi32, #tpu.memory_space<vmem>>) semaphore(%arg24 : memref<!tpu.dma_semaphore, #tpu.memory_space<semaphore_mem>>) {add = true}
      %dma_wait3A_885 = arith.constant 0 : i32
      %dma_wait3A_886 = arith.constant 0 : i32
      %dma_wait3A_887 = tpu.memref_slice %arg13[%dma_wait3A_885, %dma_wait3A_886] : memref<8x112xi32, #tpu.memory_space<vmem>> -> memref<1x112xi32, #tpu.memory_space<vmem>>
      %dma_wait3A_888 = tpu.memref_squeeze %dma_wait3A_887 : memref<1x112xi32, #tpu.memory_space<vmem>> -> memref<112xi32, #tpu.memory_space<vmem>>
      %dma_wait3A_889 = arith.constant 0 : i32
      %dma_wait3A_890 = arith.constant 0 : i32
      %dma_wait3A_891 = tpu.memref_slice %arg16[%dma_wait3A_889, %dma_wait3A_890] : memref<10240x128xf32, #tpu.memory_space<vmem_shared>> -> memref<10240x128xf32, #tpu.memory_space<vmem_shared>>
      tpu.wait_indirect_dma semaphore(%arg26 : memref<!tpu.dma_semaphore, #tpu.memory_space<semaphore_mem>>) src(%arg11 : memref<112x128xf32, #tpu.memory_space<vmem>>) dst(%dma_wait3A_891 : memref<10240x128xf32, #tpu.memory_space<vmem_shared>>)
      %dma_start3A_892 = arith.constant 5 : i32
      %dma_start3A_893 = arith.constant 0 : i32
      %dma_start3A_894 = tpu.memref_slice %arg14[%dma_start3A_892, %dma_start3A_893] : memref<8x112xi32, #tpu.memory_space<vmem>> -> memref<1x112xi32, #tpu.memory_space<vmem>>
      %dma_start3A_895 = tpu.memref_squeeze %dma_start3A_894 : memref<1x112xi32, #tpu.memory_space<vmem>> -> memref<112xi32, #tpu.memory_space<vmem>>
      %dma_start3A_896 = arith.constant 0 : i32
      %dma_start3A_897 = arith.constant 0 : i32
      %dma_start3A_898 = tpu.memref_slice %arg7[%dma_start3A_896, %dma_start3A_897] : memref<10240x128xf32, #tpu.memory_space<hbm>> -> memref<10240x128xf32, #tpu.memory_space<hbm>>
      tpu.enqueue_indirect_dma source(%dma_start3A_898 : memref<10240x128xf32, #tpu.memory_space<hbm>>) target(%arg11 : memref<112x128xf32, #tpu.memory_space<vmem>>) offsets(%dma_start3A_895 : memref<112xi32, #tpu.memory_space<vmem>>) semaphore(%arg23 : memref<!tpu.dma_semaphore, #tpu.memory_space<semaphore_mem>>)
      %dma_wait3A_899 = arith.constant 0 : i32
      %dma_wait3A_900 = arith.constant 0 : i32
      %dma_wait3A_901 = tpu.memref_slice %arg12[%dma_wait3A_899, %dma_wait3A_900] : memref<8x112xi32, #tpu.memory_space<vmem>> -> memref<1x112xi32, #tpu.memory_space<vmem>>
      %dma_wait3A_902 = tpu.memref_squeeze %dma_wait3A_901 : memref<1x112xi32, #tpu.memory_space<vmem>> -> memref<112xi32, #tpu.memory_space<vmem>>
      %dma_wait3A_903 = arith.constant 0 : i32
      %dma_wait3A_904 = arith.constant 0 : i32
      %dma_wait3A_905 = tpu.memref_slice %arg7[%dma_wait3A_903, %dma_wait3A_904] : memref<10240x128xf32, #tpu.memory_space<hbm>> -> memref<10240x128xf32, #tpu.memory_space<hbm>>
      tpu.wait_indirect_dma semaphore(%arg22 : memref<!tpu.dma_semaphore, #tpu.memory_space<semaphore_mem>>) src(%dma_wait3A_905 : memref<10240x128xf32, #tpu.memory_space<hbm>>) dst(%arg10 : memref<112x128xf32, #tpu.memory_space<vmem>>)
      %dma_start3A_906 = arith.constant 4 : i32
      %dma_start3A_907 = arith.constant 0 : i32
      %dma_start3A_908 = tpu.memref_slice %arg15[%dma_start3A_906, %dma_start3A_907] : memref<8x112xi32, #tpu.memory_space<vmem>> -> memref<1x112xi32, #tpu.memory_space<vmem>>
      %dma_start3A_909 = tpu.memref_squeeze %dma_start3A_908 : memref<1x112xi32, #tpu.memory_space<vmem>> -> memref<112xi32, #tpu.memory_space<vmem>>
      %dma_start3A_910 = arith.constant 0 : i32
      %dma_start3A_911 = arith.constant 0 : i32
      %dma_start3A_912 = tpu.memref_slice %arg16[%dma_start3A_910, %dma_start3A_911] : memref<10240x128xf32, #tpu.memory_space<vmem_shared>> -> memref<10240x128xf32, #tpu.memory_space<vmem_shared>>
      tpu.enqueue_indirect_dma source(%arg10 : memref<112x128xf32, #tpu.memory_space<vmem>>) target(%dma_start3A_912 : memref<10240x128xf32, #tpu.memory_space<vmem_shared>>) offsets(%dma_start3A_909 : memref<112xi32, #tpu.memory_space<vmem>>) semaphore(%arg25 : memref<!tpu.dma_semaphore, #tpu.memory_space<semaphore_mem>>) {add = true}
    }
    %scan3A_273 = arith.constant 7 : i32
    %dma_wait3A_274 = arith.constant 0 : i32
    %dma_wait3A_275 = arith.constant 0 : i32
    %dma_wait3A_276 = tpu.memref_slice %arg13[%dma_wait3A_274, %dma_wait3A_275] : memref<8x112xi32, #tpu.memory_space<vmem>> -> memref<1x112xi32, #tpu.memory_space<vmem>>
    %dma_wait3A_277 = tpu.memref_squeeze %dma_wait3A_276 : memref<1x112xi32, #tpu.memory_space<vmem>> -> memref<112xi32, #tpu.memory_space<vmem>>
    %dma_wait3A_278 = arith.constant 0 : i32
    %dma_wait3A_279 = arith.constant 0 : i32
    %dma_wait3A_280 = tpu.memref_slice %arg16[%dma_wait3A_278, %dma_wait3A_279] : memref<10240x128xf32, #tpu.memory_space<vmem_shared>> -> memref<10240x128xf32, #tpu.memory_space<vmem_shared>>
    tpu.wait_indirect_dma semaphore(%arg24 : memref<!tpu.dma_semaphore, #tpu.memory_space<semaphore_mem>>) src(%arg9 : memref<112x128xf32, #tpu.memory_space<vmem>>) dst(%dma_wait3A_280 : memref<10240x128xf32, #tpu.memory_space<vmem_shared>>)
    %add3A_281 = arith.constant 14 : i32
    %add3A_282 = arith.addi %mul3A_250, %add3A_281 : i32
    %mul3A_283 = arith.constant 8 : i32
    %mul3A_284 = arith.muli %add3A_282, %mul3A_283 : i32
    %dma_wait3A_285 = arith.constant 0 : i32
    %dma_wait3A_286 = arith.constant 0 : i32
    %dma_wait3A_287 = tpu.memref_slice %arg3[%dma_wait3A_285, %mul3A_284, %dma_wait3A_286] : memref<2x3840x112xi32, #tpu.memory_space<hbm>> -> memref<1x8x112xi32, #tpu.memory_space<hbm>>
    %dma_wait3A_288 = tpu.memref_squeeze %dma_wait3A_287 : memref<1x8x112xi32, #tpu.memory_space<hbm>> -> memref<8x112xi32, #tpu.memory_space<hbm>>
    %dma_wait3A_289 = arith.constant 0 : i32
    %dma_wait3A_290 = tpu.memref_slice %arg3[%dma_wait3A_285, %mul3A_284, %dma_wait3A_289] : memref<2x3840x112xi32, #tpu.memory_space<hbm>> -> memref<1x8x112xi32, #tpu.memory_space<hbm>>
    %dma_wait3A_291 = tpu.memref_squeeze %dma_wait3A_290 : memref<1x8x112xi32, #tpu.memory_space<hbm>> -> memref<8x112xi32, #tpu.memory_space<hbm>>
    tpu.wait_dma2 semaphore(%arg19 : memref<!tpu.dma_semaphore, #tpu.memory_space<semaphore_mem>>) src(%dma_wait3A_291 : memref<8x112xi32, #tpu.memory_space<hbm>>) dst(%arg12 : memref<8x112xi32, #tpu.memory_space<vmem>>)
    %mul3A_292 = arith.constant 8 : i32
    %mul3A_293 = arith.muli %add3A_282, %mul3A_292 : i32
    %dma_wait3A_294 = arith.constant 1 : i32
    %dma_wait3A_295 = arith.constant 0 : i32
    %dma_wait3A_296 = tpu.memref_slice %arg3[%dma_wait3A_294, %mul3A_293, %dma_wait3A_295] : memref<2x3840x112xi32, #tpu.memory_space<hbm>> -> memref<1x8x112xi32, #tpu.memory_space<hbm>>
    %dma_wait3A_297 = tpu.memref_squeeze %dma_wait3A_296 : memref<1x8x112xi32, #tpu.memory_space<hbm>> -> memref<8x112xi32, #tpu.memory_space<hbm>>
    %dma_wait3A_298 = arith.constant 0 : i32
    %dma_wait3A_299 = tpu.memref_slice %arg3[%dma_wait3A_294, %mul3A_293, %dma_wait3A_298] : memref<2x3840x112xi32, #tpu.memory_space<hbm>> -> memref<1x8x112xi32, #tpu.memory_space<hbm>>
    %dma_wait3A_300 = tpu.memref_squeeze %dma_wait3A_299 : memref<1x8x112xi32, #tpu.memory_space<hbm>> -> memref<8x112xi32, #tpu.memory_space<hbm>>
    tpu.wait_dma2 semaphore(%arg19 : memref<!tpu.dma_semaphore, #tpu.memory_space<semaphore_mem>>) src(%dma_wait3A_300 : memref<8x112xi32, #tpu.memory_space<hbm>>) dst(%arg13 : memref<8x112xi32, #tpu.memory_space<vmem>>)
    %dma_start3A_301 = arith.constant 0 : i32
    %dma_start3A_302 = arith.constant 0 : i32
    %dma_start3A_303 = tpu.memref_slice %arg12[%dma_start3A_301, %dma_start3A_302] : memref<8x112xi32, #tpu.memory_space<vmem>> -> memref<1x112xi32, #tpu.memory_space<vmem>>
    %dma_start3A_304 = tpu.memref_squeeze %dma_start3A_303 : memref<1x112xi32, #tpu.memory_space<vmem>> -> memref<112xi32, #tpu.memory_space<vmem>>
    %dma_start3A_305 = arith.constant 0 : i32
    %dma_start3A_306 = arith.constant 0 : i32
    %dma_start3A_307 = tpu.memref_slice %arg7[%dma_start3A_305, %dma_start3A_306] : memref<10240x128xf32, #tpu.memory_space<hbm>> -> memref<10240x128xf32, #tpu.memory_space<hbm>>
    tpu.enqueue_indirect_dma source(%dma_start3A_307 : memref<10240x128xf32, #tpu.memory_space<hbm>>) target(%arg9 : memref<112x128xf32, #tpu.memory_space<vmem>>) offsets(%dma_start3A_304 : memref<112xi32, #tpu.memory_space<vmem>>) semaphore(%arg21 : memref<!tpu.dma_semaphore, #tpu.memory_space<semaphore_mem>>)
    %dma_wait3A_308 = arith.constant 0 : i32
    %dma_wait3A_309 = arith.constant 0 : i32
    %dma_wait3A_310 = tpu.memref_slice %arg12[%dma_wait3A_308, %dma_wait3A_309] : memref<8x112xi32, #tpu.memory_space<vmem>> -> memref<1x112xi32, #tpu.memory_space<vmem>>
    %dma_wait3A_311 = tpu.memref_squeeze %dma_wait3A_310 : memref<1x112xi32, #tpu.memory_space<vmem>> -> memref<112xi32, #tpu.memory_space<vmem>>
    %dma_wait3A_312 = arith.constant 0 : i32
    %dma_wait3A_313 = arith.constant 0 : i32
    %dma_wait3A_314 = tpu.memref_slice %arg7[%dma_wait3A_312, %dma_wait3A_313] : memref<10240x128xf32, #tpu.memory_space<hbm>> -> memref<10240x128xf32, #tpu.memory_space<hbm>>
    tpu.wait_indirect_dma semaphore(%arg23 : memref<!tpu.dma_semaphore, #tpu.memory_space<semaphore_mem>>) src(%dma_wait3A_314 : memref<10240x128xf32, #tpu.memory_space<hbm>>) dst(%arg11 : memref<112x128xf32, #tpu.memory_space<vmem>>)
    %dma_start3A_315 = arith.constant 5 : i32
    %dma_start3A_316 = arith.constant 0 : i32
    %dma_start3A_317 = tpu.memref_slice %arg15[%dma_start3A_315, %dma_start3A_316] : memref<8x112xi32, #tpu.memory_space<vmem>> -> memref<1x112xi32, #tpu.memory_space<vmem>>
    %dma_start3A_318 = tpu.memref_squeeze %dma_start3A_317 : memref<1x112xi32, #tpu.memory_space<vmem>> -> memref<112xi32, #tpu.memory_space<vmem>>
    %dma_start3A_319 = arith.constant 0 : i32
    %dma_start3A_320 = arith.constant 0 : i32
    %dma_start3A_321 = tpu.memref_slice %arg16[%dma_start3A_319, %dma_start3A_320] : memref<10240x128xf32, #tpu.memory_space<vmem_shared>> -> memref<10240x128xf32, #tpu.memory_space<vmem_shared>>
    tpu.enqueue_indirect_dma source(%arg11 : memref<112x128xf32, #tpu.memory_space<vmem>>) target(%dma_start3A_321 : memref<10240x128xf32, #tpu.memory_space<vmem_shared>>) offsets(%dma_start3A_318 : memref<112xi32, #tpu.memory_space<vmem>>) semaphore(%arg26 : memref<!tpu.dma_semaphore, #tpu.memory_space<semaphore_mem>>) {add = true}
    %dma_wait3A_322 = arith.constant 0 : i32
    %dma_wait3A_323 = arith.constant 0 : i32
    %dma_wait3A_324 = tpu.memref_slice %arg13[%dma_wait3A_322, %dma_wait3A_323] : memref<8x112xi32, #tpu.memory_space<vmem>> -> memref<1x112xi32, #tpu.memory_space<vmem>>
    %dma_wait3A_325 = tpu.memref_squeeze %dma_wait3A_324 : memref<1x112xi32, #tpu.memory_space<vmem>> -> memref<112xi32, #tpu.memory_space<vmem>>
    %dma_wait3A_326 = arith.constant 0 : i32
    %dma_wait3A_327 = arith.constant 0 : i32
    %dma_wait3A_328 = tpu.memref_slice %arg16[%dma_wait3A_326, %dma_wait3A_327] : memref<10240x128xf32, #tpu.memory_space<vmem_shared>> -> memref<10240x128xf32, #tpu.memory_space<vmem_shared>>
    tpu.wait_indirect_dma semaphore(%arg25 : memref<!tpu.dma_semaphore, #tpu.memory_space<semaphore_mem>>) src(%arg10 : memref<112x128xf32, #tpu.memory_space<vmem>>) dst(%dma_wait3A_328 : memref<10240x128xf32, #tpu.memory_space<vmem_shared>>)
    %dma_start3A_329 = arith.constant 1 : i32
    %dma_start3A_330 = arith.constant 0 : i32
    %dma_start3A_331 = tpu.memref_slice %arg12[%dma_start3A_329, %dma_start3A_330] : memref<8x112xi32, #tpu.memory_space<vmem>> -> memref<1x112xi32, #tpu.memory_space<vmem>>
    %dma_start3A_332 = tpu.memref_squeeze %dma_start3A_331 : memref<1x112xi32, #tpu.memory_space<vmem>> -> memref<112xi32, #tpu.memory_space<vmem>>
    %dma_start3A_333 = arith.constant 0 : i32
    %dma_start3A_334 = arith.constant 0 : i32
    %dma_start3A_335 = tpu.memref_slice %arg7[%dma_start3A_333, %dma_start3A_334] : memref<10240x128xf32, #tpu.memory_space<hbm>> -> memref<10240x128xf32, #tpu.memory_space<hbm>>
    tpu.enqueue_indirect_dma source(%dma_start3A_335 : memref<10240x128xf32, #tpu.memory_space<hbm>>) target(%arg10 : memref<112x128xf32, #tpu.memory_space<vmem>>) offsets(%dma_start3A_332 : memref<112xi32, #tpu.memory_space<vmem>>) semaphore(%arg22 : memref<!tpu.dma_semaphore, #tpu.memory_space<semaphore_mem>>)
    %dma_wait3A_336 = arith.constant 0 : i32
    %dma_wait3A_337 = arith.constant 0 : i32
    %dma_wait3A_338 = tpu.memref_slice %arg12[%dma_wait3A_336, %dma_wait3A_337] : memref<8x112xi32, #tpu.memory_space<vmem>> -> memref<1x112xi32, #tpu.memory_space<vmem>>
    %dma_wait3A_339 = tpu.memref_squeeze %dma_wait3A_338 : memref<1x112xi32, #tpu.memory_space<vmem>> -> memref<112xi32, #tpu.memory_space<vmem>>
    %dma_wait3A_340 = arith.constant 0 : i32
    %dma_wait3A_341 = arith.constant 0 : i32
    %dma_wait3A_342 = tpu.memref_slice %arg7[%dma_wait3A_340, %dma_wait3A_341] : memref<10240x128xf32, #tpu.memory_space<hbm>> -> memref<10240x128xf32, #tpu.memory_space<hbm>>
    tpu.wait_indirect_dma semaphore(%arg21 : memref<!tpu.dma_semaphore, #tpu.memory_space<semaphore_mem>>) src(%dma_wait3A_342 : memref<10240x128xf32, #tpu.memory_space<hbm>>) dst(%arg9 : memref<112x128xf32, #tpu.memory_space<vmem>>)
    %dma_start3A_343 = arith.constant 0 : i32
    %dma_start3A_344 = arith.constant 0 : i32
    %dma_start3A_345 = tpu.memref_slice %arg13[%dma_start3A_343, %dma_start3A_344] : memref<8x112xi32, #tpu.memory_space<vmem>> -> memref<1x112xi32, #tpu.memory_space<vmem>>
    %dma_start3A_346 = tpu.memref_squeeze %dma_start3A_345 : memref<1x112xi32, #tpu.memory_space<vmem>> -> memref<112xi32, #tpu.memory_space<vmem>>
    %dma_start3A_347 = arith.constant 0 : i32
    %dma_start3A_348 = arith.constant 0 : i32
    %dma_start3A_349 = tpu.memref_slice %arg16[%dma_start3A_347, %dma_start3A_348] : memref<10240x128xf32, #tpu.memory_space<vmem_shared>> -> memref<10240x128xf32, #tpu.memory_space<vmem_shared>>
    tpu.enqueue_indirect_dma source(%arg9 : memref<112x128xf32, #tpu.memory_space<vmem>>) target(%dma_start3A_349 : memref<10240x128xf32, #tpu.memory_space<vmem_shared>>) offsets(%dma_start3A_346 : memref<112xi32, #tpu.memory_space<vmem>>) semaphore(%arg24 : memref<!tpu.dma_semaphore, #tpu.memory_space<semaphore_mem>>) {add = true}
    %dma_wait3A_350 = arith.constant 0 : i32
    %dma_wait3A_351 = arith.constant 0 : i32
    %dma_wait3A_352 = tpu.memref_slice %arg13[%dma_wait3A_350, %dma_wait3A_351] : memref<8x112xi32, #tpu.memory_space<vmem>> -> memref<1x112xi32, #tpu.memory_space<vmem>>
    %dma_wait3A_353 = tpu.memref_squeeze %dma_wait3A_352 : memref<1x112xi32, #tpu.memory_space<vmem>> -> memref<112xi32, #tpu.memory_space<vmem>>
    %dma_wait3A_354 = arith.constant 0 : i32
    %dma_wait3A_355 = arith.constant 0 : i32
    %dma_wait3A_356 = tpu.memref_slice %arg16[%dma_wait3A_354, %dma_wait3A_355] : memref<10240x128xf32, #tpu.memory_space<vmem_shared>> -> memref<10240x128xf32, #tpu.memory_space<vmem_shared>>
    tpu.wait_indirect_dma semaphore(%arg26 : memref<!tpu.dma_semaphore, #tpu.memory_space<semaphore_mem>>) src(%arg11 : memref<112x128xf32, #tpu.memory_space<vmem>>) dst(%dma_wait3A_356 : memref<10240x128xf32, #tpu.memory_space<vmem_shared>>)
    %dma_start3A_357 = arith.constant 2 : i32
    %dma_start3A_358 = arith.constant 0 : i32
    %dma_start3A_359 = tpu.memref_slice %arg12[%dma_start3A_357, %dma_start3A_358] : memref<8x112xi32, #tpu.memory_space<vmem>> -> memref<1x112xi32, #tpu.memory_space<vmem>>
    %dma_start3A_360 = tpu.memref_squeeze %dma_start3A_359 : memref<1x112xi32, #tpu.memory_space<vmem>> -> memref<112xi32, #tpu.memory_space<vmem>>
    %dma_start3A_361 = arith.constant 0 : i32
    %dma_start3A_362 = arith.constant 0 : i32
    %dma_start3A_363 = tpu.memref_slice %arg7[%dma_start3A_361, %dma_start3A_362] : memref<10240x128xf32, #tpu.memory_space<hbm>> -> memref<10240x128xf32, #tpu.memory_space<hbm>>
    tpu.enqueue_indirect_dma source(%dma_start3A_363 : memref<10240x128xf32, #tpu.memory_space<hbm>>) target(%arg11 : memref<112x128xf32, #tpu.memory_space<vmem>>) offsets(%dma_start3A_360 : memref<112xi32, #tpu.memory_space<vmem>>) semaphore(%arg23 : memref<!tpu.dma_semaphore, #tpu.memory_space<semaphore_mem>>)
    %dma_wait3A_364 = arith.constant 0 : i32
    %dma_wait3A_365 = arith.constant 0 : i32
    %dma_wait3A_366 = tpu.memref_slice %arg12[%dma_wait3A_364, %dma_wait3A_365] : memref<8x112xi32, #tpu.memory_space<vmem>> -> memref<1x112xi32, #tpu.memory_space<vmem>>
    %dma_wait3A_367 = tpu.memref_squeeze %dma_wait3A_366 : memref<1x112xi32, #tpu.memory_space<vmem>> -> memref<112xi32, #tpu.memory_space<vmem>>
    %dma_wait3A_368 = arith.constant 0 : i32
    %dma_wait3A_369 = arith.constant 0 : i32
    %dma_wait3A_370 = tpu.memref_slice %arg7[%dma_wait3A_368, %dma_wait3A_369] : memref<10240x128xf32, #tpu.memory_space<hbm>> -> memref<10240x128xf32, #tpu.memory_space<hbm>>
    tpu.wait_indirect_dma semaphore(%arg22 : memref<!tpu.dma_semaphore, #tpu.memory_space<semaphore_mem>>) src(%dma_wait3A_370 : memref<10240x128xf32, #tpu.memory_space<hbm>>) dst(%arg10 : memref<112x128xf32, #tpu.memory_space<vmem>>)
    %dma_start3A_371 = arith.constant 1 : i32
    %dma_start3A_372 = arith.constant 0 : i32
    %dma_start3A_373 = tpu.memref_slice %arg13[%dma_start3A_371, %dma_start3A_372] : memref<8x112xi32, #tpu.memory_space<vmem>> -> memref<1x112xi32, #tpu.memory_space<vmem>>
    %dma_start3A_374 = tpu.memref_squeeze %dma_start3A_373 : memref<1x112xi32, #tpu.memory_space<vmem>> -> memref<112xi32, #tpu.memory_space<vmem>>
    %dma_start3A_375 = arith.constant 0 : i32
    %dma_start3A_376 = arith.constant 0 : i32
    %dma_start3A_377 = tpu.memref_slice %arg16[%dma_start3A_375, %dma_start3A_376] : memref<10240x128xf32, #tpu.memory_space<vmem_shared>> -> memref<10240x128xf32, #tpu.memory_space<vmem_shared>>
    tpu.enqueue_indirect_dma source(%arg10 : memref<112x128xf32, #tpu.memory_space<vmem>>) target(%dma_start3A_377 : memref<10240x128xf32, #tpu.memory_space<vmem_shared>>) offsets(%dma_start3A_374 : memref<112xi32, #tpu.memory_space<vmem>>) semaphore(%arg25 : memref<!tpu.dma_semaphore, #tpu.memory_space<semaphore_mem>>) {add = true}
    %dma_wait3A_378 = arith.constant 0 : i32
    %dma_wait3A_379 = arith.constant 0 : i32
    %dma_wait3A_380 = tpu.memref_slice %arg13[%dma_wait3A_378, %dma_wait3A_379] : memref<8x112xi32, #tpu.memory_space<vmem>> -> memref<1x112xi32, #tpu.memory_space<vmem>>
    %dma_wait3A_381 = tpu.memref_squeeze %dma_wait3A_380 : memref<1x112xi32, #tpu.memory_space<vmem>> -> memref<112xi32, #tpu.memory_space<vmem>>
    %dma_wait3A_382 = arith.constant 0 : i32
    %dma_wait3A_383 = arith.constant 0 : i32
    %dma_wait3A_384 = tpu.memref_slice %arg16[%dma_wait3A_382, %dma_wait3A_383] : memref<10240x128xf32, #tpu.memory_space<vmem_shared>> -> memref<10240x128xf32, #tpu.memory_space<vmem_shared>>
    tpu.wait_indirect_dma semaphore(%arg24 : memref<!tpu.dma_semaphore, #tpu.memory_space<semaphore_mem>>) src(%arg9 : memref<112x128xf32, #tpu.memory_space<vmem>>) dst(%dma_wait3A_384 : memref<10240x128xf32, #tpu.memory_space<vmem_shared>>)
    %dma_start3A_385 = arith.constant 3 : i32
    %dma_start3A_386 = arith.constant 0 : i32
    %dma_start3A_387 = tpu.memref_slice %arg12[%dma_start3A_385, %dma_start3A_386] : memref<8x112xi32, #tpu.memory_space<vmem>> -> memref<1x112xi32, #tpu.memory_space<vmem>>
    %dma_start3A_388 = tpu.memref_squeeze %dma_start3A_387 : memref<1x112xi32, #tpu.memory_space<vmem>> -> memref<112xi32, #tpu.memory_space<vmem>>
    %dma_start3A_389 = arith.constant 0 : i32
    %dma_start3A_390 = arith.constant 0 : i32
    %dma_start3A_391 = tpu.memref_slice %arg7[%dma_start3A_389, %dma_start3A_390] : memref<10240x128xf32, #tpu.memory_space<hbm>> -> memref<10240x128xf32, #tpu.memory_space<hbm>>
    tpu.enqueue_indirect_dma source(%dma_start3A_391 : memref<10240x128xf32, #tpu.memory_space<hbm>>) target(%arg9 : memref<112x128xf32, #tpu.memory_space<vmem>>) offsets(%dma_start3A_388 : memref<112xi32, #tpu.memory_space<vmem>>) semaphore(%arg21 : memref<!tpu.dma_semaphore, #tpu.memory_space<semaphore_mem>>)
    %dma_wait3A_392 = arith.constant 0 : i32
    %dma_wait3A_393 = arith.constant 0 : i32
    %dma_wait3A_394 = tpu.memref_slice %arg12[%dma_wait3A_392, %dma_wait3A_393] : memref<8x112xi32, #tpu.memory_space<vmem>> -> memref<1x112xi32, #tpu.memory_space<vmem>>
    %dma_wait3A_395 = tpu.memref_squeeze %dma_wait3A_394 : memref<1x112xi32, #tpu.memory_space<vmem>> -> memref<112xi32, #tpu.memory_space<vmem>>
    %dma_wait3A_396 = arith.constant 0 : i32
    %dma_wait3A_397 = arith.constant 0 : i32
    %dma_wait3A_398 = tpu.memref_slice %arg7[%dma_wait3A_396, %dma_wait3A_397] : memref<10240x128xf32, #tpu.memory_space<hbm>> -> memref<10240x128xf32, #tpu.memory_space<hbm>>
    tpu.wait_indirect_dma semaphore(%arg23 : memref<!tpu.dma_semaphore, #tpu.memory_space<semaphore_mem>>) src(%dma_wait3A_398 : memref<10240x128xf32, #tpu.memory_space<hbm>>) dst(%arg11 : memref<112x128xf32, #tpu.memory_space<vmem>>)
    %dma_start3A_399 = arith.constant 2 : i32
    %dma_start3A_400 = arith.constant 0 : i32
    %dma_start3A_401 = tpu.memref_slice %arg13[%dma_start3A_399, %dma_start3A_400] : memref<8x112xi32, #tpu.memory_space<vmem>> -> memref<1x112xi32, #tpu.memory_space<vmem>>
    %dma_start3A_402 = tpu.memref_squeeze %dma_start3A_401 : memref<1x112xi32, #tpu.memory_space<vmem>> -> memref<112xi32, #tpu.memory_space<vmem>>
    %dma_start3A_403 = arith.constant 0 : i32
    %dma_start3A_404 = arith.constant 0 : i32
    %dma_start3A_405 = tpu.memref_slice %arg16[%dma_start3A_403, %dma_start3A_404] : memref<10240x128xf32, #tpu.memory_space<vmem_shared>> -> memref<10240x128xf32, #tpu.memory_space<vmem_shared>>
    tpu.enqueue_indirect_dma source(%arg11 : memref<112x128xf32, #tpu.memory_space<vmem>>) target(%dma_start3A_405 : memref<10240x128xf32, #tpu.memory_space<vmem_shared>>) offsets(%dma_start3A_402 : memref<112xi32, #tpu.memory_space<vmem>>) semaphore(%arg26 : memref<!tpu.dma_semaphore, #tpu.memory_space<semaphore_mem>>) {add = true}
    %dma_wait3A_406 = arith.constant 0 : i32
    %dma_wait3A_407 = arith.constant 0 : i32
    %dma_wait3A_408 = tpu.memref_slice %arg13[%dma_wait3A_406, %dma_wait3A_407] : memref<8x112xi32, #tpu.memory_space<vmem>> -> memref<1x112xi32, #tpu.memory_space<vmem>>
    %dma_wait3A_409 = tpu.memref_squeeze %dma_wait3A_408 : memref<1x112xi32, #tpu.memory_space<vmem>> -> memref<112xi32, #tpu.memory_space<vmem>>
    %dma_wait3A_410 = arith.constant 0 : i32
    %dma_wait3A_411 = arith.constant 0 : i32
    %dma_wait3A_412 = tpu.memref_slice %arg16[%dma_wait3A_410, %dma_wait3A_411] : memref<10240x128xf32, #tpu.memory_space<vmem_shared>> -> memref<10240x128xf32, #tpu.memory_space<vmem_shared>>
    tpu.wait_indirect_dma semaphore(%arg25 : memref<!tpu.dma_semaphore, #tpu.memory_space<semaphore_mem>>) src(%arg10 : memref<112x128xf32, #tpu.memory_space<vmem>>) dst(%dma_wait3A_412 : memref<10240x128xf32, #tpu.memory_space<vmem_shared>>)
    %dma_start3A_413 = arith.constant 4 : i32
    %dma_start3A_414 = arith.constant 0 : i32
    %dma_start3A_415 = tpu.memref_slice %arg12[%dma_start3A_413, %dma_start3A_414] : memref<8x112xi32, #tpu.memory_space<vmem>> -> memref<1x112xi32, #tpu.memory_space<vmem>>
    %dma_start3A_416 = tpu.memref_squeeze %dma_start3A_415 : memref<1x112xi32, #tpu.memory_space<vmem>> -> memref<112xi32, #tpu.memory_space<vmem>>
    %dma_start3A_417 = arith.constant 0 : i32
    %dma_start3A_418 = arith.constant 0 : i32
    %dma_start3A_419 = tpu.memref_slice %arg7[%dma_start3A_417, %dma_start3A_418] : memref<10240x128xf32, #tpu.memory_space<hbm>> -> memref<10240x128xf32, #tpu.memory_space<hbm>>
    tpu.enqueue_indirect_dma source(%dma_start3A_419 : memref<10240x128xf32, #tpu.memory_space<hbm>>) target(%arg10 : memref<112x128xf32, #tpu.memory_space<vmem>>) offsets(%dma_start3A_416 : memref<112xi32, #tpu.memory_space<vmem>>) semaphore(%arg22 : memref<!tpu.dma_semaphore, #tpu.memory_space<semaphore_mem>>)
    %dma_wait3A_420 = arith.constant 0 : i32
    %dma_wait3A_421 = arith.constant 0 : i32
    %dma_wait3A_422 = tpu.memref_slice %arg12[%dma_wait3A_420, %dma_wait3A_421] : memref<8x112xi32, #tpu.memory_space<vmem>> -> memref<1x112xi32, #tpu.memory_space<vmem>>
    %dma_wait3A_423 = tpu.memref_squeeze %dma_wait3A_422 : memref<1x112xi32, #tpu.memory_space<vmem>> -> memref<112xi32, #tpu.memory_space<vmem>>
    %dma_wait3A_424 = arith.constant 0 : i32
    %dma_wait3A_425 = arith.constant 0 : i32
    %dma_wait3A_426 = tpu.memref_slice %arg7[%dma_wait3A_424, %dma_wait3A_425] : memref<10240x128xf32, #tpu.memory_space<hbm>> -> memref<10240x128xf32, #tpu.memory_space<hbm>>
    tpu.wait_indirect_dma semaphore(%arg21 : memref<!tpu.dma_semaphore, #tpu.memory_space<semaphore_mem>>) src(%dma_wait3A_426 : memref<10240x128xf32, #tpu.memory_space<hbm>>) dst(%arg9 : memref<112x128xf32, #tpu.memory_space<vmem>>)
    %dma_start3A_427 = arith.constant 3 : i32
    %dma_start3A_428 = arith.constant 0 : i32
    %dma_start3A_429 = tpu.memref_slice %arg13[%dma_start3A_427, %dma_start3A_428] : memref<8x112xi32, #tpu.memory_space<vmem>> -> memref<1x112xi32, #tpu.memory_space<vmem>>
    %dma_start3A_430 = tpu.memref_squeeze %dma_start3A_429 : memref<1x112xi32, #tpu.memory_space<vmem>> -> memref<112xi32, #tpu.memory_space<vmem>>
    %dma_start3A_431 = arith.constant 0 : i32
    %dma_start3A_432 = arith.constant 0 : i32
    %dma_start3A_433 = tpu.memref_slice %arg16[%dma_start3A_431, %dma_start3A_432] : memref<10240x128xf32, #tpu.memory_space<vmem_shared>> -> memref<10240x128xf32, #tpu.memory_space<vmem_shared>>
    tpu.enqueue_indirect_dma source(%arg9 : memref<112x128xf32, #tpu.memory_space<vmem>>) target(%dma_start3A_433 : memref<10240x128xf32, #tpu.memory_space<vmem_shared>>) offsets(%dma_start3A_430 : memref<112xi32, #tpu.memory_space<vmem>>) semaphore(%arg24 : memref<!tpu.dma_semaphore, #tpu.memory_space<semaphore_mem>>) {add = true}
    %dma_wait3A_434 = arith.constant 0 : i32
    %dma_wait3A_435 = arith.constant 0 : i32
    %dma_wait3A_436 = tpu.memref_slice %arg13[%dma_wait3A_434, %dma_wait3A_435] : memref<8x112xi32, #tpu.memory_space<vmem>> -> memref<1x112xi32, #tpu.memory_space<vmem>>
    %dma_wait3A_437 = tpu.memref_squeeze %dma_wait3A_436 : memref<1x112xi32, #tpu.memory_space<vmem>> -> memref<112xi32, #tpu.memory_space<vmem>>
    %dma_wait3A_438 = arith.constant 0 : i32
    %dma_wait3A_439 = arith.constant 0 : i32
    %dma_wait3A_440 = tpu.memref_slice %arg16[%dma_wait3A_438, %dma_wait3A_439] : memref<10240x128xf32, #tpu.memory_space<vmem_shared>> -> memref<10240x128xf32, #tpu.memory_space<vmem_shared>>
    tpu.wait_indirect_dma semaphore(%arg26 : memref<!tpu.dma_semaphore, #tpu.memory_space<semaphore_mem>>) src(%arg11 : memref<112x128xf32, #tpu.memory_space<vmem>>) dst(%dma_wait3A_440 : memref<10240x128xf32, #tpu.memory_space<vmem_shared>>)
    %dma_start3A_441 = arith.constant 5 : i32
    %dma_start3A_442 = arith.constant 0 : i32
    %dma_start3A_443 = tpu.memref_slice %arg12[%dma_start3A_441, %dma_start3A_442] : memref<8x112xi32, #tpu.memory_space<vmem>> -> memref<1x112xi32, #tpu.memory_space<vmem>>
    %dma_start3A_444 = tpu.memref_squeeze %dma_start3A_443 : memref<1x112xi32, #tpu.memory_space<vmem>> -> memref<112xi32, #tpu.memory_space<vmem>>
    %dma_start3A_445 = arith.constant 0 : i32
    %dma_start3A_446 = arith.constant 0 : i32
    %dma_start3A_447 = tpu.memref_slice %arg7[%dma_start3A_445, %dma_start3A_446] : memref<10240x128xf32, #tpu.memory_space<hbm>> -> memref<10240x128xf32, #tpu.memory_space<hbm>>
    tpu.enqueue_indirect_dma source(%dma_start3A_447 : memref<10240x128xf32, #tpu.memory_space<hbm>>) target(%arg11 : memref<112x128xf32, #tpu.memory_space<vmem>>) offsets(%dma_start3A_444 : memref<112xi32, #tpu.memory_space<vmem>>) semaphore(%arg23 : memref<!tpu.dma_semaphore, #tpu.memory_space<semaphore_mem>>)
    %dma_wait3A_448 = arith.constant 0 : i32
    %dma_wait3A_449 = arith.constant 0 : i32
    %dma_wait3A_450 = tpu.memref_slice %arg12[%dma_wait3A_448, %dma_wait3A_449] : memref<8x112xi32, #tpu.memory_space<vmem>> -> memref<1x112xi32, #tpu.memory_space<vmem>>
    %dma_wait3A_451 = tpu.memref_squeeze %dma_wait3A_450 : memref<1x112xi32, #tpu.memory_space<vmem>> -> memref<112xi32, #tpu.memory_space<vmem>>
    %dma_wait3A_452 = arith.constant 0 : i32
    %dma_wait3A_453 = arith.constant 0 : i32
    %dma_wait3A_454 = tpu.memref_slice %arg7[%dma_wait3A_452, %dma_wait3A_453] : memref<10240x128xf32, #tpu.memory_space<hbm>> -> memref<10240x128xf32, #tpu.memory_space<hbm>>
    tpu.wait_indirect_dma semaphore(%arg22 : memref<!tpu.dma_semaphore, #tpu.memory_space<semaphore_mem>>) src(%dma_wait3A_454 : memref<10240x128xf32, #tpu.memory_space<hbm>>) dst(%arg10 : memref<112x128xf32, #tpu.memory_space<vmem>>)
    %dma_start3A_455 = arith.constant 4 : i32
    %dma_start3A_456 = arith.constant 0 : i32
    %dma_start3A_457 = tpu.memref_slice %arg13[%dma_start3A_455, %dma_start3A_456] : memref<8x112xi32, #tpu.memory_space<vmem>> -> memref<1x112xi32, #tpu.memory_space<vmem>>
    %dma_start3A_458 = tpu.memref_squeeze %dma_start3A_457 : memref<1x112xi32, #tpu.memory_space<vmem>> -> memref<112xi32, #tpu.memory_space<vmem>>
    %dma_start3A_459 = arith.constant 0 : i32
    %dma_start3A_460 = arith.constant 0 : i32
    %dma_start3A_461 = tpu.memref_slice %arg16[%dma_start3A_459, %dma_start3A_460] : memref<10240x128xf32, #tpu.memory_space<vmem_shared>> -> memref<10240x128xf32, #tpu.memory_space<vmem_shared>>
    tpu.enqueue_indirect_dma source(%arg10 : memref<112x128xf32, #tpu.memory_space<vmem>>) target(%dma_start3A_461 : memref<10240x128xf32, #tpu.memory_space<vmem_shared>>) offsets(%dma_start3A_458 : memref<112xi32, #tpu.memory_space<vmem>>) semaphore(%arg25 : memref<!tpu.dma_semaphore, #tpu.memory_space<semaphore_mem>>) {add = true}
    %dma_wait3A_462 = arith.constant 0 : i32
    %dma_wait3A_463 = arith.constant 0 : i32
    %dma_wait3A_464 = tpu.memref_slice %arg12[%dma_wait3A_462, %dma_wait3A_463] : memref<8x112xi32, #tpu.memory_space<vmem>> -> memref<1x112xi32, #tpu.memory_space<vmem>>
    %dma_wait3A_465 = tpu.memref_squeeze %dma_wait3A_464 : memref<1x112xi32, #tpu.memory_space<vmem>> -> memref<112xi32, #tpu.memory_space<vmem>>
    %dma_wait3A_466 = arith.constant 0 : i32
    %dma_wait3A_467 = arith.constant 0 : i32
    %dma_wait3A_468 = tpu.memref_slice %arg7[%dma_wait3A_466, %dma_wait3A_467] : memref<10240x128xf32, #tpu.memory_space<hbm>> -> memref<10240x128xf32, #tpu.memory_space<hbm>>
    tpu.wait_indirect_dma semaphore(%arg23 : memref<!tpu.dma_semaphore, #tpu.memory_space<semaphore_mem>>) src(%dma_wait3A_468 : memref<10240x128xf32, #tpu.memory_space<hbm>>) dst(%arg11 : memref<112x128xf32, #tpu.memory_space<vmem>>)
    %dma_start3A_469 = arith.constant 5 : i32
    %dma_start3A_470 = arith.constant 0 : i32
    %dma_start3A_471 = tpu.memref_slice %arg13[%dma_start3A_469, %dma_start3A_470] : memref<8x112xi32, #tpu.memory_space<vmem>> -> memref<1x112xi32, #tpu.memory_space<vmem>>
    %dma_start3A_472 = tpu.memref_squeeze %dma_start3A_471 : memref<1x112xi32, #tpu.memory_space<vmem>> -> memref<112xi32, #tpu.memory_space<vmem>>
    %dma_start3A_473 = arith.constant 0 : i32
    %dma_start3A_474 = arith.constant 0 : i32
    %dma_start3A_475 = tpu.memref_slice %arg16[%dma_start3A_473, %dma_start3A_474] : memref<10240x128xf32, #tpu.memory_space<vmem_shared>> -> memref<10240x128xf32, #tpu.memory_space<vmem_shared>>
    tpu.enqueue_indirect_dma source(%arg11 : memref<112x128xf32, #tpu.memory_space<vmem>>) target(%dma_start3A_475 : memref<10240x128xf32, #tpu.memory_space<vmem_shared>>) offsets(%dma_start3A_472 : memref<112xi32, #tpu.memory_space<vmem>>) semaphore(%arg26 : memref<!tpu.dma_semaphore, #tpu.memory_space<semaphore_mem>>) {add = true}
    %dma_wait3A_476 = arith.constant 0 : i32
    %dma_wait3A_477 = arith.constant 0 : i32
    %dma_wait3A_478 = tpu.memref_slice %arg13[%dma_wait3A_476, %dma_wait3A_477] : memref<8x112xi32, #tpu.memory_space<vmem>> -> memref<1x112xi32, #tpu.memory_space<vmem>>
    %dma_wait3A_479 = tpu.memref_squeeze %dma_wait3A_478 : memref<1x112xi32, #tpu.memory_space<vmem>> -> memref<112xi32, #tpu.memory_space<vmem>>
    %dma_wait3A_480 = arith.constant 0 : i32
    %dma_wait3A_481 = arith.constant 0 : i32
    %dma_wait3A_482 = tpu.memref_slice %arg16[%dma_wait3A_480, %dma_wait3A_481] : memref<10240x128xf32, #tpu.memory_space<vmem_shared>> -> memref<10240x128xf32, #tpu.memory_space<vmem_shared>>
    tpu.wait_indirect_dma semaphore(%arg24 : memref<!tpu.dma_semaphore, #tpu.memory_space<semaphore_mem>>) src(%arg9 : memref<112x128xf32, #tpu.memory_space<vmem>>) dst(%dma_wait3A_482 : memref<10240x128xf32, #tpu.memory_space<vmem_shared>>)
    %dma_wait3A_483 = arith.constant 0 : i32
    %dma_wait3A_484 = arith.constant 0 : i32
    %dma_wait3A_485 = tpu.memref_slice %arg13[%dma_wait3A_483, %dma_wait3A_484] : memref<8x112xi32, #tpu.memory_space<vmem>> -> memref<1x112xi32, #tpu.memory_space<vmem>>
    %dma_wait3A_486 = tpu.memref_squeeze %dma_wait3A_485 : memref<1x112xi32, #tpu.memory_space<vmem>> -> memref<112xi32, #tpu.memory_space<vmem>>
    %dma_wait3A_487 = arith.constant 0 : i32
    %dma_wait3A_488 = arith.constant 0 : i32
    %dma_wait3A_489 = tpu.memref_slice %arg16[%dma_wait3A_487, %dma_wait3A_488] : memref<10240x128xf32, #tpu.memory_space<vmem_shared>> -> memref<10240x128xf32, #tpu.memory_space<vmem_shared>>
    tpu.wait_indirect_dma semaphore(%arg25 : memref<!tpu.dma_semaphore, #tpu.memory_space<semaphore_mem>>) src(%arg10 : memref<112x128xf32, #tpu.memory_space<vmem>>) dst(%dma_wait3A_489 : memref<10240x128xf32, #tpu.memory_space<vmem_shared>>)
    %dma_wait3A_490 = arith.constant 0 : i32
    %dma_wait3A_491 = arith.constant 0 : i32
    %dma_wait3A_492 = tpu.memref_slice %arg13[%dma_wait3A_490, %dma_wait3A_491] : memref<8x112xi32, #tpu.memory_space<vmem>> -> memref<1x112xi32, #tpu.memory_space<vmem>>
    %dma_wait3A_493 = tpu.memref_squeeze %dma_wait3A_492 : memref<1x112xi32, #tpu.memory_space<vmem>> -> memref<112xi32, #tpu.memory_space<vmem>>
    %dma_wait3A_494 = arith.constant 0 : i32
    %dma_wait3A_495 = arith.constant 0 : i32
    %dma_wait3A_496 = tpu.memref_slice %arg16[%dma_wait3A_494, %dma_wait3A_495] : memref<10240x128xf32, #tpu.memory_space<vmem_shared>> -> memref<10240x128xf32, #tpu.memory_space<vmem_shared>>
    tpu.wait_indirect_dma semaphore(%arg26 : memref<!tpu.dma_semaphore, #tpu.memory_space<semaphore_mem>>) src(%arg11 : memref<112x128xf32, #tpu.memory_space<vmem>>) dst(%dma_wait3A_496 : memref<10240x128xf32, #tpu.memory_space<vmem_shared>>)
    %barrier3A_497 = arith.constant 0 : index
    tpu.barrier barrier_id(%barrier3A_497)
    %mul3A_498 = arith.constant 640 : i32
    %mul3A_499 = arith.muli %arg1, %mul3A_498 : i32
    %mul3A_500 = arith.constant 640 : i32
    %mul3A_501 = arith.muli %arg1, %mul3A_500 : i32
    "tpu.region"() ({
      %run_scoped3A = tpu.sem_alloc : memref<!tpu.dma_semaphore, #tpu.memory_space<semaphore_mem>>
      %dma_start3A_502 = arith.constant 0 : i32
      %dma_start3A_503 = tpu.memref_slice %arg6[%arg0, %mul3A_501, %dma_start3A_502] : memref<2x10240x128xf32, #tpu.memory_space<hbm>> -> memref<1x640x128xf32, #tpu.memory_space<hbm>>
      %dma_start3A_504 = tpu.memref_squeeze %dma_start3A_503 : memref<1x640x128xf32, #tpu.memory_space<hbm>> -> memref<640x128xf32, #tpu.memory_space<hbm>>
      %dma_start3A_505 = arith.constant 0 : i32
      %dma_start3A_506 = tpu.memref_slice %arg16[%mul3A_499, %dma_start3A_505] : memref<10240x128xf32, #tpu.memory_space<vmem_shared>> -> memref<640x128xf32, #tpu.memory_space<vmem_shared>>
      tpu.enqueue_dma source(%dma_start3A_506 : memref<640x128xf32, #tpu.memory_space<vmem_shared>>) target(%dma_start3A_504 : memref<640x128xf32, #tpu.memory_space<hbm>>) target_semaphore(%run_scoped3A : memref<!tpu.dma_semaphore, #tpu.memory_space<semaphore_mem>>)
      %dma_wait3A_507 = arith.constant 0 : i32
      %dma_wait3A_508 = tpu.memref_slice %arg6[%arg0, %mul3A_501, %dma_wait3A_507] : memref<2x10240x128xf32, #tpu.memory_space<hbm>> -> memref<1x640x128xf32, #tpu.memory_space<hbm>>
      %dma_wait3A_509 = tpu.memref_squeeze %dma_wait3A_508 : memref<1x640x128xf32, #tpu.memory_space<hbm>> -> memref<640x128xf32, #tpu.memory_space<hbm>>
      %dma_wait3A_510 = arith.constant 0 : i32
      %dma_wait3A_511 = tpu.memref_slice %arg16[%mul3A_499, %dma_wait3A_510] : memref<10240x128xf32, #tpu.memory_space<vmem_shared>> -> memref<640x128xf32, #tpu.memory_space<vmem_shared>>
      tpu.wait_dma2 semaphore(%run_scoped3A : memref<!tpu.dma_semaphore, #tpu.memory_space<semaphore_mem>>) src(%dma_wait3A_511 : memref<640x128xf32, #tpu.memory_space<vmem_shared>>) dst(%dma_wait3A_509 : memref<640x128xf32, #tpu.memory_space<hbm>>)
      tpu.yield
    }) : () -> ()
    return
  }
}

module attributes {stable_mosaic.version = 14 : i64} {
  func.func @_tc_body(%arg0: i32, %arg1: memref<2x2048x128xf32, #tpu.memory_space<vmem>>, %arg2: memref<128x128xf32, #tpu.memory_space<vmem>>, %arg3: memref<1x128xf32, #tpu.memory_space<vmem>>, %arg4: memref<128x16xf32, #tpu.memory_space<vmem>>, %arg5: memref<1x16xf32, #tpu.memory_space<vmem>>, %arg6: memref<1x16xf32, #tpu.memory_space<vmem>>, %arg7: memref<1x128xf32, #tpu.memory_space<vmem>>) attributes {dimension_semantics = [#tpu.dimension_semantics<arbitrary>], iteration_bounds = array<i64: 5>, scalar_prefetch = 0 : i64, scratch_operands = 1 : i64, tpu.core_type = #tpu.core_type<tc>, window_params = [{transform_indices = @transform_0, window_bounds = array<i64: 2, 2048, 128>}, {pipeline_mode = #tpu.pipeline_mode<synchronous>, transform_indices = @transform_1, window_bounds = array<i64: 128, 128>}, {pipeline_mode = #tpu.pipeline_mode<synchronous>, transform_indices = @transform_2, window_bounds = array<i64: 1, 128>}, {pipeline_mode = #tpu.pipeline_mode<synchronous>, transform_indices = @transform_3, window_bounds = array<i64: 128, 16>}, {pipeline_mode = #tpu.pipeline_mode<synchronous>, transform_indices = @transform_4, window_bounds = array<i64: 1, 16>}, {pipeline_mode = #tpu.pipeline_mode<synchronous>, transform_indices = @transform_5, window_bounds = array<i64: 1, 16>}]} {
    %eq3A = arith.constant 0 : i32
    %eq3A_0 = arith.cmpi eq, %arg0, %eq3A : i32
    %convert_element_type3A = arith.extui %eq3A_0 : i1 to i32
    %cond3A = arith.constant 0 : i32
    %cond3A_1 = arith.cmpi ne, %convert_element_type3A, %cond3A : i32
    scf.if %cond3A_1 {
      %broadcast_in_dim3A_38 = arith.constant 0.000000e+00 : f32
      %broadcast_in_dim3A_39 = vector.broadcast %broadcast_in_dim3A_38 : f32 to vector<1x128xf32>
      %swap3A_40 = arith.constant 0 : index
      %swap3A_41 = arith.constant 0 : index
      %swap3A_42 = vector.load %arg7[%swap3A_40, %swap3A_41] : memref<1x128xf32, #tpu.memory_space<vmem>>, vector<1x128xf32>
      tpu.vector_store %arg7[%swap3A_40, %swap3A_41], %broadcast_in_dim3A_39 {strides = array<i32>} : memref<1x128xf32, #tpu.memory_space<vmem>>, vector<1x128xf32>,
    } else {
    }
    %get3A = arith.constant 0 : index
    %get3A_2 = arith.constant 0 : index
    %get3A_3 = arith.constant 0 : index
    %get3A_4 = vector.load %arg1[%get3A, %get3A_2, %get3A_3] : memref<2x2048x128xf32, #tpu.memory_space<vmem>>, vector<2x2048x128xf32>
    %slice3A = vector.extract_strided_slice %get3A_4 {offsets = [0, 0, 0], sizes = [1, 2048, 128], strides = [1, 1, 1]} : vector<2x2048x128xf32> to vector<1x2048x128xf32>
    %squeeze3A = vector.shape_cast %slice3A : vector<1x2048x128xf32> to vector<2048x128xf32>
    %slice3A_5 = vector.extract_strided_slice %get3A_4 {offsets = [1, 0, 0], sizes = [1, 2048, 128], strides = [1, 1, 1]} : vector<2x2048x128xf32> to vector<1x2048x128xf32>
    %squeeze3A_6 = vector.shape_cast %slice3A_5 : vector<1x2048x128xf32> to vector<2048x128xf32>
    %add3A = arith.addf %squeeze3A, %squeeze3A_6 : vector<2048x128xf32>
    %get3A_7 = arith.constant 0 : index
    %get3A_8 = arith.constant 0 : index
    %get3A_9 = vector.load %arg2[%get3A_7, %get3A_8] : memref<128x128xf32, #tpu.memory_space<vmem>>, vector<128x128xf32>
    %dot_general3A = arith.constant dense<0.000000e+00> : vector<2048x128xf32>
    %dot_general3A_10 = tpu.matmul %add3A, %get3A_9, %dot_general3A {dimension_numbers = #tpu.dot_dimension_numbers<[1], [0], [0], [1], [0, 0, 1, 1], [], []>, precision = #tpu.contract_precision<fp32>, transpose_lhs_hint = false} : vector<2048x128xf32>, vector<128x128xf32>, vector<2048x128xf32> -> vector<2048x128xf32>
    %get3A_11 = arith.constant 0 : index
    %get3A_12 = arith.constant 0 : index
    %get3A_13 = vector.load %arg3[%get3A_11, %get3A_12] : memref<1x128xf32, #tpu.memory_space<vmem>>, vector<1x128xf32>
    %add3A_14 = vector.broadcast %get3A_13 : vector<1x128xf32> to vector<2048x128xf32>
    %add3A_15 = arith.addf %dot_general3A_10, %add3A_14 : vector<2048x128xf32>
    %max3A = arith.constant 0.000000e+00 : f32
    %max3A_16 = vector.broadcast %max3A : f32 to vector<2048x128xf32>
    %max3A_17 = arith.maximumf %add3A_15, %max3A_16 : vector<2048x128xf32>
    %mul3A = arith.constant 2048 : i32
    %mul3A_18 = arith.muli %arg0, %mul3A : i32
    %iota3A = tpu.iota {dimensions = array<i32: 0>} : vector<2048x1xi32>
    %add3A_19 = vector.broadcast %mul3A_18 : i32 to vector<2048x1xi32>
    %add3A_20 = arith.addi %add3A_19, %iota3A : vector<2048x1xi32>
    %lt3A = arith.constant 10000 : i32
    %lt3A_21 = vector.broadcast %lt3A : i32 to vector<2048x1xi32>
    %lt3A_22 = arith.cmpi slt, %add3A_20, %lt3A_21 : vector<2048x1xi32>
    %jit3A = arith.constant 0.000000e+00 : f32
    %broadcast_in_dim3A = vector.shape_cast %lt3A_22 : vector<2048x1xi1> to vector<2048x1xi1>
    %broadcast_in_dim3A_23 = vector.broadcast %broadcast_in_dim3A : vector<2048x1xi1> to vector<2048x128xi1>
    %broadcast_in_dim3A_24 = vector.broadcast %jit3A : f32 to vector<2048x128xf32>
    %select_n3A = arith.select %broadcast_in_dim3A_23, %max3A_17, %broadcast_in_dim3A_24 : vector<2048x128xi1>, vector<2048x128xf32>
    %get3A_25 = arith.constant 0 : index
    %get3A_26 = arith.constant 0 : index
    %get3A_27 = vector.load %arg7[%get3A_25, %get3A_26] : memref<1x128xf32, #tpu.memory_space<vmem>>, vector<1x128xf32>
    %reduce_sum3A = arith.constant dense<0.000000e+00> : vector<128xf32>
    %reduce_sum3A_28 = vector.multi_reduction <add>, %select_n3A, %reduce_sum3A [0] : vector<2048x128xf32> to vector<128xf32>
    %broadcast_in_dim3A_29 = vector.shape_cast %reduce_sum3A_28 : vector<128xf32> to vector<1x128xf32>
    %add3A_30 = arith.addf %get3A_27, %broadcast_in_dim3A_29 : vector<1x128xf32>
    %swap3A = arith.constant 0 : index
    %swap3A_31 = arith.constant 0 : index
    %swap3A_32 = vector.load %arg7[%swap3A, %swap3A_31] : memref<1x128xf32, #tpu.memory_space<vmem>>, vector<1x128xf32>
    tpu.vector_store %arg7[%swap3A, %swap3A_31], %add3A_30 {strides = array<i32>} : memref<1x128xf32, #tpu.memory_space<vmem>>, vector<1x128xf32>,
    %eq3A_33 = arith.constant 4 : i32
    %eq3A_34 = arith.cmpi eq, %arg0, %eq3A_33 : i32
    %convert_element_type3A_35 = arith.extui %eq3A_34 : i1 to i32
    %cond3A_36 = arith.constant 0 : i32
    %cond3A_37 = arith.cmpi ne, %convert_element_type3A_35, %cond3A_36 : i32
    scf.if %cond3A_37 {
      %get3A_38 = arith.constant 0 : index
      %get3A_39 = arith.constant 0 : index
      %get3A_40 = vector.load %arg7[%get3A_38, %get3A_39] : memref<1x128xf32, #tpu.memory_space<vmem>>, vector<1x128xf32>
      %mul3A_41 = arith.constant 9.99999974E-5 : f32
      %mul3A_42 = vector.broadcast %mul3A_41 : f32 to vector<1x128xf32>
      %mul3A_43 = arith.mulf %get3A_40, %mul3A_42 : vector<1x128xf32>
      %get3A_44 = arith.constant 0 : index
      %get3A_45 = arith.constant 0 : index
      %get3A_46 = vector.load %arg4[%get3A_44, %get3A_45] : memref<128x16xf32, #tpu.memory_space<vmem>>, vector<128x16xf32>
      %dot_general3A_47 = arith.constant dense<0.000000e+00> : vector<1x16xf32>
      %dot_general3A_48 = tpu.matmul %mul3A_43, %get3A_46, %dot_general3A_47 {dimension_numbers = #tpu.dot_dimension_numbers<[1], [0], [0], [1], [0, 0, 1, 1], [], []>, precision = #tpu.contract_precision<fp32>, transpose_lhs_hint = false} : vector<1x128xf32>, vector<128x16xf32>, vector<1x16xf32> -> vector<1x16xf32>
      %get3A_49 = arith.constant 0 : index
      %get3A_50 = arith.constant 0 : index
      %get3A_51 = vector.load %arg5[%get3A_49, %get3A_50] : memref<1x16xf32, #tpu.memory_space<vmem>>, vector<1x16xf32>
      %add3A_52 = arith.addf %dot_general3A_48, %get3A_51 : vector<1x16xf32>
      %swap3A_53 = arith.constant 0 : index
      %swap3A_54 = arith.constant 0 : index
      %swap3A_55 = vector.load %arg6[%swap3A_53, %swap3A_54] : memref<1x16xf32, #tpu.memory_space<vmem>>, vector<1x16xf32>
      tpu.vector_store %arg6[%swap3A_53, %swap3A_54], %add3A_52 {strides = array<i32>} : memref<1x16xf32, #tpu.memory_space<vmem>>, vector<1x16xf32>,
    } else {
    }
    return
  }
  func.func @transform_0(%arg0: i32) -> (i32, i32, i32) {
    %c0_i32 = arith.constant 0 : i32
    %c0_i32_0 = arith.constant 0 : i32
    %c0_i32_1 = arith.constant 0 : i32
    return %c0_i32, %arg0, %c0_i32_0 : i32, i32, i32
  }
  func.func @transform_1(%arg0: i32) -> (i32, i32) {
    %c0_i32 = arith.constant 0 : i32
    %c0_i32_0 = arith.constant 0 : i32
    %c0_i32_1 = arith.constant 0 : i32
    return %c0_i32, %c0_i32_0 : i32, i32
  }
  func.func @transform_2(%arg0: i32) -> (i32, i32) {
    %c0_i32 = arith.constant 0 : i32
    %c0_i32_0 = arith.constant 0 : i32
    %c0_i32_1 = arith.constant 0 : i32
    return %c0_i32, %c0_i32_0 : i32, i32
  }
  func.func @transform_3(%arg0: i32) -> (i32, i32) {
    %c0_i32 = arith.constant 0 : i32
    %c0_i32_0 = arith.constant 0 : i32
    %c0_i32_1 = arith.constant 0 : i32
    return %c0_i32, %c0_i32_0 : i32, i32
  }
  func.func @transform_4(%arg0: i32) -> (i32, i32) {
    %c0_i32 = arith.constant 0 : i32
    %c0_i32_0 = arith.constant 0 : i32
    %c0_i32_1 = arith.constant 0 : i32
    return %c0_i32, %c0_i32_0 : i32, i32
  }
  func.func @transform_5(%arg0: i32) -> (i32, i32) {
    %c0_i32 = arith.constant 0 : i32
    %c0_i32_0 = arith.constant 0 : i32
    %c0_i32_1 = arith.constant 0 : i32
    return %c0_i32, %c0_i32_0 : i32, i32
  }
}

</mosaic_0001>

<sc_bundles>
// kernel: kernel.4.cloned.1.call-start
scs
__scs_entry_jumppad:
0x0: {  	(pc) =	sbr.rel $0x88, $3  }
0x1: {  	(tag) =	ssettag $0x0;
	lr =	simm.s32 $0x1  }
0x2: {  	[smem:$0x3F9A] =	sst lr;
	_ =	strace $0xD0000000  }
0x3: {  	_ = 	snop  }
0x4: {  	_ = 	snop  }
0x5: {  	_ = 	snop  }
0x6: {  	_ = 	snop  }
0x7: {  	_ = 	snop  }
__scs_overlays_trampoline_lowered:
0x8: {  	[smem:$0x3FA9] =	sst s0  }
0x9: {  	[smem:$0x3FAA] =	sst s1  }
0xa: {  	[smem:$0x3FAB] =	sst s2  }
0xb: {  	[smem:$0x3FAC] =	sst s3  }
0xc: {  	[smem:$0x3FAD] =	sst s4  }
0xd: {  	[smem:$0x3FAE] =	sst s5  }
0xe: {  	[smem:$0x3FAF] =	sst s6  }
0xf: {  	[smem:$0x3FB0] =	sst s7  }
0x10: {  	[smem:$0x3FB1] =	sst s8  }
0x11: {  	[smem:$0x3FB2] =	sst s9;
	s0 =	simm.s32 @!p0 $0x0  }
0x12: {  	s1 =	sld [smem:$0x3F98];
	s0 =	simm.s32 @p0 $0x1  }
0x13: {  	[smem:$0x3FB3] =	sst s0;
	s0 =	simm.s32 @!p1 $0x0  }
0x14: {  	s2 =	sld [smem:$0x3F97];
	s0 =	simm.s32 @p1 $0x1  }
0x15: {  	[smem:$0x3FB4] =	sst s0;
	s0 =	simm.s32 @!p2 $0x0  }
0x16: {  	s3 =	sld [smem:$0x3FDB];
	s0 =	simm.s32 @p2 $0x1  }
0x17: {  	s4 =	simm.s32 $0x1BF5;
	[smem:$0x3FB6] =	sst s0  }
0x18: {  	s0 =	sld [smem:$0x3F99];
	_ =	swait.ge [sflag:s4], $0x0  }
0x19: {  	s7 =	sld [smem:$0x3F9A]  }
0x1a: {  	s8 =	sadd.s32 $0xFFFFE003, lr  }
0x1b: {  	s9 =	sadd.s32 $0xFFFFFEF7, lr;
	s5 =	simm.s32 $0xFFFFFFFF;
	p2 =	slt.u32 s8, $0xFFFFF086  }
0x1c: {  	p1 =	slt.u32 s9, $0xF7A;
	s5 =	simm.s32 @!p2 $0x0  }
0x1d: {  	s5 =	simm.s32 @p1 $0x1;
	p0 =	seq.s32 s7, s2  }
0x1e: {  	s7 =	smul.u32 @!p0 $0xF7A, s2;
	p2 =	seq.s32 @!p0 s5, $0x0  }
0x1f: {  	s9 =	smul.u32 $0xF7A, s1;
	s8 =	simm.s32 @!p0 $0x1BF5;
	p2 =	por !p2, p0  }
0x20: {  	[sflag:s8] =	ssyncset.s32 @!p0 $0xFFFFF086;
	s6 =	sadd.s32 @!p0 s3, s7;
	s7 =	simm.s32 @!p0 $0x108  }
0x21: {  	s3 =	sadd.s32 s3, s9;
	s6 =	sadd.s32 @!p0 $0x88, s6;
	s7 =	simm.s32 @p2 $0x1082  }
0x22: {  	[simem:s7], [sflag:s8] =	dma.local @!p0 [hbm:s6], $0xF7A  }
0x23: {  	s9 =	sor.u32 $0xD0000000, s2;
	s6 =	simm.s32 $0x108;
	_ =	swait.ge @!p0 [sflag:s8], $0x0  }
0x24: {  	s3 =	sadd.s32 $0x88, s3;
	s6 =	simm.s32 @!p1 $0x1082;
	[sflag:s4] =	ssyncset.s32 $0xFFFFF086  }
0x25: {  	[simem:s6], [sflag:s4] =	dma.local [hbm:s3], $0xF7A  }
0x26: {  	[smem:$0x3F9A] =	sst s1;
	(tag) =	ssettag s2;
	_ =	strace s9  }
0x27: {  	s1 =	sld [smem:$0x3FAA]  }
0x28: {  	s2 =	sld [smem:$0x3FAB]  }
0x29: {  	s4 =	sld [smem:$0x3FAD]  }
0x2a: {  	p0 =	seq.s32 s5, $0x0;
	s5 =	sld [smem:$0x3FAE]  }
0x2b: {  	s6 =	sld [smem:$0x3FAF]  }
0x2c: {  	s7 =	sld [smem:$0x3FB0]  }
0x2d: {  	s3 =	simm.s32 $0x108;
	s8 =	sld [smem:$0x3FB1]  }
0x2e: {  	s3 =	simm.s32 @!p0 $0x1082;
	s9 =	sld [smem:$0x3FB2]  }
0x2f: {  	lr =	sadd.s32 s0, s3;
	s0 =	sld [smem:$0x3FA9]  }
0x30: {  	s3 =	sld [smem:$0x3FAC]  }
0x31: {  	[smem:$0x3FB5] =	sst s10  }
0x32: {  	s10 =	sld [smem:$0x3FB3];
	_ =	sdelay $0x3  }
0x33: {  	p0 =	seq.s32 s10, $0x1;
	s10 =	sld [smem:$0x3FB5];
	_ =	sdelay $0x3  }
0x34: {  	[smem:$0x3FB5] =	sst s10  }
0x35: {  	s10 =	sld [smem:$0x3FB4];
	_ =	sdelay $0x3  }
0x36: {  	p1 =	seq.s32 s10, $0x1;
	s10 =	sld [smem:$0x3FB5];
	_ =	sdelay $0x3  }
0x37: {  	[smem:$0x3FB5] =	sst s10  }
0x38: {  	s10 =	sld [smem:$0x3FB6]  }
0x39: {  	_ = 	snop;
	(pc) =	sbr.ind lr, $3  }
0x3a: {  	_ = 	snop  }
0x3b: {  	_ = 	snop  }
0x3c: {  	p2 =	seq.s32 s10, $0x1;
	s10 =	sld [smem:$0x3FB5]  }
0x3d: {  	_ =	shalt  }
0x3e: {  	_ =	shalt  }
0x3f: {  	_ =	shalt  }
0x40: {  	_ =	shalt  }
0x41: {  	_ =	shalt  }
0x42: {  	_ =	shalt  }
0x43: {  	_ =	shalt  }
0x44: {  	_ =	shalt  }
0x45: {  	_ =	shalt  }
0x46: {  	_ =	shalt  }
0x47: {  	_ =	shalt  }
0x48: {  	_ =	shalt  }
0x49: {  	_ =	shalt  }
0x4a: {  	_ =	shalt  }
0x4b: {  	_ =	shalt  }
0x4c: {  	_ =	shalt  }
0x4d: {  	_ =	shalt  }
0x4e: {  	_ =	shalt  }
0x4f: {  	_ =	shalt  }
0x50: {  	_ =	shalt  }
0x51: {  	_ =	shalt  }
0x52: {  	_ =	shalt  }
0x53: {  	_ =	shalt  }
0x54: {  	_ =	shalt  }
0x55: {  	_ =	shalt  }
0x56: {  	_ =	shalt  }
0x57: {  	_ =	shalt  }
0x58: {  	_ =	shalt  }
0x59: {  	_ =	shalt  }
0x5a: {  	_ =	shalt  }
0x5b: {  	_ =	shalt  }
0x5c: {  	_ =	shalt  }
0x5d: {  	_ =	shalt  }
0x5e: {  	_ =	shalt  }
0x5f: {  	_ =	shalt  }
0x60: {  	_ =	shalt  }
0x61: {  	_ =	shalt  }
0x62: {  	_ =	shalt  }
0x63: {  	_ =	shalt  }
0x64: {  	_ =	shalt  }
0x65: {  	_ =	shalt  }
0x66: {  	_ =	shalt  }
0x67: {  	_ =	shalt  }
0x68: {  	_ =	shalt  }
0x69: {  	_ =	shalt  }
0x6a: {  	_ =	shalt  }
0x6b: {  	_ =	shalt  }
0x6c: {  	_ =	shalt  }
0x6d: {  	_ =	shalt  }
0x6e: {  	_ =	shalt  }
0x6f: {  	_ =	shalt  }
0x70: {  	_ =	shalt  }
0x71: {  	_ =	shalt  }
0x72: {  	_ =	shalt  }
0x73: {  	_ =	shalt  }
0x74: {  	_ =	shalt  }
0x75: {  	_ =	shalt  }
0x76: {  	_ =	shalt  }
0x77: {  	_ =	shalt  }
0x78: {  	_ =	shalt  }
0x79: {  	_ =	shalt  }
0x7a: {  	_ =	shalt  }
0x7b: {  	_ =	shalt  }
0x7c: {  	_ =	shalt  }
0x7d: {  	_ =	shalt  }
0x7e: {  	_ =	shalt  }
0x7f: {  	_ =	shalt  }
0x80: {  	_ =	shalt  }
0x81: {  	_ =	shalt  }
0x82: {  	_ =	shalt  }
0x83: {  	_ =	shalt  }
0x84: {  	_ =	shalt  }
0x85: {  	_ =	shalt  }
0x86: {  	_ =	shalt  }
0x87: {  	_ =	shalt  }
.Lfunc_end0:
.L_simem_size_0:
called_computation_lowered:
.L_overlay_start_0:
0x88: {  	s2 =	sld [smem:$0x3FD9]  }
0x89: {  	s3 =	sld [smem:$0x3FFE];
	_ =	sdelay $0x1  }
0x8a: {  	s1 =	srdreg.scid  }
0x8b: {  	s0 =	sand.u32 $0x1, s1  }
0x8c: {  	s17 =	sshll.u32 s0, $0xA;
	s2 =	sadd.s32 s3, s2  }
0x8d: {  	s2 =	sadd.s32 s2, s17  }
0x8e: {  	[smem:$0x3FC1] =	sst s2  }
0x8f: {  	_ = 	snop  }
0x90: {  	s2 =	sld [smem:$0x3FC7];
	(tm) =	ssettm $0x1  }
0x91: {  	s18 =	sld [smem:$0x3FFB];
	_ =	sdelay $0x3  }
0x92: {  	_ =	strace s18  }
0x93: {  	s3 =	sld [smem:$0x3FFC];
	_ =	sdelay $0x3  }
0x94: {  	_ =	strace s3  }
0x95: {  	s3 =	sld [smem:$0x3FFD];
	_ =	sdelay $0x3  }
0x96: {  	_ =	strace s3  }
0x97: {  	_ =	strace $0x8FFFFFFF  }
0x98: {  	s19 =	sld [smem:$0x3FDB];
	_ =	sdelay $0x1  }
0x99: {  	s4 =	simm.s32 $_scs_section_size  }
0x9a: {  	s5 =	simm.s32 $_size__tile_overlayer_lowered;
	s6 =	simm.s32 $_tile_overlayer_lowered  }
0x9b: {  	s22 =	simm.s32 $0x1BFF;
	s21 =	sshll.u32 s6, $0x1;
	s3 =	sadd.s32 s4, s19  }
0x9c: {  	s7 =	simm.s32 $0x0;
	s20 =	sshll.u32 s5, $0x1;
	s5 =	sadd.s32 s21, s3  }
0x9d: {  	[timem:s7], [sflag:s22] =	dma.local [hbm:s5], s20  }
0x9e: {  	_ =	swait.ge [sflag:s22], s20  }
0x9f: {  	s4 =	ssub.s32 $0x0, s20;
	[sflag:s22] =	ssyncset.done $0x0  }
0xa0: {  	[sflag:s22] =	ssyncadd.s32 s4;
	_ =	sdelay $0x1  }
0xa1: {  	s23 =	simm.s32 $0x1B8B  }
0xa2: {  	_ =	swait.ge [sflag:s23], $0x1  }
0xa3: {  	[sflag:s23] =	ssyncset.done $0x0  }
0xa4: {  	s25 =	simm.s32 $0x1B8E;
	s24 =	sld [smem:$0x3FFE];
	[sflag:s23] =	ssyncadd.s32 $0xFFFFFFFF  }
0xa5: {  	s26 =	simm.s32 $execute0_lowered;
	[smem:$0x3FD2] =	sst s25  }
0xa6: {  	s5 =	sshll.u32 s26, $0x1;
	_ =	strace $0x80000046;
	[dreg:$0x1] =	wrdreg $0xFFFFFFFF  }
0xa7: {  	s28 =	simm.s32 $_size_execute0_lowered;
	s3 =	sadd.s32 s3, s5;
	[dreg:$0x0] =	wrdreg $0x0  }
0xa8: {  	s5 =	sshll.u32 s28, $0x1;
	[dreg:$0x2] =	wrdreg s3  }
0xa9: {  	[dreg:$0x3] =	wrdreg s5  }
0xaa: {  	[dreg:$0x4] =	wrdreg $0xC0  }
0xab: {  	_ =	task [dreg:s7], $0x5FFFF  }
0xac: {  	[dreg:$0x1] =	wrdreg $0xFFFFFFFF  }
0xad: {  	[dreg:$0x0] =	wrdreg $0x60  }
0xae: {  	[dreg:$0x2] =	wrdreg s24  }
0xaf: {  	[dreg:$0x3] =	wrdreg s2  }
0xb0: {  	[dreg:$0x4] =	wrdreg $0xB8800  }
0xb1: {  	[dreg:$0x5] =	wrdreg $0x9  }
0xb2: {  	_ =	task.clear_ibuf [dreg:s7], $0x6FFFF;
	_ =	strace $0x90000046  }
0xb3: {  	s29 =	simm.s32 $0x9;
	_ =	strace $0x80000048  }
0xb4: {  	_ =	swait.ge [sflag:s29], $0x1  }
0xb5: {  	[sflag:s29] =	ssyncadd.s32 $0xFFFFFFFF  }
0xb6: {  	_ =	strace $0x90000048  }
0xb7: {  	_ =	sfence  }
0xb8: {  	s30 =	sld [smem:$0x0];
	_ =	sdelay $0x2  }
0xb9: {  	s31 =	sshll.u32 s1, $0xD;
	s1 =	sshrl.u32 s1, $0x2  }
0xba: {  	s3 =	sand.u32 $0x4000, s31;
	s1 =	sadd.s32 s1, s30  }
0xbb: {  	s0 =	sor.u32 s3, s0;
	s1 =	sshll.u32 s1, $0x11  }
0xbc: {  	s0 =	sor.u32 s1, s0  }
0xbd: {  	s0 =	sadd.s32 $0x8F2B, s0  }
0xbe: {  	[sflag:s0] =	ssyncadd.remote.s32 $0x1  }
0xbf: {  	_ =	sfence.sel $0xFFFF  }
0xc0: {  	[dreg:$0x0] =	wrdreg $0xFFFFFFFF;
	(pc) =	sbr.abs _section_cstart, $3  }
0xc1: {  	[dreg:$0x1] =	wrdreg $0xFFFFFFFF  }
0xc2: {  	_ =	task.clear_ibuf [dreg:s7], $0x2FFFF;
	_ =	strace $0x9FFFFFFF  }
0xc3: {  	(tm) =	ssettm $0x7FFFFFFF  }
tec
execute0_lowered:
.L_overlay_start_1:
0x0: {  	(tag) =	ssettag $0x1  }
0x1: {  	s2 =	rddreg [dreg:$0x0]  }
0x2: {  	s3 =	rddreg [dreg:$0x2];
	s21 =	stileid.u32  }
0x3: {  	s0 =	srdreg.scid;
	s4 =	simm.s32 $0x0;
	s6 =	smul.u32 $0x14000, s21  }
0x4: {  	s26 =	simm.s32 $0xB100;
	s28 =	simm.s32 $0xB180;
	s11 =	smul.u32 $0x280, s21  }
0x5: {  	s7 =	sand.u32 $0x1, s0;
	[smem:$0x7FF] =	sst s4;
	s12 =	smul.u32 $0x3C00, s21  }
0x6: {  	s10 =	sadd.s32 $0x1F400, s2;
	s5 =	sadd.s32 $0x1400, s2;
	s0 =	smul.u32 $0x140000, s7  }
0x7: {  	_ =	strace $0x80000047;
	s1 =	ssub.s32 $0x2, s7;
	[dreg:$0x7] =	wrdreg s26  }
0x8: {  	s9 =	smul.u32 $0x3C000, s7;
	[dreg:$0x8] =	wrdreg s28;
	p0 =	seq.s32 s7, $0x0  }
0x9: {  	p1 =	sne.s32 s7, $0x0;
	s7 =	sshll.u32 s7, $0x4;
	[dreg:$0x10] =	wrdreg s5  }
0xa: {  	s8 =	sshrl.u32 s1, $0x1;
	s14 =	sshrl.u32 s11, $0x3;
	s13 =	sadd.s32 s6, s0  }
0xb: {  	s0 =	ssub.s32 s1, s8;
	s8 =	sor.u32 $0x40, s11;
	s1 =	sadd.s32 s12, s9  }
0xc: {  	s16 =	sadd.s32 s10, s14;
	s9 =	sadd.s32 $0x80, s11;
	s6 =	sshrl.u32 s6, $0x3  }
0xd: {  	s15 =	sshrl.u32 s8, $0x3;
	[dreg:$0x11] =	wrdreg s16;
	s12 =	sadd.s32 $0x400, s1  }
0xe: {  	s18 =	sadd.s32 $0x78400, s1;
	s19 =	sadd.s32 $0x78800, s1;
	s16 =	simm.s32 $0xB500  }
0xf: {  	s23 =	sshrl.u32 s9, $0x3;
	s0 =	smax.u32 s0, $0x1;
	[dreg:$0x9] =	wrdreg s16  }
0x10: {  	s28 =	sshrl.u32 s13, $0x3;
	s17 =	sadd.s32 s10, s15;
	[smem:$0x7F1] =	sst s0  }
0x11: {  	s12 =	sshrl.u32 s12, $0x3;
	s25 =	sadd.s32 s10, s23;
	[dreg:$0x12] =	wrdreg s17  }
0x12: {  	s14 =	sshrl.u32 s18, $0x3;
	s18 =	simm.s32 $0xB580;
	[dreg:$0x13] =	wrdreg s25  }
0x13: {  	s22 =	sshrl.u32 s19, $0x3;
	s19 =	simm.s32 $0xB280;
	[dreg:$0xb] =	wrdreg s18  }
0x14: {  	s12 =	sadd.s32 s12, s5;
	s20 =	sadd.s32 s14, s5;
	[dreg:$0xc] =	wrdreg s19  }
0x15: {  	s24 =	sadd.s32 s22, s5;
	s14 =	sadd.s32 $0xC0, s11;
	[dreg:$0x4] =	wrdreg s12  }
0x16: {  	s17 =	simm.s32 $0xB200;
	s22 =	simm.s32 $0xB300;
	[dreg:$0x5] =	wrdreg s20  }
0x17: {  	s18 =	sadd.s32 $0x1C0, s11;
	s19 =	sadd.s32 $0x200, s11;
	[dreg:$0x6] =	wrdreg s24  }
0x18: {  	s31 =	sshrl.u32 s14, $0x3;
	[dreg:$0xa] =	wrdreg s17;
	s20 =	simm.s32 $0xB600  }
0x19: {  	[dreg:$0xe] =	wrdreg s22;
	s12 =	sadd.s32 $0x180, s11;
	s15 =	sadd.s32 s10, s31  }
0x1a: {  	s24 =	sshrl.u32 s18, $0x3;
	[dreg:$0x14] =	wrdreg s15;
	s15 =	sadd.s32 $0x100, s11  }
0x1b: {  	s25 =	sshrl.u32 s19, $0x3;
	s22 =	sshll.u32 s8, $0x4;
	s16 =	sshrl.u32 s15, $0x3  }
0x1c: {  	[dreg:$0xd] =	wrdreg s20;
	s23 =	sshrl.u32 s12, $0x3;
	s16 =	sadd.s32 s10, s16  }
0x1d: {  	s20 =	simm.s32 $0xB680;
	[dreg:$0x15] =	wrdreg s16;
	s16 =	sadd.s32 $0x140, s11  }
0x1e: {  	[dreg:$0xf] =	wrdreg s20;
	s20 =	sadd.s32 $0x1FA00, s2;
	s17 =	sshrl.u32 s16, $0x3  }
0x1f: {  	s31 =	smul.u32 $0x50000, s21;
	[dreg:$0x1b] =	wrdreg s20;
	s17 =	sadd.s32 s10, s17  }
0x20: {  	s11 =	sadd.s32 $0x240, s11;
	[dreg:$0x16] =	wrdreg s17;
	s17 =	sadd.s32 s10, s23  }
0x21: {  	s26 =	sshrl.u32 s11, $0x3;
	s20 =	sshll.u32 s16, $0x7;
	[dreg:$0x17] =	wrdreg s17  }
0x22: {  	s17 =	sadd.s32 s10, s24;
	s24 =	sshll.u32 s8, $0x7;
	s8 =	sshll.u32 s15, $0x4  }
0x23: {  	[dreg:$0x18] =	wrdreg s17;
	s17 =	sadd.s32 s10, s25;
	s10 =	sadd.s32 s10, s26  }
0x24: {  	s25 =	sshll.u32 s9, $0x4;
	s26 =	sshll.u32 s9, $0x7;
	[dreg:$0x19] =	wrdreg s17  }
0x25: {  	[dreg:$0x1a] =	wrdreg s10;
	s10 =	sadd.s32 s28, s2;
	s17 =	sadd.s32 $0x1FE00, s2  }
0x26: {  	s2 =	sor.u32 s21, s7;
	s21 =	sshrl.u32 s31, $0x2;
	s28 =	sadd.s32 s26, s3  }
0x27: {  	s31 =	sshll.u32 s14, $0x4;
	s6 =	sadd.s32 s17, s6;
	[smem:$0x7E1] =	sst s28  }
0x28: {  	s7 =	sshll.u32 s14, $0x7;
	s23 =	sadd.s32 s17, s22;
	[dreg:$0x1d] =	wrdreg s6  }
0x29: {  	s14 =	sshll.u32 s15, $0x7;
	s9 =	sadd.s32 s17, s8;
	[dreg:$0x1e] =	wrdreg s23  }
0x2a: {  	s13 =	sadd.s32 s21, s3;
	s21 =	sadd.s32 s20, s3;
	[smem:$0x7E4] =	sst s9  }
0x2b: {  	s15 =	sshll.u32 s16, $0x4;
	s16 =	sadd.s32 $0x47E00, s10;
	[smem:$0x7E7] =	sst s21  }
0x2c: {  	s30 =	simm.s32 $0x3880;
	[smem:$0x7F0] =	sst s16  }
0x2d: {  	s26 =	sshll.u32 s18, $0x7;
	s6 =	sadd.s32 s24, s3;
	[dreg:$0x1c] =	wrdreg s13  }
0x2e: {  	s24 =	sshll.u32 s18, $0x4;
	s18 =	sadd.s32 $0x800, s1;
	[dreg:$0x1f] =	wrdreg s6  }
0x2f: {  	s29 =	simm.s32 $0xAF00;
	s20 =	sadd.s32 $0x2000, s13;
	[smem:$0x7F2] =	sst s18  }
0x30: {  	s0 =	simm.s32 $0x7080;
	s21 =	sadd.s32 $0x4000, s13;
	[smem:$0x7F5] =	sst s20  }
0x31: {  	s22 =	sshll.u32 s12, $0x4;
	s6 =	sadd.s32 s17, s25;
	[smem:$0x7F6] =	sst s21  }
0x32: {  	s2 =	smul.u32 $0x3C00, s2;
	s25 =	sadd.s32 s17, s24;
	[smem:$0x7E0] =	sst s6  }
0x33: {  	s28 =	sshll.u32 s19, $0x4;
	s24 =	sadd.s32 $0xA000, s13;
	[smem:$0x7EA] =	sst s25  }
0x34: {  	s2 =	sshrl.u32 s2, $0x3;
	s6 =	sadd.s32 s17, s31;
	[smem:$0x7F9] =	sst s24  }
0x35: {  	s8 =	simm.s32 $0xAA80;
	s2 =	sadd.s32 s5, s2;
	[smem:$0x7E2] =	sst s6  }
0x36: {  	s10 =	simm.s32 $0xAE00;
	s25 =	sadd.s32 $0xC000, s13;
	[smem:$0x7F3] =	sst s2  }
0x37: {  	s23 =	sshll.u32 s12, $0x7;
	s6 =	sadd.s32 s7, s3;
	[smem:$0x7FA] =	sst s25  }
0x38: {  	s31 =	sshll.u32 s19, $0x7;
	s7 =	sadd.s32 s17, s28;
	[smem:$0x7E3] =	sst s6  }
0x39: {  	s12 =	sshll.u32 s11, $0x4;
	s9 =	sadd.s32 s31, s3;
	[smem:$0x7EC] =	sst s7  }
0x3a: {  	s16 =	simm.s32 $0xB;
	s19 =	sadd.s32 $0xF000, s2;
	[smem:$0x7ED] =	sst s9  }
0x3b: {  	s21 =	simm.s32 $0x80;
	s28 =	sadd.s32 $0x10000, s13;
	[smem:$0x7F4] =	sst s19  }
0x3c: {  	s18 =	simm.s32 $0xAE80;
	s31 =	sadd.s32 $0x12000, s13;
	[smem:$0x7FC] =	sst s28  }
0x3d: {  	s5 =	simm.s32 $0xAD80;
	s6 =	sadd.s32 s14, s3;
	[smem:$0x7FD] =	sst s31  }
0x3e: {  	s14 =	sshll.u32 s11, $0x7;
	[smem:$0x7E5] =	sst s6;
	s6 =	sadd.s32 s17, s15  }
0x3f: {  	s24 =	simm.s32 $0x9;
	s15 =	sadd.s32 s14, s3;
	[smem:$0x7E6] =	sst s6  }
0x40: {  	s2 =	simm.s32 $0x4;
	s6 =	sadd.s32 s17, s22;
	[smem:$0x7EF] =	sst s15  }
0x41: {  	s19 =	simm.s32 $0x8;
	s22 =	sadd.s32 $0x6000, s13;
	[smem:$0x7E8] =	sst s6  }
0x42: {  	s9 =	simm.s32 $0xA;
	s6 =	sadd.s32 s23, s3;
	[smem:$0x7F7] =	sst s22  }
0x43: {  	s14 =	simm.s32 $0xAB00;
	s23 =	sadd.s32 $0x8000, s13;
	[smem:$0x7E9] =	sst s6  }
0x44: {  	s15 =	simm.s32 $0x6;
	s6 =	sadd.s32 s26, s3;
	[smem:$0x7F8] =	sst s23  }
0x45: {  	s22 =	simm.s32 $0x7;
	s26 =	sadd.s32 $0xE000, s13;
	[smem:$0x7EB] =	sst s6  }
0x46: {  	s6 =	sadd.s32 s17, s12;
	[smem:$0x7FB] =	sst s26;
	s12 =	simm.s32 $0x70  }
0x47: {  	s26 =	simm.s32 $0x5;
	[smem:$0x7EE] =	sst s6;
	s6 =	simm.s32 $0x0  }
.LBB2_1:
0x48: {  	[smem:$0x7DF] =	sst s6  }
0x49: {  	s1 =	simm.s32 @!p0 $0x0;
	s6 =	simm.s32 @!p0 $0x80;
	s7 =	rddreg [dreg:$0x1b]  }
0x4a: {  	[tilespmem:s6], [sflag:$0xB] =	stream.linear.gather @!p0 [hbm4b:s7+s1], $0x2000, $0x38;
	[tilespmem:$0x1F880] =	vst v63  }
0x4b: {  	s1 =	simm.s32 @!p0 $0xB  }
0x4c: {  	_ =	swait.ge @!p0 [sflag:s1], $0x2000  }
0x4d: {  	[sflag:s1] =	ssyncset.done @!p0 $0x0  }
0x4e: {  	[sflag:s1] =	ssyncadd.s32 @!p0 $0xFFFFE000  }
0x4f: {  	[spmem:s13] =	stream.linear.scatter @!p0 [tilespmem:s6], [sflag:$0xB], $0x2000, $0x38;
	[tilespmem:$0x1F880] =	vst v63  }
0x50: {  	_ =	swait.ge @!p0 [sflag:s1], $0x2000  }
0x51: {  	s7 =	sld [smem:$0x7F5]  }
0x52: {  	[sflag:s1] =	ssyncset.done @!p0 $0x0  }
0x53: {  	[sflag:s1] =	ssyncadd.s32 @!p0 $0xFFFFE000  }
0x54: {  	[spmem:s7] =	stream.linear.scatter @!p0 [tilespmem:s6], [sflag:$0xB], $0x2000, $0x38;
	[tilespmem:$0x1F880] =	vst v63  }
0x55: {  	_ =	swait.ge @!p0 [sflag:s1], $0x2000  }
0x56: {  	s7 =	sld [smem:$0x7F6]  }
0x57: {  	[sflag:s1] =	ssyncset.done @!p0 $0x0  }
0x58: {  	[sflag:s1] =	ssyncadd.s32 @!p0 $0xFFFFE000  }
0x59: {  	[spmem:s7] =	stream.linear.scatter @!p0 [tilespmem:s6], [sflag:$0xB], $0x2000, $0x38;
	[tilespmem:$0x1F880] =	vst v63  }
0x5a: {  	_ =	swait.ge @!p0 [sflag:s1], $0x2000  }
0x5b: {  	s7 =	sld [smem:$0x7F7]  }
0x5c: {  	[sflag:s1] =	ssyncset.done @!p0 $0x0  }
0x5d: {  	[sflag:s1] =	ssyncadd.s32 @!p0 $0xFFFFE000  }
0x5e: {  	[spmem:s7] =	stream.linear.scatter @!p0 [tilespmem:s6], [sflag:$0xB], $0x2000, $0x38;
	[tilespmem:$0x1F880] =	vst v63  }
0x5f: {  	_ =	swait.ge @!p0 [sflag:s1], $0x2000  }
0x60: {  	s7 =	sld [smem:$0x7F8]  }
0x61: {  	[sflag:s1] =	ssyncset.done @!p0 $0x0  }
0x62: {  	[sflag:s1] =	ssyncadd.s32 @!p0 $0xFFFFE000  }
0x63: {  	[spmem:s7] =	stream.linear.scatter @!p0 [tilespmem:s6], [sflag:$0xB], $0x2000, $0x38;
	[tilespmem:$0x1F880] =	vst v63  }
0x64: {  	_ =	swait.ge @!p0 [sflag:s1], $0x2000  }
0x65: {  	s7 =	sld [smem:$0x7F9]  }
0x66: {  	[sflag:s1] =	ssyncset.done @!p0 $0x0  }
0x67: {  	[sflag:s1] =	ssyncadd.s32 @!p0 $0xFFFFE000  }
0x68: {  	[spmem:s7] =	stream.linear.scatter @!p0 [tilespmem:s6], [sflag:$0xB], $0x2000, $0x38;
	[tilespmem:$0x1F880] =	vst v63  }
0x69: {  	_ =	swait.ge @!p0 [sflag:s1], $0x2000  }
0x6a: {  	s7 =	sld [smem:$0x7FA]  }
0x6b: {  	[sflag:s1] =	ssyncset.done @!p0 $0x0  }
0x6c: {  	[sflag:s1] =	ssyncadd.s32 @!p0 $0xFFFFE000  }
0x6d: {  	[spmem:s7] =	stream.linear.scatter @!p0 [tilespmem:s6], [sflag:$0xB], $0x2000, $0x38;
	[tilespmem:$0x1F880] =	vst v63  }
0x6e: {  	_ =	swait.ge @!p0 [sflag:s1], $0x2000  }
0x6f: {  	s7 =	sld [smem:$0x7FB]  }
0x70: {  	[sflag:s1] =	ssyncset.done @!p0 $0x0  }
0x71: {  	[sflag:s1] =	ssyncadd.s32 @!p0 $0xFFFFE000  }
0x72: {  	[spmem:s7] =	stream.linear.scatter @!p0 [tilespmem:s6], [sflag:$0xB], $0x2000, $0x38;
	[tilespmem:$0x1F880] =	vst v63  }
0x73: {  	_ =	swait.ge @!p0 [sflag:s1], $0x2000  }
0x74: {  	s7 =	sld [smem:$0x7FC]  }
0x75: {  	[sflag:s1] =	ssyncset.done @!p0 $0x0  }
0x76: {  	[sflag:s1] =	ssyncadd.s32 @!p0 $0xFFFFE000  }
0x77: {  	[spmem:s7] =	stream.linear.scatter @!p0 [tilespmem:s6], [sflag:$0xB], $0x2000, $0x38;
	[tilespmem:$0x1F880] =	vst v63  }
0x78: {  	_ =	swait.ge @!p0 [sflag:s1], $0x2000  }
0x79: {  	s7 =	sld [smem:$0x7FD]  }
0x7a: {  	[sflag:s1] =	ssyncset.done @!p0 $0x0  }
0x7b: {  	[sflag:s1] =	ssyncadd.s32 @!p0 $0xFFFFE000  }
0x7c: {  	[spmem:s7] =	stream.linear.scatter @!p0 [tilespmem:s6], [sflag:$0xB], $0x2000, $0x38;
	[tilespmem:$0x1F880] =	vst v63  }
0x7d: {  	_ =	swait.ge @!p0 [sflag:s1], $0x2000  }
0x7e: {  	[sflag:s1] =	ssyncset.done @!p0 $0x0  }
0x7f: {  	s6 =	rddreg [dreg:$0x11];
	[sflag:s1] =	ssyncadd.s32 @!p0 $0xFFFFE000  }
0x80: {  	[tilespmem:s4], [sflag:$0xB] =	stream.linear.gather [hbm4b:s6+s4], $0x40, $0x38;
	[tilespmem:$0x1F880] =	vst v63  }
0x81: {  	_ =	swait.ge [sflag:s16], $0x40  }
0x82: {  	[sflag:s16] =	ssyncset.done $0x0  }
0x83: {  	[sflag:s16] =	ssyncadd.s32 $0xFFFFFFC0  }
0x84: {  	s20 =	simm.s32 $0x40;
	s23 =	simm.s32 $0x1;
	s6 =	rddreg [dreg:$0x1]  }
0x85: {  	[tilespmem:s30], [sflag:$0x1] =	stream.indirect.gather [hbm4b:s6+s20], $0x80, s4, s20, $0xb8;
	[tilespmem:$0x1F880] =	vst v63  }
0x86: {  	_ =	swait.ge [sflag:s23], $0x2000  }
0x87: {  	[sflag:s23] =	ssyncset.done $0x0  }
0x88: {  	s7 =	rddreg [dreg:$0x12];
	[sflag:s23] =	ssyncadd.s32 $0xFFFFE000  }
0x89: {  	[tilespmem:s4], [sflag:$0xB] =	stream.linear.gather [hbm4b:s7+s4], $0x40, $0x38;
	[tilespmem:$0x1F880] =	vst v63  }
0x8a: {  	_ =	swait.ge [sflag:s16], $0x40  }
0x8b: {  	[sflag:s16] =	ssyncset.done $0x0  }
0x8c: {  	[sflag:s16] =	ssyncadd.s32 $0xFFFFFFC0  }
0x8d: {  	[tilespmem:s0], [sflag:$0x2] =	stream.indirect.gather [hbm4b:s6+s20], $0x80, s4, s20, $0xb8;
	[tilespmem:$0x1F880] =	vst v63  }
0x8e: {  	s11 =	rddreg [dreg:$0x1d]  }
0x8f: {  	[hbm4b:s11+s4] =	stream.linear.scatter [tilespmem:s30], [sflag:$0xB], $0x2000, $0x38;
	[tilespmem:$0x1F880] =	vst v63  }
0x90: {  	_ =	swait.ge [sflag:s16], $0x2000  }
0x91: {  	[sflag:s16] =	ssyncset.done $0x0  }
0x92: {  	s1 =	simm.s32 @!p1 $0xB;
	s11 =	simm.s32 @!p1 $0x3880;
	[sflag:s16] =	ssyncadd.s32 $0xFFFFE000  }
0x93: {  	[spmem:s13] =	stream.linear.scatter @!p1 [tilespmem:s11], [sflag:$0xB], $0x2000, $0x38;
	[tilespmem:$0x1F880] =	vst v63  }
0x94: {  	_ =	swait.ge @!p1 [sflag:s1], $0x2000  }
0x95: {  	[sflag:s1] =	ssyncset.done @!p1 $0x0  }
0x96: {  	s13 =	simm.s32 $0x2;
	[sflag:s1] =	ssyncadd.s32 @!p1 $0xFFFFE000  }
0x97: {  	_ =	swait.ge [sflag:s13], $0x2000  }
0x98: {  	[sflag:s13] =	ssyncset.done $0x0  }
0x99: {  	s25 =	rddreg [dreg:$0x13];
	[sflag:s13] =	ssyncadd.s32 $0xFFFFE000  }
0x9a: {  	[tilespmem:s4], [sflag:$0xB] =	stream.linear.gather [hbm4b:s25+s4], $0x40, $0x38;
	[tilespmem:$0x1F880] =	vst v63  }
0x9b: {  	_ =	swait.ge [sflag:s16], $0x40  }
0x9c: {  	[sflag:s16] =	ssyncset.done $0x0  }
0x9d: {  	[sflag:s16] =	ssyncadd.s32 $0xFFFFFFC0  }
0x9e: {  	[tilespmem:s30], [sflag:$0x1] =	stream.indirect.gather [hbm4b:s6+s20], $0x80, s4, s20, $0xb8;
	[tilespmem:$0x1F880] =	vst v63  }
0x9f: {  	s25 =	rddreg [dreg:$0x1e]  }
0xa0: {  	[hbm4b:s25+s4] =	stream.linear.scatter [tilespmem:s0], [sflag:$0xB], $0x2000, $0x38;
	[tilespmem:$0x1F880] =	vst v63  }
0xa1: {  	_ =	swait.ge [sflag:s16], $0x2000  }
0xa2: {  	[sflag:s16] =	ssyncset.done $0x0  }
0xa3: {  	s28 =	simm.s32 @!p1 $0x7080;
	s7 =	rddreg [dreg:$0x1f];
	[sflag:s16] =	ssyncadd.s32 $0xFFFFE000  }
0xa4: {  	[spmem:s7] =	stream.linear.scatter @!p1 [tilespmem:s28], [sflag:$0xB], $0x2000, $0x38;
	[tilespmem:$0x1F880] =	vst v63  }
0xa5: {  	_ =	swait.ge @!p1 [sflag:s1], $0x2000  }
0xa6: {  	[sflag:s1] =	ssyncset.done @!p1 $0x0  }
0xa7: {  	[sflag:s1] =	ssyncadd.s32 @!p1 $0xFFFFE000  }
0xa8: {  	_ =	swait.ge [sflag:s23], $0x2000  }
0xa9: {  	[sflag:s23] =	ssyncset.done $0x0  }
0xaa: {  	s25 =	rddreg [dreg:$0x14];
	[sflag:s23] =	ssyncadd.s32 $0xFFFFE000  }
0xab: {  	[tilespmem:s4], [sflag:$0xB] =	stream.linear.gather [hbm4b:s25+s4], $0x40, $0x38;
	[tilespmem:$0x1F880] =	vst v63  }
0xac: {  	_ =	swait.ge [sflag:s16], $0x40  }
0xad: {  	[sflag:s16] =	ssyncset.done $0x0  }
0xae: {  	s25 =	sld [smem:$0x7E0];
	[sflag:s16] =	ssyncadd.s32 $0xFFFFFFC0  }
0xaf: {  	[tilespmem:s0], [sflag:$0x2] =	stream.indirect.gather [hbm4b:s6+s20], $0x80, s4, s20, $0xb8;
	[tilespmem:$0x1F880] =	vst v63  }
0xb0: {  	_ = 	snop  }
0xb1: {  	[hbm4b:s25+s4] =	stream.linear.scatter [tilespmem:s30], [sflag:$0xB], $0x2000, $0x38;
	[tilespmem:$0x1F880] =	vst v63  }
0xb2: {  	_ =	swait.ge [sflag:s16], $0x2000  }
0xb3: {  	s7 =	sld [smem:$0x7E1]  }
0xb4: {  	[sflag:s16] =	ssyncset.done $0x0  }
0xb5: {  	[sflag:s16] =	ssyncadd.s32 $0xFFFFE000  }
0xb6: {  	[spmem:s7] =	stream.linear.scatter @!p1 [tilespmem:s11], [sflag:$0xB], $0x2000, $0x38;
	[tilespmem:$0x1F880] =	vst v63  }
0xb7: {  	_ =	swait.ge @!p1 [sflag:s1], $0x2000  }
0xb8: {  	[sflag:s1] =	ssyncset.done @!p1 $0x0  }
0xb9: {  	[sflag:s1] =	ssyncadd.s32 @!p1 $0xFFFFE000  }
0xba: {  	_ =	swait.ge [sflag:s13], $0x2000  }
0xbb: {  	[sflag:s13] =	ssyncset.done $0x0  }
0xbc: {  	s25 =	rddreg [dreg:$0x15];
	[sflag:s13] =	ssyncadd.s32 $0xFFFFE000  }
0xbd: {  	[tilespmem:s4], [sflag:$0xB] =	stream.linear.gather [hbm4b:s25+s4], $0x40, $0x38;
	[tilespmem:$0x1F880] =	vst v63  }
0xbe: {  	_ =	swait.ge [sflag:s16], $0x40  }
0xbf: {  	[sflag:s16] =	ssyncset.done $0x0  }
0xc0: {  	s25 =	sld [smem:$0x7E2];
	[sflag:s16] =	ssyncadd.s32 $0xFFFFFFC0  }
0xc1: {  	[tilespmem:s30], [sflag:$0x1] =	stream.indirect.gather [hbm4b:s6+s20], $0x80, s4, s20, $0xb8;
	[tilespmem:$0x1F880] =	vst v63  }
0xc2: {  	_ = 	snop  }
0xc3: {  	[hbm4b:s25+s4] =	stream.linear.scatter [tilespmem:s0], [sflag:$0xB], $0x2000, $0x38;
	[tilespmem:$0x1F880] =	vst v63  }
0xc4: {  	_ =	swait.ge [sflag:s16], $0x2000  }
0xc5: {  	s7 =	sld [smem:$0x7E3]  }
0xc6: {  	[sflag:s16] =	ssyncset.done $0x0  }
0xc7: {  	[sflag:s16] =	ssyncadd.s32 $0xFFFFE000  }
0xc8: {  	[spmem:s7] =	stream.linear.scatter @!p1 [tilespmem:s28], [sflag:$0xB], $0x2000, $0x38;
	[tilespmem:$0x1F880] =	vst v63  }
0xc9: {  	_ =	swait.ge @!p1 [sflag:s1], $0x2000  }
0xca: {  	[sflag:s1] =	ssyncset.done @!p1 $0x0  }
0xcb: {  	[sflag:s1] =	ssyncadd.s32 @!p1 $0xFFFFE000  }
0xcc: {  	_ =	swait.ge [sflag:s23], $0x2000  }
0xcd: {  	[sflag:s23] =	ssyncset.done $0x0  }
0xce: {  	s25 =	rddreg [dreg:$0x16];
	[sflag:s23] =	ssyncadd.s32 $0xFFFFE000  }
0xcf: {  	[tilespmem:s4], [sflag:$0xB] =	stream.linear.gather [hbm4b:s25+s4], $0x40, $0x38;
	[tilespmem:$0x1F880] =	vst v63  }
0xd0: {  	_ =	swait.ge [sflag:s16], $0x40  }
0xd1: {  	[sflag:s16] =	ssyncset.done $0x0  }
0xd2: {  	s25 =	sld [smem:$0x7E4];
	[sflag:s16] =	ssyncadd.s32 $0xFFFFFFC0  }
0xd3: {  	[tilespmem:s0], [sflag:$0x2] =	stream.indirect.gather [hbm4b:s6+s20], $0x80, s4, s20, $0xb8;
	[tilespmem:$0x1F880] =	vst v63  }
0xd4: {  	_ = 	snop  }
0xd5: {  	[hbm4b:s25+s4] =	stream.linear.scatter [tilespmem:s30], [sflag:$0xB], $0x2000, $0x38;
	[tilespmem:$0x1F880] =	vst v63  }
0xd6: {  	_ =	swait.ge [sflag:s16], $0x2000  }
0xd7: {  	s7 =	sld [smem:$0x7E5]  }
0xd8: {  	[sflag:s16] =	ssyncset.done $0x0  }
0xd9: {  	[sflag:s16] =	ssyncadd.s32 $0xFFFFE000  }
0xda: {  	[spmem:s7] =	stream.linear.scatter @!p1 [tilespmem:s11], [sflag:$0xB], $0x2000, $0x38;
	[tilespmem:$0x1F880] =	vst v63  }
0xdb: {  	_ =	swait.ge @!p1 [sflag:s1], $0x2000  }
0xdc: {  	[sflag:s1] =	ssyncset.done @!p1 $0x0  }
0xdd: {  	[sflag:s1] =	ssyncadd.s32 @!p1 $0xFFFFE000  }
0xde: {  	_ =	swait.ge [sflag:s13], $0x2000  }
0xdf: {  	[sflag:s13] =	ssyncset.done $0x0  }
0xe0: {  	s25 =	rddreg [dreg:$0x17];
	[sflag:s13] =	ssyncadd.s32 $0xFFFFE000  }
0xe1: {  	[tilespmem:s4], [sflag:$0xB] =	stream.linear.gather [hbm4b:s25+s4], $0x40, $0x38;
	[tilespmem:$0x1F880] =	vst v63  }
0xe2: {  	_ =	swait.ge [sflag:s16], $0x40  }
0xe3: {  	[sflag:s16] =	ssyncset.done $0x0  }
0xe4: {  	s25 =	sld [smem:$0x7E6];
	[sflag:s16] =	ssyncadd.s32 $0xFFFFFFC0  }
0xe5: {  	[tilespmem:s30], [sflag:$0x1] =	stream.indirect.gather [hbm4b:s6+s20], $0x80, s4, s20, $0xb8;
	[tilespmem:$0x1F880] =	vst v63  }
0xe6: {  	_ = 	snop  }
0xe7: {  	[hbm4b:s25+s4] =	stream.linear.scatter [tilespmem:s0], [sflag:$0xB], $0x2000, $0x38;
	[tilespmem:$0x1F880] =	vst v63  }
0xe8: {  	_ =	swait.ge [sflag:s16], $0x2000  }
0xe9: {  	s7 =	sld [smem:$0x7E7]  }
0xea: {  	[sflag:s16] =	ssyncset.done $0x0  }
0xeb: {  	[sflag:s16] =	ssyncadd.s32 $0xFFFFE000  }
0xec: {  	[spmem:s7] =	stream.linear.scatter @!p1 [tilespmem:s28], [sflag:$0xB], $0x2000, $0x38;
	[tilespmem:$0x1F880] =	vst v63  }
0xed: {  	_ =	swait.ge @!p1 [sflag:s1], $0x2000  }
0xee: {  	[sflag:s1] =	ssyncset.done @!p1 $0x0  }
0xef: {  	[sflag:s1] =	ssyncadd.s32 @!p1 $0xFFFFE000  }
0xf0: {  	_ =	swait.ge [sflag:s23], $0x2000  }
0xf1: {  	[sflag:s23] =	ssyncset.done $0x0  }
0xf2: {  	s25 =	rddreg [dreg:$0x18];
	[sflag:s23] =	ssyncadd.s32 $0xFFFFE000  }
0xf3: {  	[tilespmem:s4], [sflag:$0xB] =	stream.linear.gather [hbm4b:s25+s4], $0x40, $0x38;
	[tilespmem:$0x1F880] =	vst v63  }
0xf4: {  	_ =	swait.ge [sflag:s16], $0x40  }
0xf5: {  	[sflag:s16] =	ssyncset.done $0x0  }
0xf6: {  	s25 =	sld [smem:$0x7E8];
	[sflag:s16] =	ssyncadd.s32 $0xFFFFFFC0  }
0xf7: {  	[tilespmem:s0], [sflag:$0x2] =	stream.indirect.gather [hbm4b:s6+s20], $0x80, s4, s20, $0xb8;
	[tilespmem:$0x1F880] =	vst v63  }
0xf8: {  	_ = 	snop  }
0xf9: {  	[hbm4b:s25+s4] =	stream.linear.scatter [tilespmem:s30], [sflag:$0xB], $0x2000, $0x38;
	[tilespmem:$0x1F880] =	vst v63  }
0xfa: {  	_ =	swait.ge [sflag:s16], $0x2000  }
0xfb: {  	s7 =	sld [smem:$0x7E9]  }
0xfc: {  	[sflag:s16] =	ssyncset.done $0x0  }
0xfd: {  	[sflag:s16] =	ssyncadd.s32 $0xFFFFE000  }
0xfe: {  	[spmem:s7] =	stream.linear.scatter @!p1 [tilespmem:s11], [sflag:$0xB], $0x2000, $0x38;
	[tilespmem:$0x1F880] =	vst v63  }
0xff: {  	_ =	swait.ge @!p1 [sflag:s1], $0x2000  }
0x100: {  	[sflag:s1] =	ssyncset.done @!p1 $0x0  }
0x101: {  	[sflag:s1] =	ssyncadd.s32 @!p1 $0xFFFFE000  }
0x102: {  	_ =	swait.ge [sflag:s13], $0x2000  }
0x103: {  	[sflag:s13] =	ssyncset.done $0x0  }
0x104: {  	s25 =	rddreg [dreg:$0x19];
	[sflag:s13] =	ssyncadd.s32 $0xFFFFE000  }
0x105: {  	[tilespmem:s4], [sflag:$0xB] =	stream.linear.gather [hbm4b:s25+s4], $0x40, $0x38;
	[tilespmem:$0x1F880] =	vst v63  }
0x106: {  	_ =	swait.ge [sflag:s16], $0x40  }
0x107: {  	[sflag:s16] =	ssyncset.done $0x0  }
0x108: {  	s13 =	sld [smem:$0x7EA];
	[sflag:s16] =	ssyncadd.s32 $0xFFFFFFC0  }
0x109: {  	[tilespmem:s30], [sflag:$0x1] =	stream.indirect.gather [hbm4b:s6+s20], $0x80, s4, s20, $0xb8;
	[tilespmem:$0x1F880] =	vst v63  }
0x10a: {  	_ = 	snop  }
0x10b: {  	[hbm4b:s13+s4] =	stream.linear.scatter [tilespmem:s0], [sflag:$0xB], $0x2000, $0x38;
	[tilespmem:$0x1F880] =	vst v63  }
0x10c: {  	_ =	swait.ge [sflag:s16], $0x2000  }
0x10d: {  	s7 =	sld [smem:$0x7EB]  }
0x10e: {  	[sflag:s16] =	ssyncset.done $0x0  }
0x10f: {  	[sflag:s16] =	ssyncadd.s32 $0xFFFFE000  }
0x110: {  	[spmem:s7] =	stream.linear.scatter @!p1 [tilespmem:s28], [sflag:$0xB], $0x2000, $0x38;
	[tilespmem:$0x1F880] =	vst v63  }
0x111: {  	_ =	swait.ge @!p1 [sflag:s1], $0x2000  }
0x112: {  	[sflag:s1] =	ssyncset.done @!p1 $0x0  }
0x113: {  	[sflag:s1] =	ssyncadd.s32 @!p1 $0xFFFFE000  }
0x114: {  	_ =	swait.ge [sflag:s23], $0x2000  }
0x115: {  	[sflag:s23] =	ssyncset.done $0x0  }
0x116: {  	s25 =	rddreg [dreg:$0x1a];
	[sflag:s23] =	ssyncadd.s32 $0xFFFFE000  }
0x117: {  	[tilespmem:s4], [sflag:$0xB] =	stream.linear.gather [hbm4b:s25+s4], $0x40, $0x38;
	[tilespmem:$0x1F880] =	vst v63  }
0x118: {  	_ =	swait.ge [sflag:s16], $0x40  }
0x119: {  	[sflag:s16] =	ssyncset.done $0x0  }
0x11a: {  	s13 =	sld [smem:$0x7EC];
	[sflag:s16] =	ssyncadd.s32 $0xFFFFFFC0  }
0x11b: {  	[tilespmem:s0], [sflag:$0x2] =	stream.indirect.gather [hbm4b:s6+s20], $0x80, s4, s20, $0xb8;
	[tilespmem:$0x1F880] =	vst v63  }
0x11c: {  	_ = 	snop  }
0x11d: {  	[hbm4b:s13+s4] =	stream.linear.scatter [tilespmem:s30], [sflag:$0xB], $0x2000, $0x38;
	[tilespmem:$0x1F880] =	vst v63  }
0x11e: {  	_ =	swait.ge [sflag:s16], $0x2000  }
0x11f: {  	[sflag:s16] =	ssyncset.done $0x0  }
0x120: {  	s31 =	simm.s32 @p1 $0x2;
	[sflag:s16] =	ssyncadd.s32 $0xFFFFE000  }
0x121: {  	_ =	swait.ge @p1 [sflag:s31], $0x2000  }
0x122: {  	s7 =	sld [smem:$0x7EE]  }
0x123: {  	[sflag:s31] =	ssyncset.done @p1 $0x0  }
0x124: {  	s6 =	simm.s32 @p1 $0x7080;
	[sflag:s31] =	ssyncadd.s32 @p1 $0xFFFFE000;
	s31 =	simm.s32 @p1 $0x0  }
0x125: {  	[hbm4b:s7+s31] =	stream.linear.scatter @p1 [tilespmem:s6], [sflag:$0xB], $0x2000, $0x38;
	[tilespmem:$0x1F880] =	vst v63  }
0x126: {  	s6 =	sld [smem:$0x7ED];
	_ =	sdelay $0x2  }
0x127: {  	[spmem:s6] =	stream.linear.scatter @!p1 [tilespmem:s11], [sflag:$0xB], $0x2000, $0x38;
	[tilespmem:$0x1F880] =	vst v63  }
0x128: {  	_ =	swait.ge @!p1 [sflag:s1], $0x2000  }
0x129: {  	[sflag:s1] =	ssyncset.done @!p1 $0x0  }
0x12a: {  	s6 =	simm.s32 @!p1 $0x2;
	[sflag:s1] =	ssyncadd.s32 @!p1 $0xFFFFE000  }
0x12b: {  	_ =	swait.ge @!p1 [sflag:s6], $0x2000  }
0x12c: {  	[sflag:s6] =	ssyncset.done @!p1 $0x0  }
0x12d: {  	[sflag:s6] =	ssyncadd.s32 @!p1 $0xFFFFE000;
	s6 =	simm.s32 @!p1 $0x0  }
0x12e: {  	[hbm4b:s7+s6] =	stream.linear.scatter @!p1 [tilespmem:s28], [sflag:$0xB], $0x2000, $0x38;
	[tilespmem:$0x1F880] =	vst v63  }
0x12f: {  	_ =	swait.ge @!p1 [sflag:s1], $0x2000  }
0x130: {  	[sflag:s1] =	ssyncset.done @!p1 $0x0  }
0x131: {  	[sflag:s1] =	ssyncadd.s32 @!p1 $0xFFFFE000;
	s1 =	sld [smem:$0x7EF];
	_ =	sdelay $0x2  }
0x132: {  	[spmem:s1] =	stream.linear.scatter @!p1 [tilespmem:s28], [sflag:$0xB], $0x2000, $0x38;
	[tilespmem:$0x1F880] =	vst v63  }
0x133: {  	_ =	swait.ge [sflag:s16], $0x2000  }
0x134: {  	[sflag:s16] =	ssyncset.done $0x0  }
0x135: {  	[sflag:s16] =	ssyncadd.s32 $0xFFFFE000  }
0x136: {  	[bflag:$0x0] =	sbarrier.arrive $0xFFFF  }
0x137: {  	s16 =	sld [smem:$0x7F3]  }
0x138: {  	p2 =	por $0x1, $0x1  }
0x139: {  	p2 =	por p2, p2;
	s13 =	simm.s32 $0xA880;
	s20 =	sld [smem:$0x7F4]  }
0x13a: {  	[tilespmem:s13], [sflag:$0x3] =	stream.linear.gather [hbm4b:s16+s4], $0x400, $0x38;
	[tilespmem:$0x1F880] =	vst v63  }
0x13b: {  	s1 =	simm.s32 @p2 $0x3;
	s16 =	simm.s32 $0xAC80  }
0x13c: {  	[tilespmem:s16], [sflag:$0x3] =	stream.linear.gather [hbm4b:s20+s4], $0x400, $0x38;
	[tilespmem:$0x1F880] =	vst v63  }
0x13d: {  	_ =	swait.ge @p2 [sflag:s1], $0x400  }
0x13e: {  	[sflag:s1] =	ssyncset.done @p2 $0x0  }
0x13f: {  	[sflag:s1] =	ssyncadd.s32 @p2 $0xFFFFFC00  }
0x140: {  	_ =	swait.ge @p2 [sflag:s1], $0x400  }
0x141: {  	s6 =	simm.s32 @p2 $0x80;
	[sflag:s1] =	ssyncset.done @p2 $0x0  }
0x142: {  	s28 =	simm.s32 @p2 $0xA880;
	[sflag:s1] =	ssyncadd.s32 @p2 $0xFFFFFC00;
	s1 =	simm.s32 @p2 $0x70  }
0x143: {  	[tilespmem:s6], [sflag:$0x5] =	stream.indirect.gather @p2 [hbm4b:s17+s1], $0x80, s28, s1, $0xb8;
	[tilespmem:$0x1F880] =	vst v63  }
0x144: {  	s31 =	simm.s32 @p2 $0x3880;
	s28 =	simm.s32 @p2 $0xA900  }
0x145: {  	[tilespmem:s31], [sflag:$0x6] =	stream.indirect.gather @p2 [hbm4b:s17+s1], $0x80, s28, s1, $0xb8;
	[tilespmem:$0x1F880] =	vst v63  }
0x146: {  	s28 =	simm.s32 @p2 $0x5  }
0x147: {  	_ =	swait.ge @p2 [sflag:s28], $0x3800  }
0x148: {  	[sflag:s28] =	ssyncset.done @p2 $0x0  }
0x149: {  	s31 =	simm.s32 @!p2 $0x8;
	[sflag:s28] =	ssyncadd.s32 @p2 $0xFFFFC800;
	s28 =	simm.s32 @p2 $0xAC80  }
0x14a: {  	[spmem:s3] =	stream.indirect.scatter.add.f32 @p2 [tilespmem:s6], [sflag:$0x8], $0x80, s28, s1, $0xb8;
	[tilespmem:$0x1F880] =	vst v63  }
0x14b: {  	_ =	swait.ge @!p2 [sflag:s31], $0x3800  }
0x14c: {  	[sflag:s31] =	ssyncset.done @!p2 $0x0  }
0x14d: {  	s1 =	simm.s32 @!p2 $0x3;
	[sflag:s31] =	ssyncadd.s32 @!p2 $0xFFFFC800  }
0x14e: {  	_ =	swait.ge @!p2 [sflag:s1], $0x400  }
0x14f: {  	[sflag:s1] =	ssyncset.done @!p2 $0x0  }
0x150: {  	[sflag:s1] =	ssyncadd.s32 @!p2 $0xFFFFFC00  }
0x151: {  	_ =	swait.ge @!p2 [sflag:s1], $0x400  }
0x152: {  	s6 =	simm.s32 @!p2 $0x80;
	s28 =	simm.s32 @!p2 $0x7;
	[sflag:s1] =	ssyncset.done @!p2 $0x0  }
0x153: {  	s31 =	simm.s32 @!p2 $0xA880;
	[sflag:s1] =	ssyncadd.s32 @!p2 $0xFFFFFC00;
	s1 =	simm.s32 @!p2 $0x70  }
0x154: {  	[tilespmem:s6], [sflag:$0x5] =	stream.indirect.gather @!p2 [hbm4b:s17+s1], $0x80, s31, s1, $0xb8;
	[tilespmem:$0x1F880] =	vst v63  }
0x155: {  	_ =	swait.ge @!p2 [sflag:s28], $0x3800  }
0x156: {  	[sflag:s28] =	ssyncset.done @!p2 $0x0  }
0x157: {  	s31 =	simm.s32 @!p2 $0x7080;
	[sflag:s28] =	ssyncadd.s32 @!p2 $0xFFFFC800;
	s28 =	simm.s32 @!p2 $0xB700  }
0x158: {  	[spmem:s3] =	stream.indirect.scatter.add.f32 @!p2 [tilespmem:s31], [sflag:$0xA], $0x80, s28, s1, $0xb8;
	[tilespmem:$0x1F880] =	vst v63  }
0x159: {  	s28 =	simm.s32 @!p2 $0x9  }
0x15a: {  	_ =	swait.ge @!p2 [sflag:s28], $0x3800  }
0x15b: {  	[sflag:s28] =	ssyncset.done @!p2 $0x0  }
0x15c: {  	s31 =	simm.s32 @!p2 $0x3880;
	[sflag:s28] =	ssyncadd.s32 @!p2 $0xFFFFC800;
	s28 =	simm.s32 @!p2 $0xA900  }
0x15d: {  	[tilespmem:s31], [sflag:$0x6] =	stream.indirect.gather @!p2 [hbm4b:s17+s1], $0x80, s28, s1, $0xb8;
	[tilespmem:$0x1F880] =	vst v63  }
0x15e: {  	s28 =	simm.s32 @!p2 $0x5  }
0x15f: {  	_ =	swait.ge @!p2 [sflag:s28], $0x3800  }
0x160: {  	[sflag:s28] =	ssyncset.done @!p2 $0x0  }
0x161: {  	s31 =	simm.s32 @!p2 $0xA;
	[sflag:s28] =	ssyncadd.s32 @!p2 $0xFFFFC800;
	s28 =	simm.s32 @!p2 $0xAC80  }
0x162: {  	[spmem:s3] =	stream.indirect.scatter.add.f32 @!p2 [tilespmem:s6], [sflag:$0x8], $0x80, s28, s1, $0xb8;
	[tilespmem:$0x1F880] =	vst v63  }
0x163: {  	_ =	swait.ge @!p2 [sflag:s31], $0x3800  }
0x164: {  	s7 =	simm.s32 $0xB080;
	s23 =	rddreg [dreg:$0x4];
	[sflag:s31] =	ssyncset.done @!p2 $0x0  }
0x165: {  	s25 =	rddreg [dreg:$0x5];
	[sflag:s31] =	ssyncadd.s32 @!p2 $0xFFFFC800;
	s1 =	sadd.s32 $0x0, s23  }
0x166: {  	[tilespmem:s7], [sflag:$0x4] =	stream.linear.gather [hbm4b:s1+s4], $0x400, $0x38;
	[tilespmem:$0x1F880] =	vst v63  }
0x167: {  	s6 =	simm.s32 $0xB480;
	s11 =	sadd.s32 $0x0, s25  }
0x168: {  	[tilespmem:s6], [sflag:$0x4] =	stream.linear.gather [hbm4b:s11+s4], $0x400, $0x38;
	[tilespmem:$0x1F880] =	vst v63  }
0x169: {  	s20 =	simm.s32 $0xA980  }
0x16a: {  	[tilespmem:s0], [sflag:$0x7] =	stream.indirect.gather [hbm4b:s17+s12], $0x80, s20, s12, $0xb8;
	[tilespmem:$0x1F880] =	vst v63  }
0x16b: {  	_ =	swait.ge [sflag:s15], $0x3800  }
0x16c: {  	[sflag:s15] =	ssyncset.done $0x0  }
0x16d: {  	s23 =	simm.s32 $0xAD00;
	[sflag:s15] =	ssyncadd.s32 $0xFFFFC800  }
0x16e: {  	[spmem:s3] =	stream.indirect.scatter.add.f32 [tilespmem:s30], [sflag:$0x9], $0x80, s23, s12, $0xb8;
	[tilespmem:$0x1F880] =	vst v63  }
0x16f: {  	_ =	swait.ge [sflag:s19], $0x3800  }
0x170: {  	[sflag:s19] =	ssyncset.done $0x0  }
0x171: {  	s25 =	simm.s32 $0xAA00;
	[sflag:s19] =	ssyncadd.s32 $0xFFFFC800  }
0x172: {  	[tilespmem:s21], [sflag:$0x5] =	stream.indirect.gather [hbm4b:s17+s12], $0x80, s25, s12, $0xb8;
	[tilespmem:$0x1F880] =	vst v63  }
0x173: {  	_ =	swait.ge [sflag:s22], $0x3800  }
0x174: {  	[sflag:s22] =	ssyncset.done $0x0  }
0x175: {  	[sflag:s22] =	ssyncadd.s32 $0xFFFFC800  }
0x176: {  	[spmem:s3] =	stream.indirect.scatter.add.f32 [tilespmem:s0], [sflag:$0xA], $0x80, s5, s12, $0xb8;
	[tilespmem:$0x1F880] =	vst v63  }
0x177: {  	_ =	swait.ge [sflag:s24], $0x3800  }
0x178: {  	[sflag:s24] =	ssyncset.done $0x0  }
0x179: {  	[sflag:s24] =	ssyncadd.s32 $0xFFFFC800  }
0x17a: {  	[tilespmem:s30], [sflag:$0x6] =	stream.indirect.gather [hbm4b:s17+s12], $0x80, s8, s12, $0xb8;
	[tilespmem:$0x1F880] =	vst v63  }
0x17b: {  	_ =	swait.ge [sflag:s26], $0x3800  }
0x17c: {  	[sflag:s26] =	ssyncset.done $0x0  }
0x17d: {  	[sflag:s26] =	ssyncadd.s32 $0xFFFFC800  }
0x17e: {  	[spmem:s3] =	stream.indirect.scatter.add.f32 [tilespmem:s21], [sflag:$0x8], $0x80, s10, s12, $0xb8;
	[tilespmem:$0x1F880] =	vst v63  }
0x17f: {  	_ =	swait.ge [sflag:s9], $0x3800  }
0x180: {  	[sflag:s9] =	ssyncset.done $0x0  }
0x181: {  	[sflag:s9] =	ssyncadd.s32 $0xFFFFC800  }
0x182: {  	[tilespmem:s0], [sflag:$0x7] =	stream.indirect.gather [hbm4b:s17+s12], $0x80, s14, s12, $0xb8;
	[tilespmem:$0x1F880] =	vst v63  }
0x183: {  	_ =	swait.ge [sflag:s15], $0x3800  }
0x184: {  	[sflag:s15] =	ssyncset.done $0x0  }
0x185: {  	[sflag:s15] =	ssyncadd.s32 $0xFFFFC800  }
0x186: {  	[spmem:s3] =	stream.indirect.scatter.add.f32 [tilespmem:s30], [sflag:$0x9], $0x80, s18, s12, $0xb8;
	[tilespmem:$0x1F880] =	vst v63  }
0x187: {  	_ =	swait.ge [sflag:s19], $0x3800  }
0x188: {  	[sflag:s19] =	ssyncset.done $0x0  }
0x189: {  	[sflag:s19] =	ssyncadd.s32 $0xFFFFC800  }
0x18a: {  	_ =	swait.ge [sflag:s2], $0x400  }
0x18b: {  	[sflag:s2] =	ssyncset.done $0x0  }
0x18c: {  	[sflag:s2] =	ssyncadd.s32 $0xFFFFFC00  }
0x18d: {  	_ =	swait.ge [sflag:s2], $0x400  }
0x18e: {  	[sflag:s2] =	ssyncset.done $0x0  }
0x18f: {  	[sflag:s2] =	ssyncadd.s32 $0xFFFFFC00  }
0x190: {  	[tilespmem:s21], [sflag:$0x5] =	stream.indirect.gather [hbm4b:s17+s12], $0x80, s7, s12, $0xb8;
	[tilespmem:$0x1F880] =	vst v63  }
0x191: {  	_ =	swait.ge [sflag:s22], $0x3800  }
0x192: {  	[sflag:s22] =	ssyncset.done $0x0  }
0x193: {  	[sflag:s22] =	ssyncadd.s32 $0xFFFFC800  }
0x194: {  	[spmem:s3] =	stream.indirect.scatter.add.f32 [tilespmem:s0], [sflag:$0xA], $0x80, s29, s12, $0xb8;
	[tilespmem:$0x1F880] =	vst v63  }
0x195: {  	_ =	swait.ge [sflag:s24], $0x3800  }
0x196: {  	[sflag:s24] =	ssyncset.done $0x0  }
0x197: {  	s11 =	rddreg [dreg:$0x7];
	[sflag:s24] =	ssyncadd.s32 $0xFFFFC800  }
0x198: {  	[tilespmem:s30], [sflag:$0x6] =	stream.indirect.gather [hbm4b:s17+s12], $0x80, s11, s12, $0xb8;
	[tilespmem:$0x1F880] =	vst v63  }
0x199: {  	_ =	swait.ge [sflag:s26], $0x3800  }
0x19a: {  	[sflag:s26] =	ssyncset.done $0x0  }
0x19b: {  	[sflag:s26] =	ssyncadd.s32 $0xFFFFC800  }
0x19c: {  	[spmem:s3] =	stream.indirect.scatter.add.f32 [tilespmem:s21], [sflag:$0x8], $0x80, s6, s12, $0xb8;
	[tilespmem:$0x1F880] =	vst v63  }
0x19d: {  	_ =	swait.ge [sflag:s9], $0x3800  }
0x19e: {  	s7 =	sld [smem:$0x7F2];
	_ =	sdelay $0x2  }
0x19f: {  	[sflag:s9] =	ssyncset.done $0x0;
	s25 =	rddreg [dreg:$0x10];
	s20 =	sshrl.u32 s7, $0x3  }
0x1a0: {  	s23 =	rddreg [dreg:$0x6];
	[sflag:s9] =	ssyncadd.s32 $0xFFFFC800;
	s1 =	sadd.s32 s25, s20  }
0x1a1: {  	[tilespmem:s13], [sflag:$0x3] =	stream.linear.gather [hbm4b:s1+s4], $0x400, $0x38;
	[tilespmem:$0x1F880] =	vst v63  }
0x1a2: {  	s13 =	sadd.s32 $0x0, s23  }
0x1a3: {  	[tilespmem:s16], [sflag:$0x3] =	stream.linear.gather [hbm4b:s13+s4], $0x400, $0x38;
	[tilespmem:$0x1F880] =	vst v63  }
0x1a4: {  	s20 =	rddreg [dreg:$0x8]  }
0x1a5: {  	[tilespmem:s0], [sflag:$0x7] =	stream.indirect.gather [hbm4b:s17+s12], $0x80, s20, s12, $0xb8;
	[tilespmem:$0x1F880] =	vst v63  }
0x1a6: {  	_ =	swait.ge [sflag:s15], $0x3800  }
0x1a7: {  	[sflag:s15] =	ssyncset.done $0x0  }
0x1a8: {  	s23 =	rddreg [dreg:$0x9];
	[sflag:s15] =	ssyncadd.s32 $0xFFFFC800  }
0x1a9: {  	[spmem:s3] =	stream.indirect.scatter.add.f32 [tilespmem:s30], [sflag:$0x9], $0x80, s23, s12, $0xb8;
	[tilespmem:$0x1F880] =	vst v63  }
0x1aa: {  	_ =	swait.ge [sflag:s19], $0x3800  }
0x1ab: {  	[sflag:s19] =	ssyncset.done $0x0  }
0x1ac: {  	s6 =	rddreg [dreg:$0xa];
	[sflag:s19] =	ssyncadd.s32 $0xFFFFC800  }
0x1ad: {  	[tilespmem:s21], [sflag:$0x5] =	stream.indirect.gather [hbm4b:s17+s12], $0x80, s6, s12, $0xb8;
	[tilespmem:$0x1F880] =	vst v63  }
0x1ae: {  	_ =	swait.ge [sflag:s22], $0x3800  }
0x1af: {  	[sflag:s22] =	ssyncset.done $0x0  }
0x1b0: {  	s13 =	rddreg [dreg:$0xb];
	[sflag:s22] =	ssyncadd.s32 $0xFFFFC800  }
0x1b1: {  	[spmem:s3] =	stream.indirect.scatter.add.f32 [tilespmem:s0], [sflag:$0xA], $0x80, s13, s12, $0xb8;
	[tilespmem:$0x1F880] =	vst v63  }
0x1b2: {  	_ =	swait.ge [sflag:s24], $0x3800  }
0x1b3: {  	[sflag:s24] =	ssyncset.done $0x0  }
0x1b4: {  	s16 =	rddreg [dreg:$0xc];
	[sflag:s24] =	ssyncadd.s32 $0xFFFFC800  }
0x1b5: {  	[tilespmem:s30], [sflag:$0x6] =	stream.indirect.gather [hbm4b:s17+s12], $0x80, s16, s12, $0xb8;
	[tilespmem:$0x1F880] =	vst v63  }
0x1b6: {  	_ =	swait.ge [sflag:s26], $0x3800  }
0x1b7: {  	[sflag:s26] =	ssyncset.done $0x0  }
0x1b8: {  	s20 =	rddreg [dreg:$0xd];
	[sflag:s26] =	ssyncadd.s32 $0xFFFFC800  }
0x1b9: {  	[spmem:s3] =	stream.indirect.scatter.add.f32 [tilespmem:s21], [sflag:$0x8], $0x80, s20, s12, $0xb8;
	[tilespmem:$0x1F880] =	vst v63  }
0x1ba: {  	_ =	swait.ge [sflag:s9], $0x3800  }
0x1bb: {  	p6 =	por $0x0, $0x0;
	[sflag:s9] =	ssyncset.done $0x0  }
0x1bc: {  	s28 =	simm.s32 $0x200;
	s23 =	rddreg [dreg:$0xe];
	[sflag:s9] =	ssyncadd.s32 $0xFFFFC800  }
0x1bd: {  	[tilespmem:s0], [sflag:$0x7] =	stream.indirect.gather [hbm4b:s17+s12], $0x80, s23, s12, $0xb8;
	[tilespmem:$0x1F880] =	vst v63  }
0x1be: {  	p2 =	por p6, p6;
	s11 =	simm.s32 $0xAC80;
	_ =	swait.ge [sflag:s15], $0x3800  }
0x1bf: {  	s31 =	sadd.s32 $0x800, s7;
	s25 =	simm.s32 $0xA880;
	[sflag:s15] =	ssyncset.done $0x0  }
0x1c0: {  	s1 =	simm.s32 $0x100;
	s6 =	rddreg [dreg:$0xf];
	[sflag:s15] =	ssyncadd.s32 $0xFFFFC800  }
.LBB2_2:
0x1c1: {  	[spmem:s3] =	stream.indirect.scatter.add.f32 [tilespmem:s30], [sflag:$0x9], $0x80, s6, s12, $0xb8;
	[tilespmem:$0x1F880] =	vst v63  }
0x1c2: {  	s7 =	simm.s32 @p2 $0x3  }
0x1c3: {  	_ =	swait.ge @p2 [sflag:s7], $0x400  }
0x1c4: {  	[sflag:s7] =	ssyncset.done @p2 $0x0  }
0x1c5: {  	[sflag:s7] =	ssyncadd.s32 @p2 $0xFFFFFC00  }
0x1c6: {  	_ =	swait.ge @p2 [sflag:s7], $0x400  }
0x1c7: {  	s13 =	simm.s32 @p2 $0x80;
	[sflag:s7] =	ssyncset.done @p2 $0x0  }
0x1c8: {  	s16 =	simm.s32 @p2 $0xA880;
	[sflag:s7] =	ssyncadd.s32 @p2 $0xFFFFFC00;
	s7 =	simm.s32 @p2 $0x70  }
0x1c9: {  	[tilespmem:s13], [sflag:$0x5] =	stream.indirect.gather @p2 [hbm4b:s17+s7], $0x80, s16, s7, $0xb8;
	[tilespmem:$0x1F880] =	vst v63  }
0x1ca: {  	s20 =	simm.s32 @p2 $0x3880;
	s23 =	simm.s32 @p2 $0x5;
	s16 =	simm.s32 @p2 $0xA900  }
0x1cb: {  	[tilespmem:s20], [sflag:$0x6] =	stream.indirect.gather @p2 [hbm4b:s17+s7], $0x80, s16, s7, $0xb8;
	[tilespmem:$0x1F880] =	vst v63  }
0x1cc: {  	_ =	swait.ge @p2 [sflag:s23], $0x3800  }
0x1cd: {  	[sflag:s23] =	ssyncset.done @p2 $0x0  }
0x1ce: {  	s16 =	simm.s32 @p2 $0xAC80;
	s20 =	simm.s32 @!p2 $0x8;
	[sflag:s23] =	ssyncadd.s32 @p2 $0xFFFFC800  }
0x1cf: {  	[spmem:s3] =	stream.indirect.scatter.add.f32 @p2 [tilespmem:s13], [sflag:$0x8], $0x80, s16, s7, $0xb8;
	[tilespmem:$0x1F880] =	vst v63  }
0x1d0: {  	_ =	swait.ge @!p2 [sflag:s20], $0x3800  }
0x1d1: {  	[sflag:s20] =	ssyncset.done @!p2 $0x0  }
0x1d2: {  	s7 =	simm.s32 @!p2 $0x3;
	[sflag:s20] =	ssyncadd.s32 @!p2 $0xFFFFC800  }
0x1d3: {  	_ =	swait.ge @!p2 [sflag:s7], $0x400  }
0x1d4: {  	[sflag:s7] =	ssyncset.done @!p2 $0x0  }
0x1d5: {  	[sflag:s7] =	ssyncadd.s32 @!p2 $0xFFFFFC00  }
0x1d6: {  	_ =	swait.ge @!p2 [sflag:s7], $0x400  }
0x1d7: {  	s13 =	simm.s32 @!p2 $0x80;
	s16 =	simm.s32 @!p2 $0x7;
	[sflag:s7] =	ssyncset.done @!p2 $0x0  }
0x1d8: {  	s20 =	simm.s32 @!p2 $0xA880;
	[sflag:s7] =	ssyncadd.s32 @!p2 $0xFFFFFC00;
	s7 =	simm.s32 @!p2 $0x70  }
0x1d9: {  	[tilespmem:s13], [sflag:$0x5] =	stream.indirect.gather @!p2 [hbm4b:s17+s7], $0x80, s20, s7, $0xb8;
	[tilespmem:$0x1F880] =	vst v63  }
0x1da: {  	_ =	swait.ge @!p2 [sflag:s16], $0x3800  }
0x1db: {  	s23 =	simm.s32 @!p2 $0x7080;
	[sflag:s16] =	ssyncset.done @!p2 $0x0  }
0x1dc: {  	s20 =	simm.s32 @!p2 $0x9;
	[sflag:s16] =	ssyncadd.s32 @!p2 $0xFFFFC800;
	s16 =	simm.s32 @!p2 $0xB700  }
0x1dd: {  	[spmem:s3] =	stream.indirect.scatter.add.f32 @!p2 [tilespmem:s23], [sflag:$0xA], $0x80, s16, s7, $0xb8;
	[tilespmem:$0x1F880] =	vst v63  }
0x1de: {  	_ =	swait.ge @!p2 [sflag:s20], $0x3800  }
0x1df: {  	s16 =	simm.s32 @!p2 $0x5;
	[sflag:s20] =	ssyncset.done @!p2 $0x0  }
0x1e0: {  	s23 =	simm.s32 @!p2 $0x3880;
	[sflag:s20] =	ssyncadd.s32 @!p2 $0xFFFFC800;
	s20 =	simm.s32 @!p2 $0xA900  }
0x1e1: {  	[tilespmem:s23], [sflag:$0x6] =	stream.indirect.gather @!p2 [hbm4b:s17+s7], $0x80, s20, s7, $0xb8;
	[tilespmem:$0x1F880] =	vst v63  }
0x1e2: {  	_ =	swait.ge @!p2 [sflag:s16], $0x3800  }
0x1e3: {  	[sflag:s16] =	ssyncset.done @!p2 $0x0  }
0x1e4: {  	s20 =	simm.s32 @!p2 $0xA;
	[sflag:s16] =	ssyncadd.s32 @!p2 $0xFFFFC800;
	s16 =	simm.s32 @!p2 $0xAC80  }
0x1e5: {  	[spmem:s3] =	stream.indirect.scatter.add.f32 @!p2 [tilespmem:s13], [sflag:$0x8], $0x80, s16, s7, $0xb8;
	[tilespmem:$0x1F880] =	vst v63  }
0x1e6: {  	_ =	swait.ge @!p2 [sflag:s20], $0x3800  }
0x1e7: {  	s16 =	rddreg [dreg:$0x4]  }
0x1e8: {  	[sflag:s20] =	ssyncset.done @!p2 $0x0;
	s23 =	rddreg [dreg:$0x5]  }
0x1e9: {  	[sflag:s20] =	ssyncadd.s32 @!p2 $0xFFFFC800;
	s7 =	sadd.s32 s1, s16;
	s16 =	simm.s32 $0xB080  }
0x1ea: {  	[tilespmem:s16], [sflag:$0x4] =	stream.linear.gather [hbm4b:s7+s4], $0x400, $0x38;
	[tilespmem:$0x1F880] =	vst v63  }
0x1eb: {  	s13 =	simm.s32 $0xB480;
	s23 =	sadd.s32 s1, s23  }
0x1ec: {  	[tilespmem:s13], [sflag:$0x4] =	stream.linear.gather [hbm4b:s23+s4], $0x400, $0x38;
	[tilespmem:$0x1F880] =	vst v63  }
0x1ed: {  	s20 =	simm.s32 $0xA980  }
0x1ee: {  	[tilespmem:s0], [sflag:$0x7] =	stream.indirect.gather [hbm4b:s17+s12], $0x80, s20, s12, $0xb8;
	[tilespmem:$0x1F880] =	vst v63  }
0x1ef: {  	_ =	swait.ge [sflag:s15], $0x3800  }
0x1f0: {  	[sflag:s15] =	ssyncset.done $0x0  }
0x1f1: {  	s23 =	simm.s32 $0xAD00;
	[sflag:s15] =	ssyncadd.s32 $0xFFFFC800  }
0x1f2: {  	[spmem:s3] =	stream.indirect.scatter.add.f32 [tilespmem:s30], [sflag:$0x9], $0x80, s23, s12, $0xb8;
	[tilespmem:$0x1F880] =	vst v63  }
0x1f3: {  	_ =	swait.ge [sflag:s19], $0x3800  }
0x1f4: {  	[sflag:s19] =	ssyncset.done $0x0  }
0x1f5: {  	s20 =	simm.s32 $0xAA00;
	[sflag:s19] =	ssyncadd.s32 $0xFFFFC800  }
0x1f6: {  	[tilespmem:s21], [sflag:$0x5] =	stream.indirect.gather [hbm4b:s17+s12], $0x80, s20, s12, $0xb8;
	[tilespmem:$0x1F880] =	vst v63  }
0x1f7: {  	_ =	swait.ge [sflag:s22], $0x3800  }
0x1f8: {  	[sflag:s22] =	ssyncset.done $0x0  }
0x1f9: {  	[sflag:s22] =	ssyncadd.s32 $0xFFFFC800  }
0x1fa: {  	[spmem:s3] =	stream.indirect.scatter.add.f32 [tilespmem:s0], [sflag:$0xA], $0x80, s5, s12, $0xb8;
	[tilespmem:$0x1F880] =	vst v63  }
0x1fb: {  	_ =	swait.ge [sflag:s24], $0x3800  }
0x1fc: {  	[sflag:s24] =	ssyncset.done $0x0  }
0x1fd: {  	[sflag:s24] =	ssyncadd.s32 $0xFFFFC800  }
0x1fe: {  	[tilespmem:s30], [sflag:$0x6] =	stream.indirect.gather [hbm4b:s17+s12], $0x80, s8, s12, $0xb8;
	[tilespmem:$0x1F880] =	vst v63  }
0x1ff: {  	_ =	swait.ge [sflag:s26], $0x3800  }
0x200: {  	[sflag:s26] =	ssyncset.done $0x0  }
0x201: {  	[sflag:s26] =	ssyncadd.s32 $0xFFFFC800  }
0x202: {  	[spmem:s3] =	stream.indirect.scatter.add.f32 [tilespmem:s21], [sflag:$0x8], $0x80, s10, s12, $0xb8;
	[tilespmem:$0x1F880] =	vst v63  }
0x203: {  	_ =	swait.ge [sflag:s9], $0x3800  }
0x204: {  	[sflag:s9] =	ssyncset.done $0x0  }
0x205: {  	[sflag:s9] =	ssyncadd.s32 $0xFFFFC800  }
0x206: {  	[tilespmem:s0], [sflag:$0x7] =	stream.indirect.gather [hbm4b:s17+s12], $0x80, s14, s12, $0xb8;
	[tilespmem:$0x1F880] =	vst v63  }
0x207: {  	_ =	swait.ge [sflag:s15], $0x3800  }
0x208: {  	[sflag:s15] =	ssyncset.done $0x0  }
0x209: {  	[sflag:s15] =	ssyncadd.s32 $0xFFFFC800  }
0x20a: {  	[spmem:s3] =	stream.indirect.scatter.add.f32 [tilespmem:s30], [sflag:$0x9], $0x80, s18, s12, $0xb8;
	[tilespmem:$0x1F880] =	vst v63  }
0x20b: {  	_ =	swait.ge [sflag:s19], $0x3800  }
0x20c: {  	[sflag:s19] =	ssyncset.done $0x0  }
0x20d: {  	[sflag:s19] =	ssyncadd.s32 $0xFFFFC800  }
0x20e: {  	_ =	swait.ge [sflag:s2], $0x400  }
0x20f: {  	[sflag:s2] =	ssyncset.done $0x0  }
0x210: {  	[sflag:s2] =	ssyncadd.s32 $0xFFFFFC00  }
0x211: {  	_ =	swait.ge [sflag:s2], $0x400  }
0x212: {  	[sflag:s2] =	ssyncset.done $0x0  }
0x213: {  	[sflag:s2] =	ssyncadd.s32 $0xFFFFFC00  }
0x214: {  	[tilespmem:s21], [sflag:$0x5] =	stream.indirect.gather [hbm4b:s17+s12], $0x80, s16, s12, $0xb8;
	[tilespmem:$0x1F880] =	vst v63  }
0x215: {  	_ =	swait.ge [sflag:s22], $0x3800  }
0x216: {  	[sflag:s22] =	ssyncset.done $0x0  }
0x217: {  	[sflag:s22] =	ssyncadd.s32 $0xFFFFC800  }
0x218: {  	[spmem:s3] =	stream.indirect.scatter.add.f32 [tilespmem:s0], [sflag:$0xA], $0x80, s29, s12, $0xb8;
	[tilespmem:$0x1F880] =	vst v63  }
0x219: {  	_ =	swait.ge [sflag:s24], $0x3800  }
0x21a: {  	[sflag:s24] =	ssyncset.done $0x0  }
0x21b: {  	s23 =	rddreg [dreg:$0x7];
	[sflag:s24] =	ssyncadd.s32 $0xFFFFC800  }
0x21c: {  	[tilespmem:s30], [sflag:$0x6] =	stream.indirect.gather [hbm4b:s17+s12], $0x80, s23, s12, $0xb8;
	[tilespmem:$0x1F880] =	vst v63  }
0x21d: {  	_ =	swait.ge [sflag:s26], $0x3800  }
0x21e: {  	[sflag:s26] =	ssyncset.done $0x0  }
0x21f: {  	[sflag:s26] =	ssyncadd.s32 $0xFFFFC800  }
0x220: {  	[spmem:s3] =	stream.indirect.scatter.add.f32 [tilespmem:s21], [sflag:$0x8], $0x80, s13, s12, $0xb8;
	[tilespmem:$0x1F880] =	vst v63  }
0x221: {  	_ =	swait.ge [sflag:s9], $0x3800  }
0x222: {  	s16 =	sshrl.u32 s31, $0x3;
	[sflag:s9] =	ssyncset.done $0x0;
	s23 =	rddreg [dreg:$0x10]  }
0x223: {  	s20 =	rddreg [dreg:$0x6];
	[sflag:s9] =	ssyncadd.s32 $0xFFFFC800;
	s7 =	sadd.s32 s23, s16  }
0x224: {  	[tilespmem:s25], [sflag:$0x3] =	stream.linear.gather [hbm4b:s7+s4], $0x400, $0x38;
	[tilespmem:$0x1F880] =	vst v63  }
0x225: {  	s16 =	sadd.s32 s1, s20  }
0x226: {  	[tilespmem:s11], [sflag:$0x3] =	stream.linear.gather [hbm4b:s16+s4], $0x400, $0x38;
	[tilespmem:$0x1F880] =	vst v63  }
0x227: {  	s20 =	rddreg [dreg:$0x8]  }
0x228: {  	[tilespmem:s0], [sflag:$0x7] =	stream.indirect.gather [hbm4b:s17+s12], $0x80, s20, s12, $0xb8;
	[tilespmem:$0x1F880] =	vst v63  }
0x229: {  	_ =	swait.ge [sflag:s15], $0x3800  }
0x22a: {  	[sflag:s15] =	ssyncset.done $0x0  }
0x22b: {  	s23 =	rddreg [dreg:$0x9];
	[sflag:s15] =	ssyncadd.s32 $0xFFFFC800  }
0x22c: {  	[spmem:s3] =	stream.indirect.scatter.add.f32 [tilespmem:s30], [sflag:$0x9], $0x80, s23, s12, $0xb8;
	[tilespmem:$0x1F880] =	vst v63  }
0x22d: {  	_ =	swait.ge [sflag:s19], $0x3800  }
0x22e: {  	[sflag:s19] =	ssyncset.done $0x0  }
0x22f: {  	s7 =	rddreg [dreg:$0xa];
	[sflag:s19] =	ssyncadd.s32 $0xFFFFC800  }
0x230: {  	[tilespmem:s21], [sflag:$0x5] =	stream.indirect.gather [hbm4b:s17+s12], $0x80, s7, s12, $0xb8;
	[tilespmem:$0x1F880] =	vst v63  }
0x231: {  	_ =	swait.ge [sflag:s22], $0x3800  }
0x232: {  	[sflag:s22] =	ssyncset.done $0x0  }
0x233: {  	s13 =	rddreg [dreg:$0xb];
	[sflag:s22] =	ssyncadd.s32 $0xFFFFC800  }
0x234: {  	[spmem:s3] =	stream.indirect.scatter.add.f32 [tilespmem:s0], [sflag:$0xA], $0x80, s13, s12, $0xb8;
	[tilespmem:$0x1F880] =	vst v63  }
0x235: {  	_ =	swait.ge [sflag:s24], $0x3800  }
0x236: {  	[sflag:s24] =	ssyncset.done $0x0  }
0x237: {  	s16 =	rddreg [dreg:$0xc];
	[sflag:s24] =	ssyncadd.s32 $0xFFFFC800  }
0x238: {  	[tilespmem:s30], [sflag:$0x6] =	stream.indirect.gather [hbm4b:s17+s12], $0x80, s16, s12, $0xb8;
	[tilespmem:$0x1F880] =	vst v63  }
0x239: {  	_ =	swait.ge [sflag:s26], $0x3800  }
0x23a: {  	[sflag:s26] =	ssyncset.done $0x0  }
0x23b: {  	s20 =	rddreg [dreg:$0xd];
	[sflag:s26] =	ssyncadd.s32 $0xFFFFC800  }
0x23c: {  	[spmem:s3] =	stream.indirect.scatter.add.f32 [tilespmem:s21], [sflag:$0x8], $0x80, s20, s12, $0xb8;
	[tilespmem:$0x1F880] =	vst v63  }
0x23d: {  	s6 =	smov.u32 s28;
	s28 =	sadd.s32 $0x100, s28;
	_ =	swait.ge [sflag:s9], $0x3800  }
0x23e: {  	p3 =	sne.s32 s28, $0x700;
	[sflag:s9] =	ssyncset.done $0x0  }
.Ltmp0:
0x23f: {  	s23 =	rddreg [dreg:$0xe];
	[sflag:s9] =	ssyncadd.s32 $0xFFFFC800;
	(pc) =	sbr.rel @p3 .LBB2_2-.Ltmp0, $4  }
0x240: {  	[tilespmem:s0], [sflag:$0x7] =	stream.indirect.gather [hbm4b:s17+s12], $0x80, s23, s12, $0xb8;
	[tilespmem:$0x1F880] =	vst v63  }
0x241: {  	p4 =	seq.s32 s6, $0x0;
	_ =	swait.ge [sflag:s15], $0x3800  }
0x242: {  	p2 =	por p4, p4;
	s31 =	sadd.s32 $0x800, s31;
	[sflag:s15] =	ssyncset.done $0x0  }
0x243: {  	s1 =	smov.u32 s6;
	s6 =	rddreg [dreg:$0xf];
	[sflag:s15] =	ssyncadd.s32 $0xFFFFC800  }
0x244: {  	[spmem:s3] =	stream.indirect.scatter.add.f32 [tilespmem:s30], [sflag:$0x9], $0x80, s6, s12, $0xb8;
	[tilespmem:$0x1F880] =	vst v63  }
0x245: {  	s6 =	simm.s32 @p2 $0x3  }
0x246: {  	_ =	swait.ge @p2 [sflag:s6], $0x400  }
0x247: {  	[sflag:s6] =	ssyncset.done @p2 $0x0  }
0x248: {  	[sflag:s6] =	ssyncadd.s32 @p2 $0xFFFFFC00  }
0x249: {  	_ =	swait.ge @p2 [sflag:s6], $0x400  }
0x24a: {  	s7 =	simm.s32 @p2 $0x80;
	[sflag:s6] =	ssyncset.done @p2 $0x0  }
0x24b: {  	s13 =	simm.s32 @p2 $0xA880;
	[sflag:s6] =	ssyncadd.s32 @p2 $0xFFFFFC00;
	s6 =	simm.s32 @p2 $0x70  }
0x24c: {  	[tilespmem:s7], [sflag:$0x5] =	stream.indirect.gather @p2 [hbm4b:s17+s6], $0x80, s13, s6, $0xb8;
	[tilespmem:$0x1F880] =	vst v63  }
0x24d: {  	s16 =	simm.s32 @p2 $0x3880;
	s13 =	simm.s32 @p2 $0xA900  }
0x24e: {  	[tilespmem:s16], [sflag:$0x6] =	stream.indirect.gather @p2 [hbm4b:s17+s6], $0x80, s13, s6, $0xb8;
	[tilespmem:$0x1F880] =	vst v63  }
0x24f: {  	s13 =	simm.s32 @p2 $0x5  }
0x250: {  	_ =	swait.ge @p2 [sflag:s13], $0x3800  }
0x251: {  	[sflag:s13] =	ssyncset.done @p2 $0x0  }
0x252: {  	s16 =	simm.s32 @!p2 $0x8;
	[sflag:s13] =	ssyncadd.s32 @p2 $0xFFFFC800;
	s13 =	simm.s32 @p2 $0xAC80  }
0x253: {  	[spmem:s3] =	stream.indirect.scatter.add.f32 @p2 [tilespmem:s7], [sflag:$0x8], $0x80, s13, s6, $0xb8;
	[tilespmem:$0x1F880] =	vst v63  }
0x254: {  	_ =	swait.ge @!p2 [sflag:s16], $0x3800  }
0x255: {  	[sflag:s16] =	ssyncset.done @!p2 $0x0  }
0x256: {  	s6 =	simm.s32 @!p2 $0x3;
	[sflag:s16] =	ssyncadd.s32 @!p2 $0xFFFFC800  }
0x257: {  	_ =	swait.ge @!p2 [sflag:s6], $0x400  }
0x258: {  	[sflag:s6] =	ssyncset.done @!p2 $0x0  }
0x259: {  	[sflag:s6] =	ssyncadd.s32 @!p2 $0xFFFFFC00  }
0x25a: {  	_ =	swait.ge @!p2 [sflag:s6], $0x400  }
0x25b: {  	s7 =	simm.s32 @!p2 $0x80;
	s13 =	simm.s32 @!p2 $0x7;
	[sflag:s6] =	ssyncset.done @!p2 $0x0  }
0x25c: {  	s16 =	simm.s32 @!p2 $0xA880;
	[sflag:s6] =	ssyncadd.s32 @!p2 $0xFFFFFC00;
	s6 =	simm.s32 @!p2 $0x70  }
0x25d: {  	[tilespmem:s7], [sflag:$0x5] =	stream.indirect.gather @!p2 [hbm4b:s17+s6], $0x80, s16, s6, $0xb8;
	[tilespmem:$0x1F880] =	vst v63  }
0x25e: {  	_ =	swait.ge @!p2 [sflag:s13], $0x3800  }
0x25f: {  	[sflag:s13] =	ssyncset.done @!p2 $0x0  }
0x260: {  	s16 =	simm.s32 @!p2 $0x7080;
	[sflag:s13] =	ssyncadd.s32 @!p2 $0xFFFFC800;
	s13 =	simm.s32 @!p2 $0xB700  }
0x261: {  	[spmem:s3] =	stream.indirect.scatter.add.f32 @!p2 [tilespmem:s16], [sflag:$0xA], $0x80, s13, s6, $0xb8;
	[tilespmem:$0x1F880] =	vst v63  }
0x262: {  	s13 =	simm.s32 @!p2 $0x9  }
0x263: {  	_ =	swait.ge @!p2 [sflag:s13], $0x3800  }
0x264: {  	[sflag:s13] =	ssyncset.done @!p2 $0x0  }
0x265: {  	s16 =	simm.s32 @!p2 $0x3880;
	[sflag:s13] =	ssyncadd.s32 @!p2 $0xFFFFC800;
	s13 =	simm.s32 @!p2 $0xA900  }
0x266: {  	[tilespmem:s16], [sflag:$0x6] =	stream.indirect.gather @!p2 [hbm4b:s17+s6], $0x80, s13, s6, $0xb8;
	[tilespmem:$0x1F880] =	vst v63  }
0x267: {  	s13 =	simm.s32 @!p2 $0x5  }
0x268: {  	_ =	swait.ge @!p2 [sflag:s13], $0x3800  }
0x269: {  	[sflag:s13] =	ssyncset.done @!p2 $0x0  }
0x26a: {  	[sflag:s13] =	ssyncadd.s32 @!p2 $0xFFFFC800;
	s13 =	simm.s32 @!p2 $0xAC80  }
0x26b: {  	[spmem:s3] =	stream.indirect.scatter.add.f32 @!p2 [tilespmem:s7], [sflag:$0x8], $0x80, s13, s6, $0xb8;
	[tilespmem:$0x1F880] =	vst v63  }
0x26c: {  	s6 =	simm.s32 @!p2 $0xA  }
0x26d: {  	_ =	swait.ge @!p2 [sflag:s6], $0x3800  }
0x26e: {  	s5 =	simm.s32 $0xB080;
	s8 =	rddreg [dreg:$0x4];
	[sflag:s6] =	ssyncset.done @!p2 $0x0  }
0x26f: {  	s10 =	rddreg [dreg:$0x5];
	[sflag:s6] =	ssyncadd.s32 @!p2 $0xFFFFC800;
	s11 =	sadd.s32 s1, s8  }
0x270: {  	[tilespmem:s5], [sflag:$0x4] =	stream.linear.gather [hbm4b:s11+s4], $0x400, $0x38;
	[tilespmem:$0x1F880] =	vst v63  }
0x271: {  	s14 =	simm.s32 $0xB480;
	s13 =	sadd.s32 s1, s10  }
0x272: {  	[tilespmem:s14], [sflag:$0x4] =	stream.linear.gather [hbm4b:s13+s4], $0x400, $0x38;
	[tilespmem:$0x1F880] =	vst v63  }
0x273: {  	s8 =	simm.s32 $0xA980  }
0x274: {  	[tilespmem:s0], [sflag:$0x7] =	stream.indirect.gather [hbm4b:s17+s12], $0x80, s8, s12, $0xb8;
	[tilespmem:$0x1F880] =	vst v63  }
0x275: {  	_ =	swait.ge [sflag:s15], $0x3800  }
0x276: {  	[sflag:s15] =	ssyncset.done $0x0  }
0x277: {  	s16 =	simm.s32 $0xAD00;
	[sflag:s15] =	ssyncadd.s32 $0xFFFFC800  }
0x278: {  	[spmem:s3] =	stream.indirect.scatter.add.f32 [tilespmem:s30], [sflag:$0x9], $0x80, s16, s12, $0xb8;
	[tilespmem:$0x1F880] =	vst v63  }
0x279: {  	_ =	swait.ge [sflag:s19], $0x3800  }
0x27a: {  	[sflag:s19] =	ssyncset.done $0x0  }
0x27b: {  	s20 =	simm.s32 $0xAA00;
	[sflag:s19] =	ssyncadd.s32 $0xFFFFC800  }
0x27c: {  	[tilespmem:s21], [sflag:$0x5] =	stream.indirect.gather [hbm4b:s17+s12], $0x80, s20, s12, $0xb8;
	[tilespmem:$0x1F880] =	vst v63  }
0x27d: {  	_ =	swait.ge [sflag:s22], $0x3800  }
0x27e: {  	[sflag:s22] =	ssyncset.done $0x0  }
0x27f: {  	s23 =	simm.s32 $0xAD80;
	[sflag:s22] =	ssyncadd.s32 $0xFFFFC800  }
0x280: {  	[spmem:s3] =	stream.indirect.scatter.add.f32 [tilespmem:s0], [sflag:$0xA], $0x80, s23, s12, $0xb8;
	[tilespmem:$0x1F880] =	vst v63  }
0x281: {  	_ =	swait.ge [sflag:s24], $0x3800  }
0x282: {  	[sflag:s24] =	ssyncset.done $0x0  }
0x283: {  	s25 =	simm.s32 $0xAA80;
	[sflag:s24] =	ssyncadd.s32 $0xFFFFC800  }
0x284: {  	[tilespmem:s30], [sflag:$0x6] =	stream.indirect.gather [hbm4b:s17+s12], $0x80, s25, s12, $0xb8;
	[tilespmem:$0x1F880] =	vst v63  }
0x285: {  	_ =	swait.ge [sflag:s26], $0x3800  }
0x286: {  	[sflag:s26] =	ssyncset.done $0x0  }
0x287: {  	s28 =	simm.s32 $0xAE00;
	[sflag:s26] =	ssyncadd.s32 $0xFFFFC800  }
0x288: {  	[spmem:s3] =	stream.indirect.scatter.add.f32 [tilespmem:s21], [sflag:$0x8], $0x80, s28, s12, $0xb8;
	[tilespmem:$0x1F880] =	vst v63  }
0x289: {  	_ =	swait.ge [sflag:s9], $0x3800  }
0x28a: {  	[sflag:s9] =	ssyncset.done $0x0  }
0x28b: {  	s18 =	simm.s32 $0xAB00;
	[sflag:s9] =	ssyncadd.s32 $0xFFFFC800  }
0x28c: {  	[tilespmem:s0], [sflag:$0x7] =	stream.indirect.gather [hbm4b:s17+s12], $0x80, s18, s12, $0xb8;
	[tilespmem:$0x1F880] =	vst v63  }
0x28d: {  	_ =	swait.ge [sflag:s15], $0x3800  }
0x28e: {  	[sflag:s15] =	ssyncset.done $0x0  }
0x28f: {  	s29 =	simm.s32 $0xAE80;
	[sflag:s15] =	ssyncadd.s32 $0xFFFFC800  }
0x290: {  	[spmem:s3] =	stream.indirect.scatter.add.f32 [tilespmem:s30], [sflag:$0x9], $0x80, s29, s12, $0xb8;
	[tilespmem:$0x1F880] =	vst v63  }
0x291: {  	_ =	swait.ge [sflag:s19], $0x3800  }
0x292: {  	[sflag:s19] =	ssyncset.done $0x0  }
0x293: {  	[sflag:s19] =	ssyncadd.s32 $0xFFFFC800  }
0x294: {  	_ =	swait.ge [sflag:s2], $0x400  }
0x295: {  	[sflag:s2] =	ssyncset.done $0x0  }
0x296: {  	[sflag:s2] =	ssyncadd.s32 $0xFFFFFC00  }
0x297: {  	_ =	swait.ge [sflag:s2], $0x400  }
0x298: {  	[sflag:s2] =	ssyncset.done $0x0  }
0x299: {  	[sflag:s2] =	ssyncadd.s32 $0xFFFFFC00  }
0x29a: {  	[tilespmem:s21], [sflag:$0x5] =	stream.indirect.gather [hbm4b:s17+s12], $0x80, s5, s12, $0xb8;
	[tilespmem:$0x1F880] =	vst v63  }
0x29b: {  	_ =	swait.ge [sflag:s22], $0x3800  }
0x29c: {  	[sflag:s22] =	ssyncset.done $0x0  }
0x29d: {  	s11 =	simm.s32 $0xAF00;
	[sflag:s22] =	ssyncadd.s32 $0xFFFFC800  }
0x29e: {  	[spmem:s3] =	stream.indirect.scatter.add.f32 [tilespmem:s0], [sflag:$0xA], $0x80, s11, s12, $0xb8;
	[tilespmem:$0x1F880] =	vst v63  }
0x29f: {  	_ =	swait.ge [sflag:s24], $0x3800  }
0x2a0: {  	[sflag:s24] =	ssyncset.done $0x0  }
0x2a1: {  	s5 =	rddreg [dreg:$0x7];
	[sflag:s24] =	ssyncadd.s32 $0xFFFFC800  }
0x2a2: {  	[tilespmem:s30], [sflag:$0x6] =	stream.indirect.gather [hbm4b:s17+s12], $0x80, s5, s12, $0xb8;
	[tilespmem:$0x1F880] =	vst v63  }
0x2a3: {  	_ =	swait.ge [sflag:s26], $0x3800  }
0x2a4: {  	[sflag:s26] =	ssyncset.done $0x0  }
0x2a5: {  	[sflag:s26] =	ssyncadd.s32 $0xFFFFC800  }
0x2a6: {  	[spmem:s3] =	stream.indirect.scatter.add.f32 [tilespmem:s21], [sflag:$0x8], $0x80, s14, s12, $0xb8;
	[tilespmem:$0x1F880] =	vst v63  }
0x2a7: {  	_ =	swait.ge [sflag:s9], $0x3800  }
0x2a8: {  	s10 =	rddreg [dreg:$0x6]  }
0x2a9: {  	s7 =	sshrl.u32 s31, $0x3;
	[sflag:s9] =	ssyncset.done $0x0;
	s13 =	rddreg [dreg:$0x10]  }
0x2aa: {  	[sflag:s9] =	ssyncadd.s32 $0xFFFFC800;
	s6 =	sadd.s32 s13, s7;
	s13 =	simm.s32 $0xA880  }
0x2ab: {  	[tilespmem:s13], [sflag:$0x3] =	stream.linear.gather [hbm4b:s6+s4], $0x400, $0x38;
	[tilespmem:$0x1F880] =	vst v63  }
0x2ac: {  	s14 =	sadd.s32 s1, s10;
	s7 =	simm.s32 $0xAC80  }
0x2ad: {  	[tilespmem:s7], [sflag:$0x3] =	stream.linear.gather [hbm4b:s14+s4], $0x400, $0x38;
	[tilespmem:$0x1F880] =	vst v63  }
0x2ae: {  	s31 =	rddreg [dreg:$0x8]  }
0x2af: {  	[tilespmem:s0], [sflag:$0x7] =	stream.indirect.gather [hbm4b:s17+s12], $0x80, s31, s12, $0xb8;
	[tilespmem:$0x1F880] =	vst v63  }
0x2b0: {  	_ =	swait.ge [sflag:s15], $0x3800  }
0x2b1: {  	[sflag:s15] =	ssyncset.done $0x0  }
0x2b2: {  	s5 =	rddreg [dreg:$0x9];
	[sflag:s15] =	ssyncadd.s32 $0xFFFFC800  }
0x2b3: {  	[spmem:s3] =	stream.indirect.scatter.add.f32 [tilespmem:s30], [sflag:$0x9], $0x80, s5, s12, $0xb8;
	[tilespmem:$0x1F880] =	vst v63  }
0x2b4: {  	_ =	swait.ge [sflag:s19], $0x3800  }
0x2b5: {  	[sflag:s19] =	ssyncset.done $0x0  }
0x2b6: {  	s6 =	rddreg [dreg:$0xa];
	[sflag:s19] =	ssyncadd.s32 $0xFFFFC800  }
0x2b7: {  	[tilespmem:s21], [sflag:$0x5] =	stream.indirect.gather [hbm4b:s17+s12], $0x80, s6, s12, $0xb8;
	[tilespmem:$0x1F880] =	vst v63  }
0x2b8: {  	_ =	swait.ge [sflag:s22], $0x3800  }
0x2b9: {  	[sflag:s22] =	ssyncset.done $0x0  }
0x2ba: {  	s10 =	rddreg [dreg:$0xb];
	[sflag:s22] =	ssyncadd.s32 $0xFFFFC800  }
0x2bb: {  	[spmem:s3] =	stream.indirect.scatter.add.f32 [tilespmem:s0], [sflag:$0xA], $0x80, s10, s12, $0xb8;
	[tilespmem:$0x1F880] =	vst v63  }
0x2bc: {  	_ =	swait.ge [sflag:s24], $0x3800  }
0x2bd: {  	[sflag:s24] =	ssyncset.done $0x0  }
0x2be: {  	s14 =	rddreg [dreg:$0xc];
	[sflag:s24] =	ssyncadd.s32 $0xFFFFC800  }
0x2bf: {  	[tilespmem:s30], [sflag:$0x6] =	stream.indirect.gather [hbm4b:s17+s12], $0x80, s14, s12, $0xb8;
	[tilespmem:$0x1F880] =	vst v63  }
0x2c0: {  	_ =	swait.ge [sflag:s26], $0x3800  }
0x2c1: {  	[sflag:s26] =	ssyncset.done $0x0  }
0x2c2: {  	s31 =	rddreg [dreg:$0xd];
	[sflag:s26] =	ssyncadd.s32 $0xFFFFC800  }
0x2c3: {  	[spmem:s3] =	stream.indirect.scatter.add.f32 [tilespmem:s21], [sflag:$0x8], $0x80, s31, s12, $0xb8;
	[tilespmem:$0x1F880] =	vst v63  }
0x2c4: {  	_ =	swait.ge [sflag:s9], $0x3800  }
0x2c5: {  	[sflag:s9] =	ssyncset.done $0x0  }
0x2c6: {  	s5 =	rddreg [dreg:$0xe];
	[sflag:s9] =	ssyncadd.s32 $0xFFFFC800  }
0x2c7: {  	[tilespmem:s0], [sflag:$0x7] =	stream.indirect.gather [hbm4b:s17+s12], $0x80, s5, s12, $0xb8;
	[tilespmem:$0x1F880] =	vst v63  }
0x2c8: {  	_ =	swait.ge [sflag:s15], $0x3800  }
0x2c9: {  	[sflag:s15] =	ssyncset.done $0x0  }
0x2ca: {  	s6 =	rddreg [dreg:$0xf];
	[sflag:s15] =	ssyncadd.s32 $0xFFFFC800  }
0x2cb: {  	[spmem:s3] =	stream.indirect.scatter.add.f32 [tilespmem:s30], [sflag:$0x9], $0x80, s6, s12, $0xb8;
	[tilespmem:$0x1F880] =	vst v63  }
0x2cc: {  	_ =	swait.ge [sflag:s19], $0x3800  }
0x2cd: {  	[sflag:s19] =	ssyncset.done $0x0  }
0x2ce: {  	s10 =	simm.s32 $0x3;
	[sflag:s19] =	ssyncadd.s32 $0xFFFFC800  }
0x2cf: {  	_ =	swait.ge [sflag:s10], $0x400  }
0x2d0: {  	[sflag:s10] =	ssyncset.done $0x0  }
0x2d1: {  	[sflag:s10] =	ssyncadd.s32 $0xFFFFFC00  }
0x2d2: {  	_ =	swait.ge [sflag:s10], $0x400  }
0x2d3: {  	[sflag:s10] =	ssyncset.done $0x0  }
0x2d4: {  	[sflag:s10] =	ssyncadd.s32 $0xFFFFFC00  }
0x2d5: {  	[tilespmem:s21], [sflag:$0x5] =	stream.indirect.gather [hbm4b:s17+s12], $0x80, s13, s12, $0xb8;
	[tilespmem:$0x1F880] =	vst v63  }
0x2d6: {  	_ =	swait.ge [sflag:s22], $0x3800  }
0x2d7: {  	[sflag:s22] =	ssyncset.done $0x0  }
0x2d8: {  	s13 =	simm.s32 $0xB700;
	[sflag:s22] =	ssyncadd.s32 $0xFFFFC800  }
0x2d9: {  	[spmem:s3] =	stream.indirect.scatter.add.f32 [tilespmem:s0], [sflag:$0xA], $0x80, s13, s12, $0xb8;
	[tilespmem:$0x1F880] =	vst v63  }
0x2da: {  	_ =	swait.ge [sflag:s24], $0x3800  }
0x2db: {  	[sflag:s24] =	ssyncset.done $0x0  }
0x2dc: {  	s14 =	simm.s32 $0xA900;
	[sflag:s24] =	ssyncadd.s32 $0xFFFFC800  }
0x2dd: {  	[tilespmem:s30], [sflag:$0x6] =	stream.indirect.gather [hbm4b:s17+s12], $0x80, s14, s12, $0xb8;
	[tilespmem:$0x1F880] =	vst v63  }
0x2de: {  	_ =	swait.ge [sflag:s26], $0x3800  }
0x2df: {  	[sflag:s26] =	ssyncset.done $0x0  }
0x2e0: {  	[sflag:s26] =	ssyncadd.s32 $0xFFFFC800  }
0x2e1: {  	[spmem:s3] =	stream.indirect.scatter.add.f32 [tilespmem:s21], [sflag:$0x8], $0x80, s7, s12, $0xb8;
	[tilespmem:$0x1F880] =	vst v63  }
0x2e2: {  	_ =	swait.ge [sflag:s9], $0x3800  }
0x2e3: {  	[sflag:s9] =	ssyncset.done $0x0  }
0x2e4: {  	[sflag:s9] =	ssyncadd.s32 $0xFFFFC800  }
0x2e5: {  	[tilespmem:s0], [sflag:$0x7] =	stream.indirect.gather [hbm4b:s17+s12], $0x80, s8, s12, $0xb8;
	[tilespmem:$0x1F880] =	vst v63  }
0x2e6: {  	_ =	swait.ge [sflag:s15], $0x3800  }
0x2e7: {  	[sflag:s15] =	ssyncset.done $0x0  }
0x2e8: {  	[sflag:s15] =	ssyncadd.s32 $0xFFFFC800  }
0x2e9: {  	[spmem:s3] =	stream.indirect.scatter.add.f32 [tilespmem:s30], [sflag:$0x9], $0x80, s16, s12, $0xb8;
	[tilespmem:$0x1F880] =	vst v63  }
0x2ea: {  	_ =	swait.ge [sflag:s19], $0x3800  }
0x2eb: {  	[sflag:s19] =	ssyncset.done $0x0  }
0x2ec: {  	[sflag:s19] =	ssyncadd.s32 $0xFFFFC800  }
0x2ed: {  	[tilespmem:s21], [sflag:$0x5] =	stream.indirect.gather [hbm4b:s17+s12], $0x80, s20, s12, $0xb8;
	[tilespmem:$0x1F880] =	vst v63  }
0x2ee: {  	_ =	swait.ge [sflag:s22], $0x3800  }
0x2ef: {  	[sflag:s22] =	ssyncset.done $0x0  }
0x2f0: {  	[sflag:s22] =	ssyncadd.s32 $0xFFFFC800  }
0x2f1: {  	[spmem:s3] =	stream.indirect.scatter.add.f32 [tilespmem:s0], [sflag:$0xA], $0x80, s23, s12, $0xb8;
	[tilespmem:$0x1F880] =	vst v63  }
0x2f2: {  	_ =	swait.ge [sflag:s24], $0x3800  }
0x2f3: {  	[sflag:s24] =	ssyncset.done $0x0  }
0x2f4: {  	[sflag:s24] =	ssyncadd.s32 $0xFFFFC800  }
0x2f5: {  	[tilespmem:s30], [sflag:$0x6] =	stream.indirect.gather [hbm4b:s17+s12], $0x80, s25, s12, $0xb8;
	[tilespmem:$0x1F880] =	vst v63  }
0x2f6: {  	_ =	swait.ge [sflag:s26], $0x3800  }
0x2f7: {  	[sflag:s26] =	ssyncset.done $0x0  }
0x2f8: {  	[sflag:s26] =	ssyncadd.s32 $0xFFFFC800  }
0x2f9: {  	[spmem:s3] =	stream.indirect.scatter.add.f32 [tilespmem:s21], [sflag:$0x8], $0x80, s28, s12, $0xb8;
	[tilespmem:$0x1F880] =	vst v63  }
0x2fa: {  	_ =	swait.ge [sflag:s9], $0x3800  }
0x2fb: {  	[sflag:s9] =	ssyncset.done $0x0  }
0x2fc: {  	[sflag:s9] =	ssyncadd.s32 $0xFFFFC800  }
0x2fd: {  	[tilespmem:s0], [sflag:$0x7] =	stream.indirect.gather [hbm4b:s17+s12], $0x80, s18, s12, $0xb8;
	[tilespmem:$0x1F880] =	vst v63  }
0x2fe: {  	_ =	swait.ge [sflag:s15], $0x3800  }
0x2ff: {  	[sflag:s15] =	ssyncset.done $0x0  }
0x300: {  	[sflag:s15] =	ssyncadd.s32 $0xFFFFC800  }
0x301: {  	[spmem:s3] =	stream.indirect.scatter.add.f32 [tilespmem:s30], [sflag:$0x9], $0x80, s29, s12, $0xb8;
	[tilespmem:$0x1F880] =	vst v63  }
0x302: {  	_ =	swait.ge [sflag:s22], $0x3800  }
0x303: {  	[sflag:s22] =	ssyncset.done $0x0  }
0x304: {  	[sflag:s22] =	ssyncadd.s32 $0xFFFFC800  }
0x305: {  	[spmem:s3] =	stream.indirect.scatter.add.f32 [tilespmem:s0], [sflag:$0xA], $0x80, s11, s12, $0xb8;
	[tilespmem:$0x1F880] =	vst v63  }
0x306: {  	_ =	swait.ge [sflag:s19], $0x3800  }
0x307: {  	[sflag:s19] =	ssyncset.done $0x0  }
0x308: {  	[sflag:s19] =	ssyncadd.s32 $0xFFFFC800  }
0x309: {  	_ =	swait.ge [sflag:s24], $0x3800  }
0x30a: {  	[sflag:s24] =	ssyncset.done $0x0  }
0x30b: {  	[sflag:s24] =	ssyncadd.s32 $0xFFFFC800  }
0x30c: {  	_ =	swait.ge [sflag:s9], $0x3800  }
0x30d: {  	[sflag:s9] =	ssyncset.done $0x0  }
0x30e: {  	[sflag:s9] =	ssyncadd.s32 $0xFFFFC800  }
0x30f: {  	[bflag:$0x0] =	sbarrier.arrive $0xFFFF  }
0x310: {  	s20 =	stileid.u32;
	s25 =	sld [smem:$0x7F0]  }
0x311: {  	s1 =	sshll.u32 s20, $0x6;
	s13 =	rddreg [dreg:$0x1c]  }
0x312: {  	s16 =	simm.s32 $0xB;
	s1 =	sor.u32 $0x1C0B, s1;
	s23 =	sshrl.u32 s13, $0x3  }
0x313: {  	[hbm:s25], [sflag:s1] =	dma.local [spmem:s23], $0x2800  }
0x314: {  	_ =	swait.ge [sflag:s16], $0x2800  }
0x315: {  	s28 =	sld [smem:$0x7DF]  }
0x316: {  	s31 =	sld [smem:$0x7F1];
	_ =	sdelay $0x1  }
0x317: {  	s6 =	sadd.s32 $0x1, s28  }
0x318: {  	p2 =	sne.s32 s6, s31  }
.Ltmp1:
0x319: {  	_ = 	snop;
	(pc) =	sbr.rel @p2 .LBB2_1-.Ltmp1, $4  }
0x31a: {  	_ = 	snop  }
0x31b: {  	s5 =	simm.s32 $0xAD80;
	s10 =	simm.s32 $0xAE00  }
0x31c: {  	s14 =	simm.s32 $0xAB00;
	s8 =	simm.s32 $0xAA80;
	[sflag:s16] =	ssyncset.done $0x0  }
0x31d: {  	s18 =	simm.s32 $0xAE80;
	s29 =	simm.s32 $0xAF00;
	[sflag:s16] =	ssyncadd.s32 $0xFFFFD800  }
0x31e: {  	_ =	sfence.sel $0x180000  }
0x31f: {  	[bflag:$0x0] =	sbarrier.arrive $0xFFFF  }
0x320: {  	_ =	strace $0x90000047  }
0x321: {  	s0 =	stileid.u32;
	[bflag:$0x2] =	sbarrier.arrive $0xFFFF  }
0x322: {  	p0 =	sne.s32 s0, $0x0;
	s0 =	rddreg [dreg:$0x3]  }
0x323: {  	s0 =	sadd.s32 @!p0 $0x100000, s0  }
0x324: {  	[sflag:s0] =	ssyncadd.tile.s32 @!p0 $0x1;
	_ =	shalt  }
.Lfunc_end2:
_tile_overlayer_lowered:
.L_overlay_start_2:
0x325: {  	(tag) =	ssettag $0x2  }
0x326: {  	s0 =	rddreg [dreg:$0x0];
	s2 =	stileid.u32  }
0x327: {  	s1 =	rddreg [dreg:$0x1];
	p0 =	sne.s32 s2, $0x0  }
0x328: {  	s3 =	rddreg [dreg:$0x2];
	[bflag:$0x3] =	sbarrier.arrive $0xFFFF;
	s2 =	simm.s32 @!p0 $0x1C0B  }
0x329: {  	[timem:s3], [sflag:s2] =	dma.local @!p0 [hbm:s0], s1  }
0x32a: {  	s0 =	simm.s32 @!p0 $0xB  }
0x32b: {  	_ =	swait.ge @!p0 [sflag:s0], s1  }
0x32c: {  	s1 =	ssub.s32 @!p0 $0x0, s1;
	[sflag:s0] =	ssyncset.done @!p0 $0x0  }
0x32d: {  	[sflag:s0] =	ssyncadd.s32 @!p0 s1  }
0x32e: {  	[bflag:$0x3] =	sbarrier.arrive $0xFFFF  }
0x32f: {  	_ =	shalt  }

</sc_bundles>
